<compile_context>
chip_gen: v7x
topology: tpu7x:2x2x1
jax: 0.10.2.dev20260603
libtpu: 0.0.44.dev20260713+nightly
codegen_flags: <defaults>
</compile_context>

<pallas_src>
import functools

import jax
import jax.numpy as jnp
from jax import lax
from jax.experimental import pallas as pl
from jax.experimental.pallas import tpu as pltpu
from jax.experimental.pallas import tpu_sc as plsc

N = 10000
E = 160000
F = 256

NP = 10240
EP = 163840
CHUNK = 128
NCHUNKS = EP // CHUNK
ROWS_PER_TILE = NP // 16
DUMMY_DST = 10200
BM = 512
HALF = 128

_MESH = plsc.VectorSubcoreMesh(core_axis_name="c", subcore_axis_name="s")



def _mm_body(x_ref, w_ref, o_ref):
    o_ref[...] = jnp.dot(x_ref[...], w_ref[...],
                         preferred_element_type=jnp.float32)


def _matmul(x, w):
    return pl.pallas_call(
        _mm_body,
        grid=(N // 400,),
        in_specs=[
            pl.BlockSpec((400, F), lambda i: (i, 0)),
            pl.BlockSpec((F, F), lambda i: (0, 0)),
        ],
        out_specs=pl.BlockSpec((400, F), lambda i: (i, 0)),
        out_shape=jax.ShapeDtypeStruct((NP, F), jnp.float32),
    )(x, w)


def _scale_body(h_ref, da_ref, db_ref, glo_ref, ghi_ref, dinv_ref):
    deg = da_ref[...] + db_ref[...] + 1.0
    dinv = lax.rsqrt(deg)
    g = h_ref[...] * dinv
    glo_ref[...] = g[:, :HALF]
    ghi_ref[...] = g[:, HALF:]
    dinv_ref[...] = dinv


def _scale_split(h, da, db):
    return pl.pallas_call(
        _scale_body,
        grid=(NP // BM,),
        in_specs=[
            pl.BlockSpec((BM, F), lambda i: (i, 0)),
            pl.BlockSpec((BM, 1), lambda i: (i, 0)),
            pl.BlockSpec((BM, 1), lambda i: (i, 0)),
        ],
        out_specs=[
            pl.BlockSpec((BM, HALF), lambda i: (i, 0)),
            pl.BlockSpec((BM, HALF), lambda i: (i, 0)),
            pl.BlockSpec((BM, 1), lambda i: (i, 0)),
        ],
        out_shape=[
            jax.ShapeDtypeStruct((NP, HALF), jnp.float32),
            jax.ShapeDtypeStruct((NP, HALF), jnp.float32),
            jax.ShapeDtypeStruct((NP, 1), jnp.float32),
        ],
    )(h, da, db)


def _mid_body(lo_ref, hi_ref, dinv_ref, b_ref, w_ref, glo_ref, ghi_ref):
    acc = jnp.concatenate([lo_ref[...], hi_ref[...]], axis=1)
    dinv = dinv_ref[...]
    h = jnp.maximum(acc * dinv + b_ref[...], 0.0)
    g = jnp.dot(h, w_ref[...], preferred_element_type=jnp.float32) * dinv
    glo_ref[...] = g[:, :HALF]
    ghi_ref[...] = g[:, HALF:]


def _mid_layer(acc_lo, acc_hi, dinv, b1, w2):
    return pl.pallas_call(
        _mid_body,
        grid=(NP // BM,),
        in_specs=[
            pl.BlockSpec((BM, HALF), lambda i: (i, 0)),
            pl.BlockSpec((BM, HALF), lambda i: (i, 0)),
            pl.BlockSpec((BM, 1), lambda i: (i, 0)),
            pl.BlockSpec((1, F), lambda i: (0, 0)),
            pl.BlockSpec((F, F), lambda i: (0, 0)),
        ],
        out_specs=[
            pl.BlockSpec((BM, HALF), lambda i: (i, 0)),
            pl.BlockSpec((BM, HALF), lambda i: (i, 0)),
        ],
        out_shape=[
            jax.ShapeDtypeStruct((NP, HALF), jnp.float32),
            jax.ShapeDtypeStruct((NP, HALF), jnp.float32),
        ],
    )(acc_lo, acc_hi, dinv, b1, w2)


def _final_body(lo_ref, hi_ref, dinv_ref, b_ref, o_ref):
    acc = jnp.concatenate([lo_ref[...], hi_ref[...]], axis=1)
    o_ref[...] = acc * dinv_ref[...] + b_ref[...]


def _final_layer(acc_lo, acc_hi, dinv, b2):
    return pl.pallas_call(
        _final_body,
        grid=(NP // BM,),
        in_specs=[
            pl.BlockSpec((BM, HALF), lambda i: (i, 0)),
            pl.BlockSpec((BM, HALF), lambda i: (i, 0)),
            pl.BlockSpec((BM, 1), lambda i: (i, 0)),
            pl.BlockSpec((1, F), lambda i: (0, 0)),
        ],
        out_specs=pl.BlockSpec((BM, F), lambda i: (i, 0)),
        out_shape=jax.ShapeDtypeStruct((NP, F), jnp.float32),
    )(acc_lo, acc_hi, dinv, b2)



def _hist_body(dst2d_hbm, out_hbm, deg_sh, zbuf, dstv, onesv):
    c = lax.axis_index("c")
    s = lax.axis_index("s")

    def fill(i, _):
        zbuf[pl.ds(i * 16, 16)] = jnp.zeros((16,), jnp.float32)
        onesv[pl.ds(i * 16, 16)] = jnp.ones((16,), jnp.float32)
        return 0

    lax.fori_loop(0, ROWS_PER_TILE // 16, fill, 0)
    pltpu.sync_copy(zbuf, deg_sh.at[pl.ds(s * ROWS_PER_TILE, ROWS_PER_TILE)])
    plsc.subcore_barrier()

    half_chunks = NCHUNKS // 2
    per_tile = half_chunks // 16
    row0 = c * half_chunks + s * per_tile
    pltpu.sync_copy(dst2d_hbm.at[pl.ds(row0, per_tile)], dstv)

    def body(j, _):
        pltpu.sync_copy(onesv.at[pl.ds(0, CHUNK)], deg_sh.at[dstv.at[j]],
                        add=True)
        return 0

    lax.fori_loop(0, per_tile, body, 0)
    plsc.subcore_barrier()
    pltpu.sync_copy(deg_sh.at[pl.ds(s * ROWS_PER_TILE, ROWS_PER_TILE)],
                    out_hbm.at[c, s])


_histogram = pl.kernel(
    _hist_body,
    out_type=jax.ShapeDtypeStruct((2, 16, ROWS_PER_TILE), jnp.float32),
    mesh=_MESH,
    scratch_types=[
        pltpu.VMEM_SHARED((NP,), jnp.float32),
        pltpu.VMEM((ROWS_PER_TILE,), jnp.float32),
        pltpu.VMEM((NCHUNKS // 32, CHUNK), jnp.int32),
        pltpu.VMEM((ROWS_PER_TILE,), jnp.float32),
    ],
)


def _scatter_body(glo_hbm, ghi_hbm, src_hbm, dst2d_hbm,
                  acclo_hbm, acchi_hbm,
                  accum_sh, srcv, dstv, rows, sg, ss):
    c = lax.axis_index("c")
    s = lax.axis_index("s")
    per_tile = NCHUNKS // 16

    phase_len = per_tile // 2

    def run(g_hbm, out_hbm):
        row0 = s * ROWS_PER_TILE
        pltpu.sync_copy(g_hbm.at[pl.ds(row0, ROWS_PER_TILE)],
                        accum_sh.at[pl.ds(row0, ROWS_PER_TILE)])
        plsc.subcore_barrier()

        for h in range(2):
            c0 = s * per_tile + h * phase_len
            pltpu.sync_copy(
                src_hbm.at[pl.ds(c0 * CHUNK, phase_len * CHUNK)], srcv)
            pltpu.sync_copy(dst2d_hbm.at[pl.ds(c0, phase_len)], dstv)
            pltpu.async_copy(g_hbm.at[srcv.at[pl.ds(0, CHUNK)]],
                             rows.at[0], sg)

            def body(j, _):
                b = lax.rem(j, 2)
                pltpu.make_async_copy(
                    g_hbm.at[srcv.at[pl.ds(j * CHUNK, CHUNK)]],
                    rows.at[b], sg).wait()
                pltpu.async_copy(rows.at[b], accum_sh.at[dstv.at[j]], ss,
                                 add=True)

                @pl.when(j >= 1)
                def _():
                    pltpu.make_async_copy(
                        rows.at[1 - b],
                        accum_sh.at[dstv.at[j - 1]], ss).wait()

                @pl.when(j + 1 < phase_len)
                def _():
                    pltpu.async_copy(
                        g_hbm.at[srcv.at[pl.ds((j + 1) * CHUNK, CHUNK)]],
                        rows.at[1 - b], sg)

                return 0

            lax.fori_loop(0, phase_len, body, 0)
            pltpu.make_async_copy(
                rows.at[(phase_len - 1) % 2],
                accum_sh.at[dstv.at[phase_len - 1]], ss).wait()

        plsc.subcore_barrier()
        pltpu.sync_copy(accum_sh.at[pl.ds(row0, ROWS_PER_TILE)],
                        out_hbm.at[pl.ds(row0, ROWS_PER_TILE)])

    @pl.when(c == 0)
    def _():
        run(glo_hbm, acclo_hbm)

    @pl.when(c == 1)
    def _():
        run(ghi_hbm, acchi_hbm)


_scatter = pl.kernel(
    _scatter_body,
    out_type=[
        jax.ShapeDtypeStruct((NP, HALF), jnp.float32),
        jax.ShapeDtypeStruct((NP, HALF), jnp.float32),
    ],
    mesh=_MESH,
    scratch_types=[
        pltpu.VMEM_SHARED((NP, HALF), jnp.float32),
        pltpu.VMEM((EP // 32,), jnp.int32),
        pltpu.VMEM((NCHUNKS // 32, CHUNK), jnp.int32),
        pltpu.VMEM((2, CHUNK, HALF), jnp.float32),
        pltpu.SemaphoreType.DMA,
        pltpu.SemaphoreType.DMA,
    ],
)



@jax.jit
def kernel(x, edge_index, W1, b1, W2, b2):
    pad_e = EP - E
    src = jnp.concatenate(
        [edge_index[0], jnp.zeros((pad_e,), edge_index.dtype)]
    ).astype(jnp.int32)
    dst = jnp.concatenate(
        [edge_index[1], jnp.full((pad_e,), DUMMY_DST, edge_index.dtype)]
    ).astype(jnp.int32)
    dst2d = dst.reshape(NCHUNKS, CHUNK)

    b1r = b1.reshape(1, F)
    b2r = b2.reshape(1, F)

    hist = _histogram(dst2d)
    da = hist[0].reshape(NP, 1)
    db = hist[1].reshape(NP, 1)

    h1 = _matmul(x, W1)
    g1_lo, g1_hi, dinv = _scale_split(h1, da, db)
    a1_lo, a1_hi = _scatter(g1_lo, g1_hi, src, dst2d)
    g2_lo, g2_hi = _mid_layer(a1_lo, a1_hi, dinv, b1r, W2)
    a2_lo, a2_hi = _scatter(g2_lo, g2_hi, src, dst2d)
    out = _final_layer(a2_lo, a2_hi, dinv, b2r)
    return out[:N]

# --- scband reference (transcript-rebuilt; emitter-appended) ---
"""Pipeline reference for scband-gcn-body-5085241279099 (READ-ONLY COPY).

The authoritative reference and input builder live on the scoring server;
editing this copy changes nothing except your own understanding.
"""

import jax, jax.numpy as jnp
import numpy as np

N_NODES = 10000
N_EDGES = 160000
NFEAT = 256
NHID = 256


def setup_inputs(seed: int = 0) -> dict:
    key = jax.random.key(seed)
    k1, k2, k3, k4, k5, k6 = jax.random.split(key, 6)
    x = jax.random.normal(k1, (N_NODES, NFEAT), dtype=jnp.float32)
    edge_index = jax.random.randint(k2, (2, N_EDGES), 0, N_NODES, dtype=jnp.int64)
    # GCNConv params (glorot weight, zero bias like PyG defaults)
    s1 = (6.0 / (NFEAT + NHID)) ** 0.5
    W1 = jax.random.uniform(k3, (NFEAT, NHID), minval=-s1, maxval=s1, dtype=jnp.float32)
    b1 = jnp.zeros((NHID,), dtype=jnp.float32)
    s2 = (6.0 / (NHID + NHID)) ** 0.5
    W2 = jax.random.uniform(k4, (NHID, NHID), minval=-s2, maxval=s2, dtype=jnp.float32)
    b2 = jnp.zeros((NHID,), dtype=jnp.float32)
    return {"x": x, "edge_index": edge_index, "W1": W1, "b1": b1, "W2": W2, "b2": b2}


def _gcn_conv(x, edge_index, W, b):
    # Faithful PyG GCNConv: add self-loops, symmetric normalization,
    # message = norm * (x @ W)[src], scatter-add to dst, then + bias.
    N = x.shape[0]
    loop = jnp.arange(N, dtype=edge_index.dtype)
    src = jnp.concatenate([edge_index[0], loop])
    dst = jnp.concatenate([edge_index[1], loop])
    h = x @ W
    deg = jnp.zeros((N,), dtype=h.dtype).at[dst].add(1.0)
    deg_inv_sqrt = jnp.where(deg > 0, deg ** -0.5, 0.0)
    norm = deg_inv_sqrt[src] * deg_inv_sqrt[dst]
    msg = h[src] * norm[:, None]
    out = jnp.zeros((N, W.shape[1]), dtype=h.dtype).at[dst].add(msg)
    return out + b


def reference(x, edge_index, W1, b1, W2, b2):
    h = jax.nn.relu(_gcn_conv(x, edge_index, W1, b1))
    # dropout is identity in eval mode
    out = _gcn_conv(h, edge_index, W2, b2)
    return out

if __name__ == "__main__":
    import jax
    _d = setup_inputs()
    print(jax.jit(kernel)(*tuple(_d.values())))

</pallas_src>

<mosaic_0001>
#map = affine_map<(d0, d1) -> (0, 0)>
#map1 = affine_map<(d0, d1) -> (0)>
module attributes {stable_mosaic.version = 14 : i64} {
  func.func @_scatter_body(%arg0: i32, %arg1: i32, %arg2: memref<10240x128xf32, #tpu.memory_space<hbm>>, %arg3: memref<10240x128xf32, #tpu.memory_space<hbm>>, %arg4: memref<163840xi32, #tpu.memory_space<hbm>>, %arg5: memref<1280x128xi32, #tpu.memory_space<hbm>>, %arg6: memref<10240x128xf32, #tpu.memory_space<hbm>>, %arg7: memref<10240x128xf32, #tpu.memory_space<hbm>>, %arg8: memref<10240x128xf32, #tpu.memory_space<vmem_shared>>, %arg9: memref<5120xi32, #tpu.memory_space<vmem>>, %arg10: memref<40x128xi32, #tpu.memory_space<vmem>>, %arg11: memref<2x128x128xf32, #tpu.memory_space<vmem>>, %arg12: memref<!tpu.dma_semaphore, #tpu.memory_space<semaphore_mem>>, %arg13: memref<!tpu.dma_semaphore, #tpu.memory_space<semaphore_mem>>) attributes {dimension_semantics = [#tpu.dimension_semantics<core_parallel>, #tpu.dimension_semantics<subcore_parallel>], iteration_bounds = array<i64: 2, 16>, scalar_prefetch = 0 : i64, scratch_operands = 6 : i64, tpu.core_type = #tpu.core_type<sc_vector_subcore>, window_params = [{transform_indices = #map}, {transform_indices = #map}, {transform_indices = #map1}, {transform_indices = #map}, {transform_indices = #map}, {transform_indices = #map}]} {
    %eq3A = arith.constant 0 : i32
    %eq3A_0 = arith.cmpi eq, %arg0, %eq3A : i32
    %convert_element_type3A = arith.extui %eq3A_0 : i1 to i32
    %cond3A = arith.constant 0 : i32
    %cond3A_1 = arith.cmpi ne, %convert_element_type3A, %cond3A : i32
    scf.if %cond3A_1 {
      %mul3A = arith.constant 640 : i32
      %mul3A_7 = arith.muli %arg1, %mul3A : i32
      "tpu.region"() ({
        %run_scoped3A = tpu.sem_alloc : memref<!tpu.dma_semaphore, #tpu.memory_space<semaphore_mem>>
        %dma_start3A_75 = arith.constant 0 : i32
        %dma_start3A_76 = tpu.memref_slice %arg8[%mul3A_7, %dma_start3A_75] : memref<10240x128xf32, #tpu.memory_space<vmem_shared>> -> memref<640x128xf32, #tpu.memory_space<vmem_shared>>
        %dma_start3A_77 = arith.constant 0 : i32
        %dma_start3A_78 = tpu.memref_slice %arg2[%mul3A_7, %dma_start3A_77] : memref<10240x128xf32, #tpu.memory_space<hbm>> -> memref<640x128xf32, #tpu.memory_space<hbm>>
        tpu.enqueue_dma source(%dma_start3A_78 : memref<640x128xf32, #tpu.memory_space<hbm>>) target(%dma_start3A_76 : memref<640x128xf32, #tpu.memory_space<vmem_shared>>) target_semaphore(%run_scoped3A : memref<!tpu.dma_semaphore, #tpu.memory_space<semaphore_mem>>)
        %dma_wait3A_79 = arith.constant 0 : i32
        %dma_wait3A_80 = tpu.memref_slice %arg8[%mul3A_7, %dma_wait3A_79] : memref<10240x128xf32, #tpu.memory_space<vmem_shared>> -> memref<640x128xf32, #tpu.memory_space<vmem_shared>>
        %dma_wait3A_81 = arith.constant 0 : i32
        %dma_wait3A_82 = tpu.memref_slice %arg2[%mul3A_7, %dma_wait3A_81] : memref<10240x128xf32, #tpu.memory_space<hbm>> -> memref<640x128xf32, #tpu.memory_space<hbm>>
        tpu.wait_dma2 semaphore(%run_scoped3A : memref<!tpu.dma_semaphore, #tpu.memory_space<semaphore_mem>>) src(%dma_wait3A_82 : memref<640x128xf32, #tpu.memory_space<hbm>>) dst(%dma_wait3A_80 : memref<640x128xf32, #tpu.memory_space<vmem_shared>>)
        tpu.yield
      }) : () -> ()
      %barrier3A = arith.constant 0 : index
      tpu.barrier barrier_id(%barrier3A)
      %mul3A_8 = arith.constant 80 : i32
      %mul3A_9 = arith.muli %arg1, %mul3A_8 : i32
      %add3A = arith.constant 0 : i32
      %add3A_10 = arith.addi %mul3A_9, %add3A : i32
      %mul3A_11 = arith.constant 128 : i32
      %mul3A_12 = arith.muli %add3A_10, %mul3A_11 : i32
      "tpu.region"() ({
        %run_scoped3A = tpu.sem_alloc : memref<!tpu.dma_semaphore, #tpu.memory_space<semaphore_mem>>
        %dma_start3A_75 = tpu.memref_slice %arg4[%mul3A_12] : memref<163840xi32, #tpu.memory_space<hbm>> -> memref<5120xi32, #tpu.memory_space<hbm>>
        %dma_start3A_76 = tpu.memref_slice %arg4[%mul3A_12] : memref<163840xi32, #tpu.memory_space<hbm>> -> memref<5120xi32, #tpu.memory_space<hbm>>
        tpu.enqueue_dma source(%dma_start3A_76 : memref<5120xi32, #tpu.memory_space<hbm>>) target(%arg9 : memref<5120xi32, #tpu.memory_space<vmem>>) target_semaphore(%run_scoped3A : memref<!tpu.dma_semaphore, #tpu.memory_space<semaphore_mem>>)
        %dma_wait3A_77 = tpu.memref_slice %arg4[%mul3A_12] : memref<163840xi32, #tpu.memory_space<hbm>> -> memref<5120xi32, #tpu.memory_space<hbm>>
        %dma_wait3A_78 = tpu.memref_slice %arg4[%mul3A_12] : memref<163840xi32, #tpu.memory_space<hbm>> -> memref<5120xi32, #tpu.memory_space<hbm>>
        tpu.wait_dma2 semaphore(%run_scoped3A : memref<!tpu.dma_semaphore, #tpu.memory_space<semaphore_mem>>) src(%dma_wait3A_78 : memref<5120xi32, #tpu.memory_space<hbm>>) dst(%arg9 : memref<5120xi32, #tpu.memory_space<vmem>>)
        tpu.yield
      }) : () -> ()
      "tpu.region"() ({
        %run_scoped3A = tpu.sem_alloc : memref<!tpu.dma_semaphore, #tpu.memory_space<semaphore_mem>>
        %dma_start3A_75 = arith.constant 0 : i32
        %dma_start3A_76 = tpu.memref_slice %arg5[%add3A_10, %dma_start3A_75] : memref<1280x128xi32, #tpu.memory_space<hbm>> -> memref<40x128xi32, #tpu.memory_space<hbm>>
        %dma_start3A_77 = arith.constant 0 : i32
        %dma_start3A_78 = tpu.memref_slice %arg5[%add3A_10, %dma_start3A_77] : memref<1280x128xi32, #tpu.memory_space<hbm>> -> memref<40x128xi32, #tpu.memory_space<hbm>>
        tpu.enqueue_dma source(%dma_start3A_78 : memref<40x128xi32, #tpu.memory_space<hbm>>) target(%arg10 : memref<40x128xi32, #tpu.memory_space<vmem>>) target_semaphore(%run_scoped3A : memref<!tpu.dma_semaphore, #tpu.memory_space<semaphore_mem>>)
        %dma_wait3A_79 = arith.constant 0 : i32
        %dma_wait3A_80 = tpu.memref_slice %arg5[%add3A_10, %dma_wait3A_79] : memref<1280x128xi32, #tpu.memory_space<hbm>> -> memref<40x128xi32, #tpu.memory_space<hbm>>
        %dma_wait3A_81 = arith.constant 0 : i32
        %dma_wait3A_82 = tpu.memref_slice %arg5[%add3A_10, %dma_wait3A_81] : memref<1280x128xi32, #tpu.memory_space<hbm>> -> memref<40x128xi32, #tpu.memory_space<hbm>>
        tpu.wait_dma2 semaphore(%run_scoped3A : memref<!tpu.dma_semaphore, #tpu.memory_space<semaphore_mem>>) src(%dma_wait3A_82 : memref<40x128xi32, #tpu.memory_space<hbm>>) dst(%arg10 : memref<40x128xi32, #tpu.memory_space<vmem>>)
        tpu.yield
      }) : () -> ()
      %dma_start3A = arith.constant 0 : i32
      %dma_start3A_13 = arith.constant 0 : i32
      %dma_start3A_14 = arith.constant 0 : i32
      %dma_start3A_15 = tpu.memref_slice %arg11[%dma_start3A, %dma_start3A_13, %dma_start3A_14] : memref<2x128x128xf32, #tpu.memory_space<vmem>> -> memref<1x128x128xf32, #tpu.memory_space<vmem>>
      %dma_start3A_16 = tpu.memref_squeeze %dma_start3A_15 : memref<1x128x128xf32, #tpu.memory_space<vmem>> -> memref<128x128xf32, #tpu.memory_space<vmem>>
      %dma_start3A_17 = arith.constant 0 : i32
      %dma_start3A_18 = tpu.memref_slice %arg9[%dma_start3A_17] : memref<5120xi32, #tpu.memory_space<vmem>> -> memref<128xi32, #tpu.memory_space<vmem>>
      %dma_start3A_19 = arith.constant 0 : i32
      %dma_start3A_20 = arith.constant 0 : i32
      %dma_start3A_21 = tpu.memref_slice %arg2[%dma_start3A_19, %dma_start3A_20] : memref<10240x128xf32, #tpu.memory_space<hbm>> -> memref<10240x128xf32, #tpu.memory_space<hbm>>
      tpu.enqueue_indirect_dma source(%dma_start3A_21 : memref<10240x128xf32, #tpu.memory_space<hbm>>) target(%dma_start3A_16 : memref<128x128xf32, #tpu.memory_space<vmem>>) offsets(%dma_start3A_18 : memref<128xi32, #tpu.memory_space<vmem>>) semaphore(%arg12 : memref<!tpu.dma_semaphore, #tpu.memory_space<semaphore_mem>>)
      %scan3A = arith.constant 0 : i32
      %scan3A_22 = arith.constant 0 : i32
      %scan3A_23 = arith.constant 40 : i32
      %scan3A_24 = arith.addi %scan3A_22, %scan3A_23 : i32
      %scan3A_25 = arith.constant 1 : i32
      %scan3A_26 = scf.for %scan3A_75 = %scan3A_22 to %scan3A_24 step %scan3A_25 iter_args(%scan3A_76 = %scan3A) -> (i32)  : i32 {
        %rem3A = arith.constant 2 : i32
        %rem3A_77 = arith.remsi %scan3A_75, %rem3A : i32
        %mul3A_78 = arith.constant 128 : i32
        %mul3A_79 = arith.muli %scan3A_75, %mul3A_78 : i32
        %dma_wait3A_80 = arith.constant 0 : i32
        %dma_wait3A_81 = arith.constant 0 : i32
        %dma_wait3A_82 = tpu.memref_slice %arg11[%rem3A_77, %dma_wait3A_80, %dma_wait3A_81] : memref<2x128x128xf32, #tpu.memory_space<vmem>> -> memref<1x128x128xf32, #tpu.memory_space<vmem>>
        %dma_wait3A_83 = tpu.memref_squeeze %dma_wait3A_82 : memref<1x128x128xf32, #tpu.memory_space<vmem>> -> memref<128x128xf32, #tpu.memory_space<vmem>>
        %dma_wait3A_84 = tpu.memref_slice %arg9[%mul3A_79] : memref<5120xi32, #tpu.memory_space<vmem>> -> memref<128xi32, #tpu.memory_space<vmem>>
        %dma_wait3A_85 = arith.constant 0 : i32
        %dma_wait3A_86 = arith.constant 0 : i32
        %dma_wait3A_87 = tpu.memref_slice %arg2[%dma_wait3A_85, %dma_wait3A_86] : memref<10240x128xf32, #tpu.memory_space<hbm>> -> memref<10240x128xf32, #tpu.memory_space<hbm>>
        tpu.wait_indirect_dma semaphore(%arg12 : memref<!tpu.dma_semaphore, #tpu.memory_space<semaphore_mem>>) src(%dma_wait3A_87 : memref<10240x128xf32, #tpu.memory_space<hbm>>) dst(%dma_wait3A_83 : memref<128x128xf32, #tpu.memory_space<vmem>>)
        %dma_start3A_88 = arith.constant 0 : i32
        %dma_start3A_89 = arith.constant 0 : i32
        %dma_start3A_90 = tpu.memref_slice %arg11[%rem3A_77, %dma_start3A_88, %dma_start3A_89] : memref<2x128x128xf32, #tpu.memory_space<vmem>> -> memref<1x128x128xf32, #tpu.memory_space<vmem>>
        %dma_start3A_91 = tpu.memref_squeeze %dma_start3A_90 : memref<1x128x128xf32, #tpu.memory_space<vmem>> -> memref<128x128xf32, #tpu.memory_space<vmem>>
        %dma_start3A_92 = arith.constant 0 : i32
        %dma_start3A_93 = tpu.memref_slice %arg10[%scan3A_75, %dma_start3A_92] : memref<40x128xi32, #tpu.memory_space<vmem>> -> memref<1x128xi32, #tpu.memory_space<vmem>>
        %dma_start3A_94 = tpu.memref_squeeze %dma_start3A_93 : memref<1x128xi32, #tpu.memory_space<vmem>> -> memref<128xi32, #tpu.memory_space<vmem>>
        %dma_start3A_95 = arith.constant 0 : i32
        %dma_start3A_96 = arith.constant 0 : i32
        %dma_start3A_97 = tpu.memref_slice %arg8[%dma_start3A_95, %dma_start3A_96] : memref<10240x128xf32, #tpu.memory_space<vmem_shared>> -> memref<10240x128xf32, #tpu.memory_space<vmem_shared>>
        tpu.enqueue_indirect_dma source(%dma_start3A_91 : memref<128x128xf32, #tpu.memory_space<vmem>>) target(%dma_start3A_97 : memref<10240x128xf32, #tpu.memory_space<vmem_shared>>) offsets(%dma_start3A_94 : memref<128xi32, #tpu.memory_space<vmem>>) semaphore(%arg13 : memref<!tpu.dma_semaphore, #tpu.memory_space<semaphore_mem>>) {add = true}
        %ge3A = arith.constant 1 : i32
        %ge3A_98 = arith.cmpi sge, %scan3A_75, %ge3A : i32
        %convert_element_type3A_99 = arith.extui %ge3A_98 : i1 to i32
        %cond3A_100 = arith.constant 0 : i32
        %cond3A_101 = arith.cmpi ne, %convert_element_type3A_99, %cond3A_100 : i32
        scf.if %cond3A_101 {
          %sub3A = arith.constant 1 : i32
          %sub3A_109 = arith.subi %sub3A, %rem3A_77 : i32
          %sub3A_110 = arith.constant 1 : i32
          %sub3A_111 = arith.subi %scan3A_75, %sub3A_110 : i32
          %dma_wait3A_112 = arith.constant 0 : i32
          %dma_wait3A_113 = arith.constant 0 : i32
          %dma_wait3A_114 = tpu.memref_slice %arg11[%sub3A_109, %dma_wait3A_112, %dma_wait3A_113] : memref<2x128x128xf32, #tpu.memory_space<vmem>> -> memref<1x128x128xf32, #tpu.memory_space<vmem>>
          %dma_wait3A_115 = tpu.memref_squeeze %dma_wait3A_114 : memref<1x128x128xf32, #tpu.memory_space<vmem>> -> memref<128x128xf32, #tpu.memory_space<vmem>>
          %dma_wait3A_116 = arith.constant 0 : i32
          %dma_wait3A_117 = tpu.memref_slice %arg10[%sub3A_111, %dma_wait3A_116] : memref<40x128xi32, #tpu.memory_space<vmem>> -> memref<1x128xi32, #tpu.memory_space<vmem>>
          %dma_wait3A_118 = tpu.memref_squeeze %dma_wait3A_117 : memref<1x128xi32, #tpu.memory_space<vmem>> -> memref<128xi32, #tpu.memory_space<vmem>>
          %dma_wait3A_119 = arith.constant 0 : i32
          %dma_wait3A_120 = arith.constant 0 : i32
          %dma_wait3A_121 = tpu.memref_slice %arg8[%dma_wait3A_119, %dma_wait3A_120] : memref<10240x128xf32, #tpu.memory_space<vmem_shared>> -> memref<10240x128xf32, #tpu.memory_space<vmem_shared>>
          tpu.wait_indirect_dma semaphore(%arg13 : memref<!tpu.dma_semaphore, #tpu.memory_space<semaphore_mem>>) src(%dma_wait3A_115 : memref<128x128xf32, #tpu.memory_space<vmem>>) dst(%dma_wait3A_121 : memref<10240x128xf32, #tpu.memory_space<vmem_shared>>)
        } else {
        }
        %add3A_102 = arith.constant 1 : i32
        %add3A_103 = arith.addi %scan3A_75, %add3A_102 : i32
        %lt3A = arith.constant 40 : i32
        %lt3A_104 = arith.cmpi slt, %add3A_103, %lt3A : i32
        %convert_element_type3A_105 = arith.extui %lt3A_104 : i1 to i32
        %cond3A_106 = arith.constant 0 : i32
        %cond3A_107 = arith.cmpi ne, %convert_element_type3A_105, %cond3A_106 : i32
        scf.if %cond3A_107 {
          %add3A_109 = arith.constant 1 : i32
          %add3A_110 = arith.addi %scan3A_75, %add3A_109 : i32
          %mul3A_111 = arith.constant 128 : i32
          %mul3A_112 = arith.muli %add3A_110, %mul3A_111 : i32
          %sub3A = arith.constant 1 : i32
          %sub3A_113 = arith.subi %sub3A, %rem3A_77 : i32
          %dma_start3A_114 = arith.constant 0 : i32
          %dma_start3A_115 = arith.constant 0 : i32
          %dma_start3A_116 = tpu.memref_slice %arg11[%sub3A_113, %dma_start3A_114, %dma_start3A_115] : memref<2x128x128xf32, #tpu.memory_space<vmem>> -> memref<1x128x128xf32, #tpu.memory_space<vmem>>
          %dma_start3A_117 = tpu.memref_squeeze %dma_start3A_116 : memref<1x128x128xf32, #tpu.memory_space<vmem>> -> memref<128x128xf32, #tpu.memory_space<vmem>>
          %dma_start3A_118 = tpu.memref_slice %arg9[%mul3A_112] : memref<5120xi32, #tpu.memory_space<vmem>> -> memref<128xi32, #tpu.memory_space<vmem>>
          %dma_start3A_119 = arith.constant 0 : i32
          %dma_start3A_120 = arith.constant 0 : i32
          %dma_start3A_121 = tpu.memref_slice %arg2[%dma_start3A_119, %dma_start3A_120] : memref<10240x128xf32, #tpu.memory_space<hbm>> -> memref<10240x128xf32, #tpu.memory_space<hbm>>
          tpu.enqueue_indirect_dma source(%dma_start3A_121 : memref<10240x128xf32, #tpu.memory_space<hbm>>) target(%dma_start3A_117 : memref<128x128xf32, #tpu.memory_space<vmem>>) offsets(%dma_start3A_118 : memref<128xi32, #tpu.memory_space<vmem>>) semaphore(%arg12 : memref<!tpu.dma_semaphore, #tpu.memory_space<semaphore_mem>>)
        } else {
        }
        %scan3A_108 = arith.constant 0 : i32
        scf.yield %scan3A_108 : i32
      }
      %scan3A_27 = arith.constant 40 : i32
      %dma_wait3A = arith.constant 1 : i32
      %dma_wait3A_28 = arith.constant 39 : i32
      %dma_wait3A_29 = arith.constant 0 : i32
      %dma_wait3A_30 = arith.constant 0 : i32
      %dma_wait3A_31 = tpu.memref_slice %arg11[%dma_wait3A, %dma_wait3A_29, %dma_wait3A_30] : memref<2x128x128xf32, #tpu.memory_space<vmem>> -> memref<1x128x128xf32, #tpu.memory_space<vmem>>
      %dma_wait3A_32 = tpu.memref_squeeze %dma_wait3A_31 : memref<1x128x128xf32, #tpu.memory_space<vmem>> -> memref<128x128xf32, #tpu.memory_space<vmem>>
      %dma_wait3A_33 = arith.constant 0 : i32
      %dma_wait3A_34 = tpu.memref_slice %arg10[%dma_wait3A_28, %dma_wait3A_33] : memref<40x128xi32, #tpu.memory_space<vmem>> -> memref<1x128xi32, #tpu.memory_space<vmem>>
      %dma_wait3A_35 = tpu.memref_squeeze %dma_wait3A_34 : memref<1x128xi32, #tpu.memory_space<vmem>> -> memref<128xi32, #tpu.memory_space<vmem>>
      %dma_wait3A_36 = arith.constant 0 : i32
      %dma_wait3A_37 = arith.constant 0 : i32
      %dma_wait3A_38 = tpu.memref_slice %arg8[%dma_wait3A_36, %dma_wait3A_37] : memref<10240x128xf32, #tpu.memory_space<vmem_shared>> -> memref<10240x128xf32, #tpu.memory_space<vmem_shared>>
      tpu.wait_indirect_dma semaphore(%arg13 : memref<!tpu.dma_semaphore, #tpu.memory_space<semaphore_mem>>) src(%dma_wait3A_32 : memref<128x128xf32, #tpu.memory_space<vmem>>) dst(%dma_wait3A_38 : memref<10240x128xf32, #tpu.memory_space<vmem_shared>>)
      %mul3A_39 = arith.constant 80 : i32
      %mul3A_40 = arith.muli %arg1, %mul3A_39 : i32
      %add3A_41 = arith.constant 40 : i32
      %add3A_42 = arith.addi %mul3A_40, %add3A_41 : i32
      %mul3A_43 = arith.constant 128 : i32
      %mul3A_44 = arith.muli %add3A_42, %mul3A_43 : i32
      "tpu.region"() ({
        %run_scoped3A = tpu.sem_alloc : memref<!tpu.dma_semaphore, #tpu.memory_space<semaphore_mem>>
        %dma_start3A_75 = tpu.memref_slice %arg4[%mul3A_44] : memref<163840xi32, #tpu.memory_space<hbm>> -> memref<5120xi32, #tpu.memory_space<hbm>>
        %dma_start3A_76 = tpu.memref_slice %arg4[%mul3A_44] : memref<163840xi32, #tpu.memory_space<hbm>> -> memref<5120xi32, #tpu.memory_space<hbm>>
        tpu.enqueue_dma source(%dma_start3A_76 : memref<5120xi32, #tpu.memory_space<hbm>>) target(%arg9 : memref<5120xi32, #tpu.memory_space<vmem>>) target_semaphore(%run_scoped3A : memref<!tpu.dma_semaphore, #tpu.memory_space<semaphore_mem>>)
        %dma_wait3A_77 = tpu.memref_slice %arg4[%mul3A_44] : memref<163840xi32, #tpu.memory_space<hbm>> -> memref<5120xi32, #tpu.memory_space<hbm>>
        %dma_wait3A_78 = tpu.memref_slice %arg4[%mul3A_44] : memref<163840xi32, #tpu.memory_space<hbm>> -> memref<5120xi32, #tpu.memory_space<hbm>>
        tpu.wait_dma2 semaphore(%run_scoped3A : memref<!tpu.dma_semaphore, #tpu.memory_space<semaphore_mem>>) src(%dma_wait3A_78 : memref<5120xi32, #tpu.memory_space<hbm>>) dst(%arg9 : memref<5120xi32, #tpu.memory_space<vmem>>)
        tpu.yield
      }) : () -> ()
      "tpu.region"() ({
        %run_scoped3A = tpu.sem_alloc : memref<!tpu.dma_semaphore, #tpu.memory_space<semaphore_mem>>
        %dma_start3A_75 = arith.constant 0 : i32
        %dma_start3A_76 = tpu.memref_slice %arg5[%add3A_42, %dma_start3A_75] : memref<1280x128xi32, #tpu.memory_space<hbm>> -> memref<40x128xi32, #tpu.memory_space<hbm>>
        %dma_start3A_77 = arith.constant 0 : i32
        %dma_start3A_78 = tpu.memref_slice %arg5[%add3A_42, %dma_start3A_77] : memref<1280x128xi32, #tpu.memory_space<hbm>> -> memref<40x128xi32, #tpu.memory_space<hbm>>
        tpu.enqueue_dma source(%dma_start3A_78 : memref<40x128xi32, #tpu.memory_space<hbm>>) target(%arg10 : memref<40x128xi32, #tpu.memory_space<vmem>>) target_semaphore(%run_scoped3A : memref<!tpu.dma_semaphore, #tpu.memory_space<semaphore_mem>>)
        %dma_wait3A_79 = arith.constant 0 : i32
        %dma_wait3A_80 = tpu.memref_slice %arg5[%add3A_42, %dma_wait3A_79] : memref<1280x128xi32, #tpu.memory_space<hbm>> -> memref<40x128xi32, #tpu.memory_space<hbm>>
        %dma_wait3A_81 = arith.constant 0 : i32
        %dma_wait3A_82 = tpu.memref_slice %arg5[%add3A_42, %dma_wait3A_81] : memref<1280x128xi32, #tpu.memory_space<hbm>> -> memref<40x128xi32, #tpu.memory_space<hbm>>
        tpu.wait_dma2 semaphore(%run_scoped3A : memref<!tpu.dma_semaphore, #tpu.memory_space<semaphore_mem>>) src(%dma_wait3A_82 : memref<40x128xi32, #tpu.memory_space<hbm>>) dst(%arg10 : memref<40x128xi32, #tpu.memory_space<vmem>>)
        tpu.yield
      }) : () -> ()
      %dma_start3A_45 = arith.constant 0 : i32
      %dma_start3A_46 = arith.constant 0 : i32
      %dma_start3A_47 = arith.constant 0 : i32
      %dma_start3A_48 = tpu.memref_slice %arg11[%dma_start3A_45, %dma_start3A_46, %dma_start3A_47] : memref<2x128x128xf32, #tpu.memory_space<vmem>> -> memref<1x128x128xf32, #tpu.memory_space<vmem>>
      %dma_start3A_49 = tpu.memref_squeeze %dma_start3A_48 : memref<1x128x128xf32, #tpu.memory_space<vmem>> -> memref<128x128xf32, #tpu.memory_space<vmem>>
      %dma_start3A_50 = arith.constant 0 : i32
      %dma_start3A_51 = tpu.memref_slice %arg9[%dma_start3A_50] : memref<5120xi32, #tpu.memory_space<vmem>> -> memref<128xi32, #tpu.memory_space<vmem>>
      %dma_start3A_52 = arith.constant 0 : i32
      %dma_start3A_53 = arith.constant 0 : i32
      %dma_start3A_54 = tpu.memref_slice %arg2[%dma_start3A_52, %dma_start3A_53] : memref<10240x128xf32, #tpu.memory_space<hbm>> -> memref<10240x128xf32, #tpu.memory_space<hbm>>
      tpu.enqueue_indirect_dma source(%dma_start3A_54 : memref<10240x128xf32, #tpu.memory_space<hbm>>) target(%dma_start3A_49 : memref<128x128xf32, #tpu.memory_space<vmem>>) offsets(%dma_start3A_51 : memref<128xi32, #tpu.memory_space<vmem>>) semaphore(%arg12 : memref<!tpu.dma_semaphore, #tpu.memory_space<semaphore_mem>>)
      %scan3A_55 = arith.constant 0 : i32
      %scan3A_56 = arith.constant 0 : i32
      %scan3A_57 = arith.constant 40 : i32
      %scan3A_58 = arith.addi %scan3A_56, %scan3A_57 : i32
      %scan3A_59 = arith.constant 1 : i32
      %scan3A_60 = scf.for %scan3A_75 = %scan3A_56 to %scan3A_58 step %scan3A_59 iter_args(%scan3A_76 = %scan3A_55) -> (i32)  : i32 {
        %rem3A = arith.constant 2 : i32
        %rem3A_77 = arith.remsi %scan3A_75, %rem3A : i32
        %mul3A_78 = arith.constant 128 : i32
        %mul3A_79 = arith.muli %scan3A_75, %mul3A_78 : i32
        %dma_wait3A_80 = arith.constant 0 : i32
        %dma_wait3A_81 = arith.constant 0 : i32
        %dma_wait3A_82 = tpu.memref_slice %arg11[%rem3A_77, %dma_wait3A_80, %dma_wait3A_81] : memref<2x128x128xf32, #tpu.memory_space<vmem>> -> memref<1x128x128xf32, #tpu.memory_space<vmem>>
        %dma_wait3A_83 = tpu.memref_squeeze %dma_wait3A_82 : memref<1x128x128xf32, #tpu.memory_space<vmem>> -> memref<128x128xf32, #tpu.memory_space<vmem>>
        %dma_wait3A_84 = tpu.memref_slice %arg9[%mul3A_79] : memref<5120xi32, #tpu.memory_space<vmem>> -> memref<128xi32, #tpu.memory_space<vmem>>
        %dma_wait3A_85 = arith.constant 0 : i32
        %dma_wait3A_86 = arith.constant 0 : i32
        %dma_wait3A_87 = tpu.memref_slice %arg2[%dma_wait3A_85, %dma_wait3A_86] : memref<10240x128xf32, #tpu.memory_space<hbm>> -> memref<10240x128xf32, #tpu.memory_space<hbm>>
        tpu.wait_indirect_dma semaphore(%arg12 : memref<!tpu.dma_semaphore, #tpu.memory_space<semaphore_mem>>) src(%dma_wait3A_87 : memref<10240x128xf32, #tpu.memory_space<hbm>>) dst(%dma_wait3A_83 : memref<128x128xf32, #tpu.memory_space<vmem>>)
        %dma_start3A_88 = arith.constant 0 : i32
        %dma_start3A_89 = arith.constant 0 : i32
        %dma_start3A_90 = tpu.memref_slice %arg11[%rem3A_77, %dma_start3A_88, %dma_start3A_89] : memref<2x128x128xf32, #tpu.memory_space<vmem>> -> memref<1x128x128xf32, #tpu.memory_space<vmem>>
        %dma_start3A_91 = tpu.memref_squeeze %dma_start3A_90 : memref<1x128x128xf32, #tpu.memory_space<vmem>> -> memref<128x128xf32, #tpu.memory_space<vmem>>
        %dma_start3A_92 = arith.constant 0 : i32
        %dma_start3A_93 = tpu.memref_slice %arg10[%scan3A_75, %dma_start3A_92] : memref<40x128xi32, #tpu.memory_space<vmem>> -> memref<1x128xi32, #tpu.memory_space<vmem>>
        %dma_start3A_94 = tpu.memref_squeeze %dma_start3A_93 : memref<1x128xi32, #tpu.memory_space<vmem>> -> memref<128xi32, #tpu.memory_space<vmem>>
        %dma_start3A_95 = arith.constant 0 : i32
        %dma_start3A_96 = arith.constant 0 : i32
        %dma_start3A_97 = tpu.memref_slice %arg8[%dma_start3A_95, %dma_start3A_96] : memref<10240x128xf32, #tpu.memory_space<vmem_shared>> -> memref<10240x128xf32, #tpu.memory_space<vmem_shared>>
        tpu.enqueue_indirect_dma source(%dma_start3A_91 : memref<128x128xf32, #tpu.memory_space<vmem>>) target(%dma_start3A_97 : memref<10240x128xf32, #tpu.memory_space<vmem_shared>>) offsets(%dma_start3A_94 : memref<128xi32, #tpu.memory_space<vmem>>) semaphore(%arg13 : memref<!tpu.dma_semaphore, #tpu.memory_space<semaphore_mem>>) {add = true}
        %ge3A = arith.constant 1 : i32
        %ge3A_98 = arith.cmpi sge, %scan3A_75, %ge3A : i32
        %convert_element_type3A_99 = arith.extui %ge3A_98 : i1 to i32
        %cond3A_100 = arith.constant 0 : i32
        %cond3A_101 = arith.cmpi ne, %convert_element_type3A_99, %cond3A_100 : i32
        scf.if %cond3A_101 {
          %sub3A = arith.constant 1 : i32
          %sub3A_109 = arith.subi %sub3A, %rem3A_77 : i32
          %sub3A_110 = arith.constant 1 : i32
          %sub3A_111 = arith.subi %scan3A_75, %sub3A_110 : i32
          %dma_wait3A_112 = arith.constant 0 : i32
          %dma_wait3A_113 = arith.constant 0 : i32
          %dma_wait3A_114 = tpu.memref_slice %arg11[%sub3A_109, %dma_wait3A_112, %dma_wait3A_113] : memref<2x128x128xf32, #tpu.memory_space<vmem>> -> memref<1x128x128xf32, #tpu.memory_space<vmem>>
          %dma_wait3A_115 = tpu.memref_squeeze %dma_wait3A_114 : memref<1x128x128xf32, #tpu.memory_space<vmem>> -> memref<128x128xf32, #tpu.memory_space<vmem>>
          %dma_wait3A_116 = arith.constant 0 : i32
          %dma_wait3A_117 = tpu.memref_slice %arg10[%sub3A_111, %dma_wait3A_116] : memref<40x128xi32, #tpu.memory_space<vmem>> -> memref<1x128xi32, #tpu.memory_space<vmem>>
          %dma_wait3A_118 = tpu.memref_squeeze %dma_wait3A_117 : memref<1x128xi32, #tpu.memory_space<vmem>> -> memref<128xi32, #tpu.memory_space<vmem>>
          %dma_wait3A_119 = arith.constant 0 : i32
          %dma_wait3A_120 = arith.constant 0 : i32
          %dma_wait3A_121 = tpu.memref_slice %arg8[%dma_wait3A_119, %dma_wait3A_120] : memref<10240x128xf32, #tpu.memory_space<vmem_shared>> -> memref<10240x128xf32, #tpu.memory_space<vmem_shared>>
          tpu.wait_indirect_dma semaphore(%arg13 : memref<!tpu.dma_semaphore, #tpu.memory_space<semaphore_mem>>) src(%dma_wait3A_115 : memref<128x128xf32, #tpu.memory_space<vmem>>) dst(%dma_wait3A_121 : memref<10240x128xf32, #tpu.memory_space<vmem_shared>>)
        } else {
        }
        %add3A_102 = arith.constant 1 : i32
        %add3A_103 = arith.addi %scan3A_75, %add3A_102 : i32
        %lt3A = arith.constant 40 : i32
        %lt3A_104 = arith.cmpi slt, %add3A_103, %lt3A : i32
        %convert_element_type3A_105 = arith.extui %lt3A_104 : i1 to i32
        %cond3A_106 = arith.constant 0 : i32
        %cond3A_107 = arith.cmpi ne, %convert_element_type3A_105, %cond3A_106 : i32
        scf.if %cond3A_107 {
          %add3A_109 = arith.constant 1 : i32
          %add3A_110 = arith.addi %scan3A_75, %add3A_109 : i32
          %mul3A_111 = arith.constant 128 : i32
          %mul3A_112 = arith.muli %add3A_110, %mul3A_111 : i32
          %sub3A = arith.constant 1 : i32
          %sub3A_113 = arith.subi %sub3A, %rem3A_77 : i32
          %dma_start3A_114 = arith.constant 0 : i32
          %dma_start3A_115 = arith.constant 0 : i32
          %dma_start3A_116 = tpu.memref_slice %arg11[%sub3A_113, %dma_start3A_114, %dma_start3A_115] : memref<2x128x128xf32, #tpu.memory_space<vmem>> -> memref<1x128x128xf32, #tpu.memory_space<vmem>>
          %dma_start3A_117 = tpu.memref_squeeze %dma_start3A_116 : memref<1x128x128xf32, #tpu.memory_space<vmem>> -> memref<128x128xf32, #tpu.memory_space<vmem>>
          %dma_start3A_118 = tpu.memref_slice %arg9[%mul3A_112] : memref<5120xi32, #tpu.memory_space<vmem>> -> memref<128xi32, #tpu.memory_space<vmem>>
          %dma_start3A_119 = arith.constant 0 : i32
          %dma_start3A_120 = arith.constant 0 : i32
          %dma_start3A_121 = tpu.memref_slice %arg2[%dma_start3A_119, %dma_start3A_120] : memref<10240x128xf32, #tpu.memory_space<hbm>> -> memref<10240x128xf32, #tpu.memory_space<hbm>>
          tpu.enqueue_indirect_dma source(%dma_start3A_121 : memref<10240x128xf32, #tpu.memory_space<hbm>>) target(%dma_start3A_117 : memref<128x128xf32, #tpu.memory_space<vmem>>) offsets(%dma_start3A_118 : memref<128xi32, #tpu.memory_space<vmem>>) semaphore(%arg12 : memref<!tpu.dma_semaphore, #tpu.memory_space<semaphore_mem>>)
        } else {
        }
        %scan3A_108 = arith.constant 0 : i32
        scf.yield %scan3A_108 : i32
      }
      %scan3A_61 = arith.constant 40 : i32
      %dma_wait3A_62 = arith.constant 1 : i32
      %dma_wait3A_63 = arith.constant 39 : i32
      %dma_wait3A_64 = arith.constant 0 : i32
      %dma_wait3A_65 = arith.constant 0 : i32
      %dma_wait3A_66 = tpu.memref_slice %arg11[%dma_wait3A_62, %dma_wait3A_64, %dma_wait3A_65] : memref<2x128x128xf32, #tpu.memory_space<vmem>> -> memref<1x128x128xf32, #tpu.memory_space<vmem>>
      %dma_wait3A_67 = tpu.memref_squeeze %dma_wait3A_66 : memref<1x128x128xf32, #tpu.memory_space<vmem>> -> memref<128x128xf32, #tpu.memory_space<vmem>>
      %dma_wait3A_68 = arith.constant 0 : i32
      %dma_wait3A_69 = tpu.memref_slice %arg10[%dma_wait3A_63, %dma_wait3A_68] : memref<40x128xi32, #tpu.memory_space<vmem>> -> memref<1x128xi32, #tpu.memory_space<vmem>>
      %dma_wait3A_70 = tpu.memref_squeeze %dma_wait3A_69 : memref<1x128xi32, #tpu.memory_space<vmem>> -> memref<128xi32, #tpu.memory_space<vmem>>
      %dma_wait3A_71 = arith.constant 0 : i32
      %dma_wait3A_72 = arith.constant 0 : i32
      %dma_wait3A_73 = tpu.memref_slice %arg8[%dma_wait3A_71, %dma_wait3A_72] : memref<10240x128xf32, #tpu.memory_space<vmem_shared>> -> memref<10240x128xf32, #tpu.memory_space<vmem_shared>>
      tpu.wait_indirect_dma semaphore(%arg13 : memref<!tpu.dma_semaphore, #tpu.memory_space<semaphore_mem>>) src(%dma_wait3A_67 : memref<128x128xf32, #tpu.memory_space<vmem>>) dst(%dma_wait3A_73 : memref<10240x128xf32, #tpu.memory_space<vmem_shared>>)
      %barrier3A_74 = arith.constant 0 : index
      tpu.barrier barrier_id(%barrier3A_74)
      "tpu.region"() ({
        %run_scoped3A = tpu.sem_alloc : memref<!tpu.dma_semaphore, #tpu.memory_space<semaphore_mem>>
        %dma_start3A_75 = arith.constant 0 : i32
        %dma_start3A_76 = tpu.memref_slice %arg6[%mul3A_7, %dma_start3A_75] : memref<10240x128xf32, #tpu.memory_space<hbm>> -> memref<640x128xf32, #tpu.memory_space<hbm>>
        %dma_start3A_77 = arith.constant 0 : i32
        %dma_start3A_78 = tpu.memref_slice %arg8[%mul3A_7, %dma_start3A_77] : memref<10240x128xf32, #tpu.memory_space<vmem_shared>> -> memref<640x128xf32, #tpu.memory_space<vmem_shared>>
        tpu.enqueue_dma source(%dma_start3A_78 : memref<640x128xf32, #tpu.memory_space<vmem_shared>>) target(%dma_start3A_76 : memref<640x128xf32, #tpu.memory_space<hbm>>) target_semaphore(%run_scoped3A : memref<!tpu.dma_semaphore, #tpu.memory_space<semaphore_mem>>)
        %dma_wait3A_79 = arith.constant 0 : i32
        %dma_wait3A_80 = tpu.memref_slice %arg6[%mul3A_7, %dma_wait3A_79] : memref<10240x128xf32, #tpu.memory_space<hbm>> -> memref<640x128xf32, #tpu.memory_space<hbm>>
        %dma_wait3A_81 = arith.constant 0 : i32
        %dma_wait3A_82 = tpu.memref_slice %arg8[%mul3A_7, %dma_wait3A_81] : memref<10240x128xf32, #tpu.memory_space<vmem_shared>> -> memref<640x128xf32, #tpu.memory_space<vmem_shared>>
        tpu.wait_dma2 semaphore(%run_scoped3A : memref<!tpu.dma_semaphore, #tpu.memory_space<semaphore_mem>>) src(%dma_wait3A_82 : memref<640x128xf32, #tpu.memory_space<vmem_shared>>) dst(%dma_wait3A_80 : memref<640x128xf32, #tpu.memory_space<hbm>>)
        tpu.yield
      }) : () -> ()
    } else {
    }
    %eq3A_2 = arith.constant 1 : i32
    %eq3A_3 = arith.cmpi eq, %arg0, %eq3A_2 : i32
    %convert_element_type3A_4 = arith.extui %eq3A_3 : i1 to i32
    %cond3A_5 = arith.constant 0 : i32
    %cond3A_6 = arith.cmpi ne, %convert_element_type3A_4, %cond3A_5 : i32
    scf.if %cond3A_6 {
      %mul3A = arith.constant 640 : i32
      %mul3A_7 = arith.muli %arg1, %mul3A : i32
      "tpu.region"() ({
        %run_scoped3A = tpu.sem_alloc : memref<!tpu.dma_semaphore, #tpu.memory_space<semaphore_mem>>
        %dma_start3A_75 = arith.constant 0 : i32
        %dma_start3A_76 = tpu.memref_slice %arg8[%mul3A_7, %dma_start3A_75] : memref<10240x128xf32, #tpu.memory_space<vmem_shared>> -> memref<640x128xf32, #tpu.memory_space<vmem_shared>>
        %dma_start3A_77 = arith.constant 0 : i32
        %dma_start3A_78 = tpu.memref_slice %arg3[%mul3A_7, %dma_start3A_77] : memref<10240x128xf32, #tpu.memory_space<hbm>> -> memref<640x128xf32, #tpu.memory_space<hbm>>
        tpu.enqueue_dma source(%dma_start3A_78 : memref<640x128xf32, #tpu.memory_space<hbm>>) target(%dma_start3A_76 : memref<640x128xf32, #tpu.memory_space<vmem_shared>>) target_semaphore(%run_scoped3A : memref<!tpu.dma_semaphore, #tpu.memory_space<semaphore_mem>>)
        %dma_wait3A_79 = arith.constant 0 : i32
        %dma_wait3A_80 = tpu.memref_slice %arg8[%mul3A_7, %dma_wait3A_79] : memref<10240x128xf32, #tpu.memory_space<vmem_shared>> -> memref<640x128xf32, #tpu.memory_space<vmem_shared>>
        %dma_wait3A_81 = arith.constant 0 : i32
        %dma_wait3A_82 = tpu.memref_slice %arg3[%mul3A_7, %dma_wait3A_81] : memref<10240x128xf32, #tpu.memory_space<hbm>> -> memref<640x128xf32, #tpu.memory_space<hbm>>
        tpu.wait_dma2 semaphore(%run_scoped3A : memref<!tpu.dma_semaphore, #tpu.memory_space<semaphore_mem>>) src(%dma_wait3A_82 : memref<640x128xf32, #tpu.memory_space<hbm>>) dst(%dma_wait3A_80 : memref<640x128xf32, #tpu.memory_space<vmem_shared>>)
        tpu.yield
      }) : () -> ()
      %barrier3A = arith.constant 0 : index
      tpu.barrier barrier_id(%barrier3A)
      %mul3A_8 = arith.constant 80 : i32
      %mul3A_9 = arith.muli %arg1, %mul3A_8 : i32
      %add3A = arith.constant 0 : i32
      %add3A_10 = arith.addi %mul3A_9, %add3A : i32
      %mul3A_11 = arith.constant 128 : i32
      %mul3A_12 = arith.muli %add3A_10, %mul3A_11 : i32
      "tpu.region"() ({
        %run_scoped3A = tpu.sem_alloc : memref<!tpu.dma_semaphore, #tpu.memory_space<semaphore_mem>>
        %dma_start3A_75 = tpu.memref_slice %arg4[%mul3A_12] : memref<163840xi32, #tpu.memory_space<hbm>> -> memref<5120xi32, #tpu.memory_space<hbm>>
        %dma_start3A_76 = tpu.memref_slice %arg4[%mul3A_12] : memref<163840xi32, #tpu.memory_space<hbm>> -> memref<5120xi32, #tpu.memory_space<hbm>>
        tpu.enqueue_dma source(%dma_start3A_76 : memref<5120xi32, #tpu.memory_space<hbm>>) target(%arg9 : memref<5120xi32, #tpu.memory_space<vmem>>) target_semaphore(%run_scoped3A : memref<!tpu.dma_semaphore, #tpu.memory_space<semaphore_mem>>)
        %dma_wait3A_77 = tpu.memref_slice %arg4[%mul3A_12] : memref<163840xi32, #tpu.memory_space<hbm>> -> memref<5120xi32, #tpu.memory_space<hbm>>
        %dma_wait3A_78 = tpu.memref_slice %arg4[%mul3A_12] : memref<163840xi32, #tpu.memory_space<hbm>> -> memref<5120xi32, #tpu.memory_space<hbm>>
        tpu.wait_dma2 semaphore(%run_scoped3A : memref<!tpu.dma_semaphore, #tpu.memory_space<semaphore_mem>>) src(%dma_wait3A_78 : memref<5120xi32, #tpu.memory_space<hbm>>) dst(%arg9 : memref<5120xi32, #tpu.memory_space<vmem>>)
        tpu.yield
      }) : () -> ()
      "tpu.region"() ({
        %run_scoped3A = tpu.sem_alloc : memref<!tpu.dma_semaphore, #tpu.memory_space<semaphore_mem>>
        %dma_start3A_75 = arith.constant 0 : i32
        %dma_start3A_76 = tpu.memref_slice %arg5[%add3A_10, %dma_start3A_75] : memref<1280x128xi32, #tpu.memory_space<hbm>> -> memref<40x128xi32, #tpu.memory_space<hbm>>
        %dma_start3A_77 = arith.constant 0 : i32
        %dma_start3A_78 = tpu.memref_slice %arg5[%add3A_10, %dma_start3A_77] : memref<1280x128xi32, #tpu.memory_space<hbm>> -> memref<40x128xi32, #tpu.memory_space<hbm>>
        tpu.enqueue_dma source(%dma_start3A_78 : memref<40x128xi32, #tpu.memory_space<hbm>>) target(%arg10 : memref<40x128xi32, #tpu.memory_space<vmem>>) target_semaphore(%run_scoped3A : memref<!tpu.dma_semaphore, #tpu.memory_space<semaphore_mem>>)
        %dma_wait3A_79 = arith.constant 0 : i32
        %dma_wait3A_80 = tpu.memref_slice %arg5[%add3A_10, %dma_wait3A_79] : memref<1280x128xi32, #tpu.memory_space<hbm>> -> memref<40x128xi32, #tpu.memory_space<hbm>>
        %dma_wait3A_81 = arith.constant 0 : i32
        %dma_wait3A_82 = tpu.memref_slice %arg5[%add3A_10, %dma_wait3A_81] : memref<1280x128xi32, #tpu.memory_space<hbm>> -> memref<40x128xi32, #tpu.memory_space<hbm>>
        tpu.wait_dma2 semaphore(%run_scoped3A : memref<!tpu.dma_semaphore, #tpu.memory_space<semaphore_mem>>) src(%dma_wait3A_82 : memref<40x128xi32, #tpu.memory_space<hbm>>) dst(%arg10 : memref<40x128xi32, #tpu.memory_space<vmem>>)
        tpu.yield
      }) : () -> ()
      %dma_start3A = arith.constant 0 : i32
      %dma_start3A_13 = arith.constant 0 : i32
      %dma_start3A_14 = arith.constant 0 : i32
      %dma_start3A_15 = tpu.memref_slice %arg11[%dma_start3A, %dma_start3A_13, %dma_start3A_14] : memref<2x128x128xf32, #tpu.memory_space<vmem>> -> memref<1x128x128xf32, #tpu.memory_space<vmem>>
      %dma_start3A_16 = tpu.memref_squeeze %dma_start3A_15 : memref<1x128x128xf32, #tpu.memory_space<vmem>> -> memref<128x128xf32, #tpu.memory_space<vmem>>
      %dma_start3A_17 = arith.constant 0 : i32
      %dma_start3A_18 = tpu.memref_slice %arg9[%dma_start3A_17] : memref<5120xi32, #tpu.memory_space<vmem>> -> memref<128xi32, #tpu.memory_space<vmem>>
      %dma_start3A_19 = arith.constant 0 : i32
      %dma_start3A_20 = arith.constant 0 : i32
      %dma_start3A_21 = tpu.memref_slice %arg3[%dma_start3A_19, %dma_start3A_20] : memref<10240x128xf32, #tpu.memory_space<hbm>> -> memref<10240x128xf32, #tpu.memory_space<hbm>>
      tpu.enqueue_indirect_dma source(%dma_start3A_21 : memref<10240x128xf32, #tpu.memory_space<hbm>>) target(%dma_start3A_16 : memref<128x128xf32, #tpu.memory_space<vmem>>) offsets(%dma_start3A_18 : memref<128xi32, #tpu.memory_space<vmem>>) semaphore(%arg12 : memref<!tpu.dma_semaphore, #tpu.memory_space<semaphore_mem>>)
      %scan3A = arith.constant 0 : i32
      %scan3A_22 = arith.constant 0 : i32
      %scan3A_23 = arith.constant 40 : i32
      %scan3A_24 = arith.addi %scan3A_22, %scan3A_23 : i32
      %scan3A_25 = arith.constant 1 : i32
      %scan3A_26 = scf.for %scan3A_75 = %scan3A_22 to %scan3A_24 step %scan3A_25 iter_args(%scan3A_76 = %scan3A) -> (i32)  : i32 {
        %rem3A = arith.constant 2 : i32
        %rem3A_77 = arith.remsi %scan3A_75, %rem3A : i32
        %mul3A_78 = arith.constant 128 : i32
        %mul3A_79 = arith.muli %scan3A_75, %mul3A_78 : i32
        %dma_wait3A_80 = arith.constant 0 : i32
        %dma_wait3A_81 = arith.constant 0 : i32
        %dma_wait3A_82 = tpu.memref_slice %arg11[%rem3A_77, %dma_wait3A_80, %dma_wait3A_81] : memref<2x128x128xf32, #tpu.memory_space<vmem>> -> memref<1x128x128xf32, #tpu.memory_space<vmem>>
        %dma_wait3A_83 = tpu.memref_squeeze %dma_wait3A_82 : memref<1x128x128xf32, #tpu.memory_space<vmem>> -> memref<128x128xf32, #tpu.memory_space<vmem>>
        %dma_wait3A_84 = tpu.memref_slice %arg9[%mul3A_79] : memref<5120xi32, #tpu.memory_space<vmem>> -> memref<128xi32, #tpu.memory_space<vmem>>
        %dma_wait3A_85 = arith.constant 0 : i32
        %dma_wait3A_86 = arith.constant 0 : i32
        %dma_wait3A_87 = tpu.memref_slice %arg3[%dma_wait3A_85, %dma_wait3A_86] : memref<10240x128xf32, #tpu.memory_space<hbm>> -> memref<10240x128xf32, #tpu.memory_space<hbm>>
        tpu.wait_indirect_dma semaphore(%arg12 : memref<!tpu.dma_semaphore, #tpu.memory_space<semaphore_mem>>) src(%dma_wait3A_87 : memref<10240x128xf32, #tpu.memory_space<hbm>>) dst(%dma_wait3A_83 : memref<128x128xf32, #tpu.memory_space<vmem>>)
        %dma_start3A_88 = arith.constant 0 : i32
        %dma_start3A_89 = arith.constant 0 : i32
        %dma_start3A_90 = tpu.memref_slice %arg11[%rem3A_77, %dma_start3A_88, %dma_start3A_89] : memref<2x128x128xf32, #tpu.memory_space<vmem>> -> memref<1x128x128xf32, #tpu.memory_space<vmem>>
        %dma_start3A_91 = tpu.memref_squeeze %dma_start3A_90 : memref<1x128x128xf32, #tpu.memory_space<vmem>> -> memref<128x128xf32, #tpu.memory_space<vmem>>
        %dma_start3A_92 = arith.constant 0 : i32
        %dma_start3A_93 = tpu.memref_slice %arg10[%scan3A_75, %dma_start3A_92] : memref<40x128xi32, #tpu.memory_space<vmem>> -> memref<1x128xi32, #tpu.memory_space<vmem>>
        %dma_start3A_94 = tpu.memref_squeeze %dma_start3A_93 : memref<1x128xi32, #tpu.memory_space<vmem>> -> memref<128xi32, #tpu.memory_space<vmem>>
        %dma_start3A_95 = arith.constant 0 : i32
        %dma_start3A_96 = arith.constant 0 : i32
        %dma_start3A_97 = tpu.memref_slice %arg8[%dma_start3A_95, %dma_start3A_96] : memref<10240x128xf32, #tpu.memory_space<vmem_shared>> -> memref<10240x128xf32, #tpu.memory_space<vmem_shared>>
        tpu.enqueue_indirect_dma source(%dma_start3A_91 : memref<128x128xf32, #tpu.memory_space<vmem>>) target(%dma_start3A_97 : memref<10240x128xf32, #tpu.memory_space<vmem_shared>>) offsets(%dma_start3A_94 : memref<128xi32, #tpu.memory_space<vmem>>) semaphore(%arg13 : memref<!tpu.dma_semaphore, #tpu.memory_space<semaphore_mem>>) {add = true}
        %ge3A = arith.constant 1 : i32
        %ge3A_98 = arith.cmpi sge, %scan3A_75, %ge3A : i32
        %convert_element_type3A_99 = arith.extui %ge3A_98 : i1 to i32
        %cond3A_100 = arith.constant 0 : i32
        %cond3A_101 = arith.cmpi ne, %convert_element_type3A_99, %cond3A_100 : i32
        scf.if %cond3A_101 {
          %sub3A = arith.constant 1 : i32
          %sub3A_109 = arith.subi %sub3A, %rem3A_77 : i32
          %sub3A_110 = arith.constant 1 : i32
          %sub3A_111 = arith.subi %scan3A_75, %sub3A_110 : i32
          %dma_wait3A_112 = arith.constant 0 : i32
          %dma_wait3A_113 = arith.constant 0 : i32
          %dma_wait3A_114 = tpu.memref_slice %arg11[%sub3A_109, %dma_wait3A_112, %dma_wait3A_113] : memref<2x128x128xf32, #tpu.memory_space<vmem>> -> memref<1x128x128xf32, #tpu.memory_space<vmem>>
          %dma_wait3A_115 = tpu.memref_squeeze %dma_wait3A_114 : memref<1x128x128xf32, #tpu.memory_space<vmem>> -> memref<128x128xf32, #tpu.memory_space<vmem>>
          %dma_wait3A_116 = arith.constant 0 : i32
          %dma_wait3A_117 = tpu.memref_slice %arg10[%sub3A_111, %dma_wait3A_116] : memref<40x128xi32, #tpu.memory_space<vmem>> -> memref<1x128xi32, #tpu.memory_space<vmem>>
          %dma_wait3A_118 = tpu.memref_squeeze %dma_wait3A_117 : memref<1x128xi32, #tpu.memory_space<vmem>> -> memref<128xi32, #tpu.memory_space<vmem>>
          %dma_wait3A_119 = arith.constant 0 : i32
          %dma_wait3A_120 = arith.constant 0 : i32
          %dma_wait3A_121 = tpu.memref_slice %arg8[%dma_wait3A_119, %dma_wait3A_120] : memref<10240x128xf32, #tpu.memory_space<vmem_shared>> -> memref<10240x128xf32, #tpu.memory_space<vmem_shared>>
          tpu.wait_indirect_dma semaphore(%arg13 : memref<!tpu.dma_semaphore, #tpu.memory_space<semaphore_mem>>) src(%dma_wait3A_115 : memref<128x128xf32, #tpu.memory_space<vmem>>) dst(%dma_wait3A_121 : memref<10240x128xf32, #tpu.memory_space<vmem_shared>>)
        } else {
        }
        %add3A_102 = arith.constant 1 : i32
        %add3A_103 = arith.addi %scan3A_75, %add3A_102 : i32
        %lt3A = arith.constant 40 : i32
        %lt3A_104 = arith.cmpi slt, %add3A_103, %lt3A : i32
        %convert_element_type3A_105 = arith.extui %lt3A_104 : i1 to i32
        %cond3A_106 = arith.constant 0 : i32
        %cond3A_107 = arith.cmpi ne, %convert_element_type3A_105, %cond3A_106 : i32
        scf.if %cond3A_107 {
          %add3A_109 = arith.constant 1 : i32
          %add3A_110 = arith.addi %scan3A_75, %add3A_109 : i32
          %mul3A_111 = arith.constant 128 : i32
          %mul3A_112 = arith.muli %add3A_110, %mul3A_111 : i32
          %sub3A = arith.constant 1 : i32
          %sub3A_113 = arith.subi %sub3A, %rem3A_77 : i32
          %dma_start3A_114 = arith.constant 0 : i32
          %dma_start3A_115 = arith.constant 0 : i32
          %dma_start3A_116 = tpu.memref_slice %arg11[%sub3A_113, %dma_start3A_114, %dma_start3A_115] : memref<2x128x128xf32, #tpu.memory_space<vmem>> -> memref<1x128x128xf32, #tpu.memory_space<vmem>>
          %dma_start3A_117 = tpu.memref_squeeze %dma_start3A_116 : memref<1x128x128xf32, #tpu.memory_space<vmem>> -> memref<128x128xf32, #tpu.memory_space<vmem>>
          %dma_start3A_118 = tpu.memref_slice %arg9[%mul3A_112] : memref<5120xi32, #tpu.memory_space<vmem>> -> memref<128xi32, #tpu.memory_space<vmem>>
          %dma_start3A_119 = arith.constant 0 : i32
          %dma_start3A_120 = arith.constant 0 : i32
          %dma_start3A_121 = tpu.memref_slice %arg3[%dma_start3A_119, %dma_start3A_120] : memref<10240x128xf32, #tpu.memory_space<hbm>> -> memref<10240x128xf32, #tpu.memory_space<hbm>>
          tpu.enqueue_indirect_dma source(%dma_start3A_121 : memref<10240x128xf32, #tpu.memory_space<hbm>>) target(%dma_start3A_117 : memref<128x128xf32, #tpu.memory_space<vmem>>) offsets(%dma_start3A_118 : memref<128xi32, #tpu.memory_space<vmem>>) semaphore(%arg12 : memref<!tpu.dma_semaphore, #tpu.memory_space<semaphore_mem>>)
        } else {
        }
        %scan3A_108 = arith.constant 0 : i32
        scf.yield %scan3A_108 : i32
      }
      %scan3A_27 = arith.constant 40 : i32
      %dma_wait3A = arith.constant 1 : i32
      %dma_wait3A_28 = arith.constant 39 : i32
      %dma_wait3A_29 = arith.constant 0 : i32
      %dma_wait3A_30 = arith.constant 0 : i32
      %dma_wait3A_31 = tpu.memref_slice %arg11[%dma_wait3A, %dma_wait3A_29, %dma_wait3A_30] : memref<2x128x128xf32, #tpu.memory_space<vmem>> -> memref<1x128x128xf32, #tpu.memory_space<vmem>>
      %dma_wait3A_32 = tpu.memref_squeeze %dma_wait3A_31 : memref<1x128x128xf32, #tpu.memory_space<vmem>> -> memref<128x128xf32, #tpu.memory_space<vmem>>
      %dma_wait3A_33 = arith.constant 0 : i32
      %dma_wait3A_34 = tpu.memref_slice %arg10[%dma_wait3A_28, %dma_wait3A_33] : memref<40x128xi32, #tpu.memory_space<vmem>> -> memref<1x128xi32, #tpu.memory_space<vmem>>
      %dma_wait3A_35 = tpu.memref_squeeze %dma_wait3A_34 : memref<1x128xi32, #tpu.memory_space<vmem>> -> memref<128xi32, #tpu.memory_space<vmem>>
      %dma_wait3A_36 = arith.constant 0 : i32
      %dma_wait3A_37 = arith.constant 0 : i32
      %dma_wait3A_38 = tpu.memref_slice %arg8[%dma_wait3A_36, %dma_wait3A_37] : memref<10240x128xf32, #tpu.memory_space<vmem_shared>> -> memref<10240x128xf32, #tpu.memory_space<vmem_shared>>
      tpu.wait_indirect_dma semaphore(%arg13 : memref<!tpu.dma_semaphore, #tpu.memory_space<semaphore_mem>>) src(%dma_wait3A_32 : memref<128x128xf32, #tpu.memory_space<vmem>>) dst(%dma_wait3A_38 : memref<10240x128xf32, #tpu.memory_space<vmem_shared>>)
      %mul3A_39 = arith.constant 80 : i32
      %mul3A_40 = arith.muli %arg1, %mul3A_39 : i32
      %add3A_41 = arith.constant 40 : i32
      %add3A_42 = arith.addi %mul3A_40, %add3A_41 : i32
      %mul3A_43 = arith.constant 128 : i32
      %mul3A_44 = arith.muli %add3A_42, %mul3A_43 : i32
      "tpu.region"() ({
        %run_scoped3A = tpu.sem_alloc : memref<!tpu.dma_semaphore, #tpu.memory_space<semaphore_mem>>
        %dma_start3A_75 = tpu.memref_slice %arg4[%mul3A_44] : memref<163840xi32, #tpu.memory_space<hbm>> -> memref<5120xi32, #tpu.memory_space<hbm>>
        %dma_start3A_76 = tpu.memref_slice %arg4[%mul3A_44] : memref<163840xi32, #tpu.memory_space<hbm>> -> memref<5120xi32, #tpu.memory_space<hbm>>
        tpu.enqueue_dma source(%dma_start3A_76 : memref<5120xi32, #tpu.memory_space<hbm>>) target(%arg9 : memref<5120xi32, #tpu.memory_space<vmem>>) target_semaphore(%run_scoped3A : memref<!tpu.dma_semaphore, #tpu.memory_space<semaphore_mem>>)
        %dma_wait3A_77 = tpu.memref_slice %arg4[%mul3A_44] : memref<163840xi32, #tpu.memory_space<hbm>> -> memref<5120xi32, #tpu.memory_space<hbm>>
        %dma_wait3A_78 = tpu.memref_slice %arg4[%mul3A_44] : memref<163840xi32, #tpu.memory_space<hbm>> -> memref<5120xi32, #tpu.memory_space<hbm>>
        tpu.wait_dma2 semaphore(%run_scoped3A : memref<!tpu.dma_semaphore, #tpu.memory_space<semaphore_mem>>) src(%dma_wait3A_78 : memref<5120xi32, #tpu.memory_space<hbm>>) dst(%arg9 : memref<5120xi32, #tpu.memory_space<vmem>>)
        tpu.yield
      }) : () -> ()
      "tpu.region"() ({
        %run_scoped3A = tpu.sem_alloc : memref<!tpu.dma_semaphore, #tpu.memory_space<semaphore_mem>>
        %dma_start3A_75 = arith.constant 0 : i32
        %dma_start3A_76 = tpu.memref_slice %arg5[%add3A_42, %dma_start3A_75] : memref<1280x128xi32, #tpu.memory_space<hbm>> -> memref<40x128xi32, #tpu.memory_space<hbm>>
        %dma_start3A_77 = arith.constant 0 : i32
        %dma_start3A_78 = tpu.memref_slice %arg5[%add3A_42, %dma_start3A_77] : memref<1280x128xi32, #tpu.memory_space<hbm>> -> memref<40x128xi32, #tpu.memory_space<hbm>>
        tpu.enqueue_dma source(%dma_start3A_78 : memref<40x128xi32, #tpu.memory_space<hbm>>) target(%arg10 : memref<40x128xi32, #tpu.memory_space<vmem>>) target_semaphore(%run_scoped3A : memref<!tpu.dma_semaphore, #tpu.memory_space<semaphore_mem>>)
        %dma_wait3A_79 = arith.constant 0 : i32
        %dma_wait3A_80 = tpu.memref_slice %arg5[%add3A_42, %dma_wait3A_79] : memref<1280x128xi32, #tpu.memory_space<hbm>> -> memref<40x128xi32, #tpu.memory_space<hbm>>
        %dma_wait3A_81 = arith.constant 0 : i32
        %dma_wait3A_82 = tpu.memref_slice %arg5[%add3A_42, %dma_wait3A_81] : memref<1280x128xi32, #tpu.memory_space<hbm>> -> memref<40x128xi32, #tpu.memory_space<hbm>>
        tpu.wait_dma2 semaphore(%run_scoped3A : memref<!tpu.dma_semaphore, #tpu.memory_space<semaphore_mem>>) src(%dma_wait3A_82 : memref<40x128xi32, #tpu.memory_space<hbm>>) dst(%arg10 : memref<40x128xi32, #tpu.memory_space<vmem>>)
        tpu.yield
      }) : () -> ()
      %dma_start3A_45 = arith.constant 0 : i32
      %dma_start3A_46 = arith.constant 0 : i32
      %dma_start3A_47 = arith.constant 0 : i32
      %dma_start3A_48 = tpu.memref_slice %arg11[%dma_start3A_45, %dma_start3A_46, %dma_start3A_47] : memref<2x128x128xf32, #tpu.memory_space<vmem>> -> memref<1x128x128xf32, #tpu.memory_space<vmem>>
      %dma_start3A_49 = tpu.memref_squeeze %dma_start3A_48 : memref<1x128x128xf32, #tpu.memory_space<vmem>> -> memref<128x128xf32, #tpu.memory_space<vmem>>
      %dma_start3A_50 = arith.constant 0 : i32
      %dma_start3A_51 = tpu.memref_slice %arg9[%dma_start3A_50] : memref<5120xi32, #tpu.memory_space<vmem>> -> memref<128xi32, #tpu.memory_space<vmem>>
      %dma_start3A_52 = arith.constant 0 : i32
      %dma_start3A_53 = arith.constant 0 : i32
      %dma_start3A_54 = tpu.memref_slice %arg3[%dma_start3A_52, %dma_start3A_53] : memref<10240x128xf32, #tpu.memory_space<hbm>> -> memref<10240x128xf32, #tpu.memory_space<hbm>>
      tpu.enqueue_indirect_dma source(%dma_start3A_54 : memref<10240x128xf32, #tpu.memory_space<hbm>>) target(%dma_start3A_49 : memref<128x128xf32, #tpu.memory_space<vmem>>) offsets(%dma_start3A_51 : memref<128xi32, #tpu.memory_space<vmem>>) semaphore(%arg12 : memref<!tpu.dma_semaphore, #tpu.memory_space<semaphore_mem>>)
      %scan3A_55 = arith.constant 0 : i32
      %scan3A_56 = arith.constant 0 : i32
      %scan3A_57 = arith.constant 40 : i32
      %scan3A_58 = arith.addi %scan3A_56, %scan3A_57 : i32
      %scan3A_59 = arith.constant 1 : i32
      %scan3A_60 = scf.for %scan3A_75 = %scan3A_56 to %scan3A_58 step %scan3A_59 iter_args(%scan3A_76 = %scan3A_55) -> (i32)  : i32 {
        %rem3A = arith.constant 2 : i32
        %rem3A_77 = arith.remsi %scan3A_75, %rem3A : i32
        %mul3A_78 = arith.constant 128 : i32
        %mul3A_79 = arith.muli %scan3A_75, %mul3A_78 : i32
        %dma_wait3A_80 = arith.constant 0 : i32
        %dma_wait3A_81 = arith.constant 0 : i32
        %dma_wait3A_82 = tpu.memref_slice %arg11[%rem3A_77, %dma_wait3A_80, %dma_wait3A_81] : memref<2x128x128xf32, #tpu.memory_space<vmem>> -> memref<1x128x128xf32, #tpu.memory_space<vmem>>
        %dma_wait3A_83 = tpu.memref_squeeze %dma_wait3A_82 : memref<1x128x128xf32, #tpu.memory_space<vmem>> -> memref<128x128xf32, #tpu.memory_space<vmem>>
        %dma_wait3A_84 = tpu.memref_slice %arg9[%mul3A_79] : memref<5120xi32, #tpu.memory_space<vmem>> -> memref<128xi32, #tpu.memory_space<vmem>>
        %dma_wait3A_85 = arith.constant 0 : i32
        %dma_wait3A_86 = arith.constant 0 : i32
        %dma_wait3A_87 = tpu.memref_slice %arg3[%dma_wait3A_85, %dma_wait3A_86] : memref<10240x128xf32, #tpu.memory_space<hbm>> -> memref<10240x128xf32, #tpu.memory_space<hbm>>
        tpu.wait_indirect_dma semaphore(%arg12 : memref<!tpu.dma_semaphore, #tpu.memory_space<semaphore_mem>>) src(%dma_wait3A_87 : memref<10240x128xf32, #tpu.memory_space<hbm>>) dst(%dma_wait3A_83 : memref<128x128xf32, #tpu.memory_space<vmem>>)
        %dma_start3A_88 = arith.constant 0 : i32
        %dma_start3A_89 = arith.constant 0 : i32
        %dma_start3A_90 = tpu.memref_slice %arg11[%rem3A_77, %dma_start3A_88, %dma_start3A_89] : memref<2x128x128xf32, #tpu.memory_space<vmem>> -> memref<1x128x128xf32, #tpu.memory_space<vmem>>
        %dma_start3A_91 = tpu.memref_squeeze %dma_start3A_90 : memref<1x128x128xf32, #tpu.memory_space<vmem>> -> memref<128x128xf32, #tpu.memory_space<vmem>>
        %dma_start3A_92 = arith.constant 0 : i32
        %dma_start3A_93 = tpu.memref_slice %arg10[%scan3A_75, %dma_start3A_92] : memref<40x128xi32, #tpu.memory_space<vmem>> -> memref<1x128xi32, #tpu.memory_space<vmem>>
        %dma_start3A_94 = tpu.memref_squeeze %dma_start3A_93 : memref<1x128xi32, #tpu.memory_space<vmem>> -> memref<128xi32, #tpu.memory_space<vmem>>
        %dma_start3A_95 = arith.constant 0 : i32
        %dma_start3A_96 = arith.constant 0 : i32
        %dma_start3A_97 = tpu.memref_slice %arg8[%dma_start3A_95, %dma_start3A_96] : memref<10240x128xf32, #tpu.memory_space<vmem_shared>> -> memref<10240x128xf32, #tpu.memory_space<vmem_shared>>
        tpu.enqueue_indirect_dma source(%dma_start3A_91 : memref<128x128xf32, #tpu.memory_space<vmem>>) target(%dma_start3A_97 : memref<10240x128xf32, #tpu.memory_space<vmem_shared>>) offsets(%dma_start3A_94 : memref<128xi32, #tpu.memory_space<vmem>>) semaphore(%arg13 : memref<!tpu.dma_semaphore, #tpu.memory_space<semaphore_mem>>) {add = true}
        %ge3A = arith.constant 1 : i32
        %ge3A_98 = arith.cmpi sge, %scan3A_75, %ge3A : i32
        %convert_element_type3A_99 = arith.extui %ge3A_98 : i1 to i32
        %cond3A_100 = arith.constant 0 : i32
        %cond3A_101 = arith.cmpi ne, %convert_element_type3A_99, %cond3A_100 : i32
        scf.if %cond3A_101 {
          %sub3A = arith.constant 1 : i32
          %sub3A_109 = arith.subi %sub3A, %rem3A_77 : i32
          %sub3A_110 = arith.constant 1 : i32
          %sub3A_111 = arith.subi %scan3A_75, %sub3A_110 : i32
          %dma_wait3A_112 = arith.constant 0 : i32
          %dma_wait3A_113 = arith.constant 0 : i32
          %dma_wait3A_114 = tpu.memref_slice %arg11[%sub3A_109, %dma_wait3A_112, %dma_wait3A_113] : memref<2x128x128xf32, #tpu.memory_space<vmem>> -> memref<1x128x128xf32, #tpu.memory_space<vmem>>
          %dma_wait3A_115 = tpu.memref_squeeze %dma_wait3A_114 : memref<1x128x128xf32, #tpu.memory_space<vmem>> -> memref<128x128xf32, #tpu.memory_space<vmem>>
          %dma_wait3A_116 = arith.constant 0 : i32
          %dma_wait3A_117 = tpu.memref_slice %arg10[%sub3A_111, %dma_wait3A_116] : memref<40x128xi32, #tpu.memory_space<vmem>> -> memref<1x128xi32, #tpu.memory_space<vmem>>
          %dma_wait3A_118 = tpu.memref_squeeze %dma_wait3A_117 : memref<1x128xi32, #tpu.memory_space<vmem>> -> memref<128xi32, #tpu.memory_space<vmem>>
          %dma_wait3A_119 = arith.constant 0 : i32
          %dma_wait3A_120 = arith.constant 0 : i32
          %dma_wait3A_121 = tpu.memref_slice %arg8[%dma_wait3A_119, %dma_wait3A_120] : memref<10240x128xf32, #tpu.memory_space<vmem_shared>> -> memref<10240x128xf32, #tpu.memory_space<vmem_shared>>
          tpu.wait_indirect_dma semaphore(%arg13 : memref<!tpu.dma_semaphore, #tpu.memory_space<semaphore_mem>>) src(%dma_wait3A_115 : memref<128x128xf32, #tpu.memory_space<vmem>>) dst(%dma_wait3A_121 : memref<10240x128xf32, #tpu.memory_space<vmem_shared>>)
        } else {
        }
        %add3A_102 = arith.constant 1 : i32
        %add3A_103 = arith.addi %scan3A_75, %add3A_102 : i32
        %lt3A = arith.constant 40 : i32
        %lt3A_104 = arith.cmpi slt, %add3A_103, %lt3A : i32
        %convert_element_type3A_105 = arith.extui %lt3A_104 : i1 to i32
        %cond3A_106 = arith.constant 0 : i32
        %cond3A_107 = arith.cmpi ne, %convert_element_type3A_105, %cond3A_106 : i32
        scf.if %cond3A_107 {
          %add3A_109 = arith.constant 1 : i32
          %add3A_110 = arith.addi %scan3A_75, %add3A_109 : i32
          %mul3A_111 = arith.constant 128 : i32
          %mul3A_112 = arith.muli %add3A_110, %mul3A_111 : i32
          %sub3A = arith.constant 1 : i32
          %sub3A_113 = arith.subi %sub3A, %rem3A_77 : i32
          %dma_start3A_114 = arith.constant 0 : i32
          %dma_start3A_115 = arith.constant 0 : i32
          %dma_start3A_116 = tpu.memref_slice %arg11[%sub3A_113, %dma_start3A_114, %dma_start3A_115] : memref<2x128x128xf32, #tpu.memory_space<vmem>> -> memref<1x128x128xf32, #tpu.memory_space<vmem>>
          %dma_start3A_117 = tpu.memref_squeeze %dma_start3A_116 : memref<1x128x128xf32, #tpu.memory_space<vmem>> -> memref<128x128xf32, #tpu.memory_space<vmem>>
          %dma_start3A_118 = tpu.memref_slice %arg9[%mul3A_112] : memref<5120xi32, #tpu.memory_space<vmem>> -> memref<128xi32, #tpu.memory_space<vmem>>
          %dma_start3A_119 = arith.constant 0 : i32
          %dma_start3A_120 = arith.constant 0 : i32
          %dma_start3A_121 = tpu.memref_slice %arg3[%dma_start3A_119, %dma_start3A_120] : memref<10240x128xf32, #tpu.memory_space<hbm>> -> memref<10240x128xf32, #tpu.memory_space<hbm>>
          tpu.enqueue_indirect_dma source(%dma_start3A_121 : memref<10240x128xf32, #tpu.memory_space<hbm>>) target(%dma_start3A_117 : memref<128x128xf32, #tpu.memory_space<vmem>>) offsets(%dma_start3A_118 : memref<128xi32, #tpu.memory_space<vmem>>) semaphore(%arg12 : memref<!tpu.dma_semaphore, #tpu.memory_space<semaphore_mem>>)
        } else {
        }
        %scan3A_108 = arith.constant 0 : i32
        scf.yield %scan3A_108 : i32
      }
      %scan3A_61 = arith.constant 40 : i32
      %dma_wait3A_62 = arith.constant 1 : i32
      %dma_wait3A_63 = arith.constant 39 : i32
      %dma_wait3A_64 = arith.constant 0 : i32
      %dma_wait3A_65 = arith.constant 0 : i32
      %dma_wait3A_66 = tpu.memref_slice %arg11[%dma_wait3A_62, %dma_wait3A_64, %dma_wait3A_65] : memref<2x128x128xf32, #tpu.memory_space<vmem>> -> memref<1x128x128xf32, #tpu.memory_space<vmem>>
      %dma_wait3A_67 = tpu.memref_squeeze %dma_wait3A_66 : memref<1x128x128xf32, #tpu.memory_space<vmem>> -> memref<128x128xf32, #tpu.memory_space<vmem>>
      %dma_wait3A_68 = arith.constant 0 : i32
      %dma_wait3A_69 = tpu.memref_slice %arg10[%dma_wait3A_63, %dma_wait3A_68] : memref<40x128xi32, #tpu.memory_space<vmem>> -> memref<1x128xi32, #tpu.memory_space<vmem>>
      %dma_wait3A_70 = tpu.memref_squeeze %dma_wait3A_69 : memref<1x128xi32, #tpu.memory_space<vmem>> -> memref<128xi32, #tpu.memory_space<vmem>>
      %dma_wait3A_71 = arith.constant 0 : i32
      %dma_wait3A_72 = arith.constant 0 : i32
      %dma_wait3A_73 = tpu.memref_slice %arg8[%dma_wait3A_71, %dma_wait3A_72] : memref<10240x128xf32, #tpu.memory_space<vmem_shared>> -> memref<10240x128xf32, #tpu.memory_space<vmem_shared>>
      tpu.wait_indirect_dma semaphore(%arg13 : memref<!tpu.dma_semaphore, #tpu.memory_space<semaphore_mem>>) src(%dma_wait3A_67 : memref<128x128xf32, #tpu.memory_space<vmem>>) dst(%dma_wait3A_73 : memref<10240x128xf32, #tpu.memory_space<vmem_shared>>)
      %barrier3A_74 = arith.constant 0 : index
      tpu.barrier barrier_id(%barrier3A_74)
      "tpu.region"() ({
        %run_scoped3A = tpu.sem_alloc : memref<!tpu.dma_semaphore, #tpu.memory_space<semaphore_mem>>
        %dma_start3A_75 = arith.constant 0 : i32
        %dma_start3A_76 = tpu.memref_slice %arg7[%mul3A_7, %dma_start3A_75] : memref<10240x128xf32, #tpu.memory_space<hbm>> -> memref<640x128xf32, #tpu.memory_space<hbm>>
        %dma_start3A_77 = arith.constant 0 : i32
        %dma_start3A_78 = tpu.memref_slice %arg8[%mul3A_7, %dma_start3A_77] : memref<10240x128xf32, #tpu.memory_space<vmem_shared>> -> memref<640x128xf32, #tpu.memory_space<vmem_shared>>
        tpu.enqueue_dma source(%dma_start3A_78 : memref<640x128xf32, #tpu.memory_space<vmem_shared>>) target(%dma_start3A_76 : memref<640x128xf32, #tpu.memory_space<hbm>>) target_semaphore(%run_scoped3A : memref<!tpu.dma_semaphore, #tpu.memory_space<semaphore_mem>>)
        %dma_wait3A_79 = arith.constant 0 : i32
        %dma_wait3A_80 = tpu.memref_slice %arg7[%mul3A_7, %dma_wait3A_79] : memref<10240x128xf32, #tpu.memory_space<hbm>> -> memref<640x128xf32, #tpu.memory_space<hbm>>
        %dma_wait3A_81 = arith.constant 0 : i32
        %dma_wait3A_82 = tpu.memref_slice %arg8[%mul3A_7, %dma_wait3A_81] : memref<10240x128xf32, #tpu.memory_space<vmem_shared>> -> memref<640x128xf32, #tpu.memory_space<vmem_shared>>
        tpu.wait_dma2 semaphore(%run_scoped3A : memref<!tpu.dma_semaphore, #tpu.memory_space<semaphore_mem>>) src(%dma_wait3A_82 : memref<640x128xf32, #tpu.memory_space<vmem_shared>>) dst(%dma_wait3A_80 : memref<640x128xf32, #tpu.memory_space<hbm>>)
        tpu.yield
      }) : () -> ()
    } else {
    }
    return
  }
}

#map = affine_map<(d0, d1) -> (0, 0)>
#map1 = affine_map<(d0, d1) -> (0, 0, 0)>
module attributes {stable_mosaic.version = 14 : i64} {
  func.func @_hist_body(%arg0: i32, %arg1: i32, %arg2: memref<1280x128xi32, #tpu.memory_space<hbm>>, %arg3: memref<2x16x640xf32, #tpu.memory_space<hbm>>, %arg4: memref<10240xf32, #tpu.memory_space<vmem_shared>>, %arg5: memref<640xf32, #tpu.memory_space<vmem>>, %arg6: memref<40x128xi32, #tpu.memory_space<vmem>>, %arg7: memref<640xf32, #tpu.memory_space<vmem>>) attributes {dimension_semantics = [#tpu.dimension_semantics<core_parallel>, #tpu.dimension_semantics<subcore_parallel>], iteration_bounds = array<i64: 2, 16>, scalar_prefetch = 0 : i64, scratch_operands = 4 : i64, tpu.core_type = #tpu.core_type<sc_vector_subcore>, window_params = [{transform_indices = #map}, {transform_indices = #map1}]} {
    %scan3A = arith.constant 0 : i32
    %scan3A_0 = arith.constant 0 : i32
    %scan3A_1 = arith.constant 40 : i32
    %scan3A_2 = arith.addi %scan3A_0, %scan3A_1 : i32
    %scan3A_3 = arith.constant 1 : i32
    %scan3A_4 = scf.for %scan3A_21 = %scan3A_0 to %scan3A_2 step %scan3A_3 iter_args(%scan3A_22 = %scan3A) -> (i32)  : i32 {
      %broadcast_in_dim3A = arith.constant 0.000000e+00 : f32
      %broadcast_in_dim3A_23 = vector.broadcast %broadcast_in_dim3A : f32 to vector<16xf32>
      %mul3A_24 = arith.constant 16 : i32
      %mul3A_25 = arith.muli %scan3A_21, %mul3A_24 : i32
      %swap3A = arith.index_cast %mul3A_25 : i32 to index
      %swap3A_26 = tpu.vector_load %arg5[%swap3A] {strides = array<i32>} : memref<640xf32, #tpu.memory_space<vmem>>, vector<16xf32>,
      %swap3A_27 = vector.shape_cast %swap3A_26 : vector<16xf32> to vector<16xf32>
      %swap3A_28 = vector.shape_cast %broadcast_in_dim3A_23 : vector<16xf32> to vector<16xf32>
      tpu.vector_store %arg5[%swap3A], %swap3A_28 {strides = array<i32>} : memref<640xf32, #tpu.memory_space<vmem>>, vector<16xf32>,
      %broadcast_in_dim3A_29 = arith.constant 1.000000e+00 : f32
      %broadcast_in_dim3A_30 = vector.broadcast %broadcast_in_dim3A_29 : f32 to vector<16xf32>
      %mul3A_31 = arith.constant 16 : i32
      %mul3A_32 = arith.muli %scan3A_21, %mul3A_31 : i32
      %swap3A_33 = arith.index_cast %mul3A_32 : i32 to index
      %swap3A_34 = tpu.vector_load %arg7[%swap3A_33] {strides = array<i32>} : memref<640xf32, #tpu.memory_space<vmem>>, vector<16xf32>,
      %swap3A_35 = vector.shape_cast %swap3A_34 : vector<16xf32> to vector<16xf32>
      %swap3A_36 = vector.shape_cast %broadcast_in_dim3A_30 : vector<16xf32> to vector<16xf32>
      tpu.vector_store %arg7[%swap3A_33], %swap3A_36 {strides = array<i32>} : memref<640xf32, #tpu.memory_space<vmem>>, vector<16xf32>,
      %scan3A_37 = arith.constant 0 : i32
      scf.yield %scan3A_37 : i32
    }
    %scan3A_5 = arith.constant 40 : i32
    %mul3A = arith.constant 640 : i32
    %mul3A_6 = arith.muli %arg1, %mul3A : i32
    "tpu.region"() ({
      %run_scoped3A = tpu.sem_alloc : memref<!tpu.dma_semaphore, #tpu.memory_space<semaphore_mem>>
      %dma_start3A = tpu.memref_slice %arg4[%mul3A_6] : memref<10240xf32, #tpu.memory_space<vmem_shared>> -> memref<640xf32, #tpu.memory_space<vmem_shared>>
      %dma_start3A_21 = tpu.memref_slice %arg4[%mul3A_6] : memref<10240xf32, #tpu.memory_space<vmem_shared>> -> memref<640xf32, #tpu.memory_space<vmem_shared>>
      tpu.enqueue_dma source(%arg5 : memref<640xf32, #tpu.memory_space<vmem>>) target(%dma_start3A_21 : memref<640xf32, #tpu.memory_space<vmem_shared>>) target_semaphore(%run_scoped3A : memref<!tpu.dma_semaphore, #tpu.memory_space<semaphore_mem>>)
      %dma_wait3A = tpu.memref_slice %arg4[%mul3A_6] : memref<10240xf32, #tpu.memory_space<vmem_shared>> -> memref<640xf32, #tpu.memory_space<vmem_shared>>
      %dma_wait3A_22 = tpu.memref_slice %arg4[%mul3A_6] : memref<10240xf32, #tpu.memory_space<vmem_shared>> -> memref<640xf32, #tpu.memory_space<vmem_shared>>
      tpu.wait_dma2 semaphore(%run_scoped3A : memref<!tpu.dma_semaphore, #tpu.memory_space<semaphore_mem>>) src(%arg5 : memref<640xf32, #tpu.memory_space<vmem>>) dst(%dma_wait3A_22 : memref<640xf32, #tpu.memory_space<vmem_shared>>)
      tpu.yield
    }) : () -> ()
    %barrier3A = arith.constant 0 : index
    tpu.barrier barrier_id(%barrier3A)
    %mul3A_7 = arith.constant 640 : i32
    %mul3A_8 = arith.muli %arg0, %mul3A_7 : i32
    %mul3A_9 = arith.constant 40 : i32
    %mul3A_10 = arith.muli %arg1, %mul3A_9 : i32
    %add3A = arith.addi %mul3A_8, %mul3A_10 : i32
    "tpu.region"() ({
      %run_scoped3A = tpu.sem_alloc : memref<!tpu.dma_semaphore, #tpu.memory_space<semaphore_mem>>
      %dma_start3A = arith.constant 0 : i32
      %dma_start3A_21 = tpu.memref_slice %arg2[%add3A, %dma_start3A] : memref<1280x128xi32, #tpu.memory_space<hbm>> -> memref<40x128xi32, #tpu.memory_space<hbm>>
      %dma_start3A_22 = arith.constant 0 : i32
      %dma_start3A_23 = tpu.memref_slice %arg2[%add3A, %dma_start3A_22] : memref<1280x128xi32, #tpu.memory_space<hbm>> -> memref<40x128xi32, #tpu.memory_space<hbm>>
      tpu.enqueue_dma source(%dma_start3A_23 : memref<40x128xi32, #tpu.memory_space<hbm>>) target(%arg6 : memref<40x128xi32, #tpu.memory_space<vmem>>) target_semaphore(%run_scoped3A : memref<!tpu.dma_semaphore, #tpu.memory_space<semaphore_mem>>)
      %dma_wait3A = arith.constant 0 : i32
      %dma_wait3A_24 = tpu.memref_slice %arg2[%add3A, %dma_wait3A] : memref<1280x128xi32, #tpu.memory_space<hbm>> -> memref<40x128xi32, #tpu.memory_space<hbm>>
      %dma_wait3A_25 = arith.constant 0 : i32
      %dma_wait3A_26 = tpu.memref_slice %arg2[%add3A, %dma_wait3A_25] : memref<1280x128xi32, #tpu.memory_space<hbm>> -> memref<40x128xi32, #tpu.memory_space<hbm>>
      tpu.wait_dma2 semaphore(%run_scoped3A : memref<!tpu.dma_semaphore, #tpu.memory_space<semaphore_mem>>) src(%dma_wait3A_26 : memref<40x128xi32, #tpu.memory_space<hbm>>) dst(%arg6 : memref<40x128xi32, #tpu.memory_space<vmem>>)
      tpu.yield
    }) : () -> ()
    %scan3A_11 = arith.constant 0 : i32
    %scan3A_12 = arith.constant 0 : i32
    %scan3A_13 = arith.constant 40 : i32
    %scan3A_14 = arith.addi %scan3A_12, %scan3A_13 : i32
    %scan3A_15 = arith.constant 1 : i32
    %scan3A_16 = scf.for %scan3A_21 = %scan3A_12 to %scan3A_14 step %scan3A_15 iter_args(%scan3A_22 = %scan3A_11) -> (i32)  : i32 {
      "tpu.region"() ({
        %run_scoped3A = tpu.sem_alloc : memref<!tpu.dma_semaphore, #tpu.memory_space<semaphore_mem>>
        %dma_start3A = arith.constant 0 : i32
        %dma_start3A_24 = tpu.memref_slice %arg7[%dma_start3A] : memref<640xf32, #tpu.memory_space<vmem>> -> memref<128xf32, #tpu.memory_space<vmem>>
        %dma_start3A_25 = arith.constant 0 : i32
        %dma_start3A_26 = tpu.memref_slice %arg6[%scan3A_21, %dma_start3A_25] : memref<40x128xi32, #tpu.memory_space<vmem>> -> memref<1x128xi32, #tpu.memory_space<vmem>>
        %dma_start3A_27 = tpu.memref_squeeze %dma_start3A_26 : memref<1x128xi32, #tpu.memory_space<vmem>> -> memref<128xi32, #tpu.memory_space<vmem>>
        %dma_start3A_28 = arith.constant 0 : i32
        %dma_start3A_29 = tpu.memref_slice %arg4[%dma_start3A_28] : memref<10240xf32, #tpu.memory_space<vmem_shared>> -> memref<10240xf32, #tpu.memory_space<vmem_shared>>
        tpu.enqueue_indirect_dma source(%dma_start3A_24 : memref<128xf32, #tpu.memory_space<vmem>>) target(%dma_start3A_29 : memref<10240xf32, #tpu.memory_space<vmem_shared>>) offsets(%dma_start3A_27 : memref<128xi32, #tpu.memory_space<vmem>>) semaphore(%run_scoped3A : memref<!tpu.dma_semaphore, #tpu.memory_space<semaphore_mem>>) {add = true}
        %dma_wait3A = arith.constant 0 : i32
        %dma_wait3A_30 = tpu.memref_slice %arg7[%dma_wait3A] : memref<640xf32, #tpu.memory_space<vmem>> -> memref<128xf32, #tpu.memory_space<vmem>>
        %dma_wait3A_31 = arith.constant 0 : i32
        %dma_wait3A_32 = tpu.memref_slice %arg6[%scan3A_21, %dma_wait3A_31] : memref<40x128xi32, #tpu.memory_space<vmem>> -> memref<1x128xi32, #tpu.memory_space<vmem>>
        %dma_wait3A_33 = tpu.memref_squeeze %dma_wait3A_32 : memref<1x128xi32, #tpu.memory_space<vmem>> -> memref<128xi32, #tpu.memory_space<vmem>>
        %dma_wait3A_34 = arith.constant 0 : i32
        %dma_wait3A_35 = tpu.memref_slice %arg4[%dma_wait3A_34] : memref<10240xf32, #tpu.memory_space<vmem_shared>> -> memref<10240xf32, #tpu.memory_space<vmem_shared>>
        tpu.wait_indirect_dma semaphore(%run_scoped3A : memref<!tpu.dma_semaphore, #tpu.memory_space<semaphore_mem>>) src(%dma_wait3A_30 : memref<128xf32, #tpu.memory_space<vmem>>) dst(%dma_wait3A_35 : memref<10240xf32, #tpu.memory_space<vmem_shared>>)
        tpu.yield
      }) : () -> ()
      %scan3A_23 = arith.constant 0 : i32
      scf.yield %scan3A_23 : i32
    }
    %scan3A_17 = arith.constant 40 : i32
    %barrier3A_18 = arith.constant 0 : index
    tpu.barrier barrier_id(%barrier3A_18)
    %mul3A_19 = arith.constant 640 : i32
    %mul3A_20 = arith.muli %arg1, %mul3A_19 : i32
    "tpu.region"() ({
      %run_scoped3A = tpu.sem_alloc : memref<!tpu.dma_semaphore, #tpu.memory_space<semaphore_mem>>
      %dma_start3A = arith.constant 0 : i32
      %dma_start3A_21 = tpu.memref_slice %arg3[%arg0, %arg1, %dma_start3A] : memref<2x16x640xf32, #tpu.memory_space<hbm>> -> memref<1x1x640xf32, #tpu.memory_space<hbm>>
      %dma_start3A_22 = tpu.memref_squeeze %dma_start3A_21 : memref<1x1x640xf32, #tpu.memory_space<hbm>> -> memref<640xf32, #tpu.memory_space<hbm>>
      %dma_start3A_23 = tpu.memref_slice %arg4[%mul3A_20] : memref<10240xf32, #tpu.memory_space<vmem_shared>> -> memref<640xf32, #tpu.memory_space<vmem_shared>>
      tpu.enqueue_dma source(%dma_start3A_23 : memref<640xf32, #tpu.memory_space<vmem_shared>>) target(%dma_start3A_22 : memref<640xf32, #tpu.memory_space<hbm>>) target_semaphore(%run_scoped3A : memref<!tpu.dma_semaphore, #tpu.memory_space<semaphore_mem>>)
      %dma_wait3A = arith.constant 0 : i32
      %dma_wait3A_24 = tpu.memref_slice %arg3[%arg0, %arg1, %dma_wait3A] : memref<2x16x640xf32, #tpu.memory_space<hbm>> -> memref<1x1x640xf32, #tpu.memory_space<hbm>>
      %dma_wait3A_25 = tpu.memref_squeeze %dma_wait3A_24 : memref<1x1x640xf32, #tpu.memory_space<hbm>> -> memref<640xf32, #tpu.memory_space<hbm>>
      %dma_wait3A_26 = tpu.memref_slice %arg4[%mul3A_20] : memref<10240xf32, #tpu.memory_space<vmem_shared>> -> memref<640xf32, #tpu.memory_space<vmem_shared>>
      tpu.wait_dma2 semaphore(%run_scoped3A : memref<!tpu.dma_semaphore, #tpu.memory_space<semaphore_mem>>) src(%dma_wait3A_26 : memref<640xf32, #tpu.memory_space<vmem_shared>>) dst(%dma_wait3A_25 : memref<640xf32, #tpu.memory_space<hbm>>)
      tpu.yield
    }) : () -> ()
    return
  }
}

#map = affine_map<(d0, d1) -> (0, 0)>
#map1 = affine_map<(d0, d1) -> (0)>
module attributes {stable_mosaic.version = 14 : i64} {
  func.func @_scatter_body(%arg0: i32, %arg1: i32, %arg2: memref<10240x128xf32, #tpu.memory_space<hbm>>, %arg3: memref<10240x128xf32, #tpu.memory_space<hbm>>, %arg4: memref<163840xi32, #tpu.memory_space<hbm>>, %arg5: memref<1280x128xi32, #tpu.memory_space<hbm>>, %arg6: memref<10240x128xf32, #tpu.memory_space<hbm>>, %arg7: memref<10240x128xf32, #tpu.memory_space<hbm>>, %arg8: memref<10240x128xf32, #tpu.memory_space<vmem_shared>>, %arg9: memref<5120xi32, #tpu.memory_space<vmem>>, %arg10: memref<40x128xi32, #tpu.memory_space<vmem>>, %arg11: memref<2x128x128xf32, #tpu.memory_space<vmem>>, %arg12: memref<!tpu.dma_semaphore, #tpu.memory_space<semaphore_mem>>, %arg13: memref<!tpu.dma_semaphore, #tpu.memory_space<semaphore_mem>>) attributes {dimension_semantics = [#tpu.dimension_semantics<core_parallel>, #tpu.dimension_semantics<subcore_parallel>], iteration_bounds = array<i64: 2, 16>, scalar_prefetch = 0 : i64, scratch_operands = 6 : i64, tpu.core_type = #tpu.core_type<sc_vector_subcore>, window_params = [{transform_indices = #map}, {transform_indices = #map}, {transform_indices = #map1}, {transform_indices = #map}, {transform_indices = #map}, {transform_indices = #map}]} {
    %eq3A = arith.constant 0 : i32
    %eq3A_0 = arith.cmpi eq, %arg0, %eq3A : i32
    %convert_element_type3A = arith.extui %eq3A_0 : i1 to i32
    %cond3A = arith.constant 0 : i32
    %cond3A_1 = arith.cmpi ne, %convert_element_type3A, %cond3A : i32
    scf.if %cond3A_1 {
      %mul3A = arith.constant 640 : i32
      %mul3A_7 = arith.muli %arg1, %mul3A : i32
      "tpu.region"() ({
        %run_scoped3A = tpu.sem_alloc : memref<!tpu.dma_semaphore, #tpu.memory_space<semaphore_mem>>
        %dma_start3A_75 = arith.constant 0 : i32
        %dma_start3A_76 = tpu.memref_slice %arg8[%mul3A_7, %dma_start3A_75] : memref<10240x128xf32, #tpu.memory_space<vmem_shared>> -> memref<640x128xf32, #tpu.memory_space<vmem_shared>>
        %dma_start3A_77 = arith.constant 0 : i32
        %dma_start3A_78 = tpu.memref_slice %arg2[%mul3A_7, %dma_start3A_77] : memref<10240x128xf32, #tpu.memory_space<hbm>> -> memref<640x128xf32, #tpu.memory_space<hbm>>
        tpu.enqueue_dma source(%dma_start3A_78 : memref<640x128xf32, #tpu.memory_space<hbm>>) target(%dma_start3A_76 : memref<640x128xf32, #tpu.memory_space<vmem_shared>>) target_semaphore(%run_scoped3A : memref<!tpu.dma_semaphore, #tpu.memory_space<semaphore_mem>>)
        %dma_wait3A_79 = arith.constant 0 : i32
        %dma_wait3A_80 = tpu.memref_slice %arg8[%mul3A_7, %dma_wait3A_79] : memref<10240x128xf32, #tpu.memory_space<vmem_shared>> -> memref<640x128xf32, #tpu.memory_space<vmem_shared>>
        %dma_wait3A_81 = arith.constant 0 : i32
        %dma_wait3A_82 = tpu.memref_slice %arg2[%mul3A_7, %dma_wait3A_81] : memref<10240x128xf32, #tpu.memory_space<hbm>> -> memref<640x128xf32, #tpu.memory_space<hbm>>
        tpu.wait_dma2 semaphore(%run_scoped3A : memref<!tpu.dma_semaphore, #tpu.memory_space<semaphore_mem>>) src(%dma_wait3A_82 : memref<640x128xf32, #tpu.memory_space<hbm>>) dst(%dma_wait3A_80 : memref<640x128xf32, #tpu.memory_space<vmem_shared>>)
        tpu.yield
      }) : () -> ()
      %barrier3A = arith.constant 0 : index
      tpu.barrier barrier_id(%barrier3A)
      %mul3A_8 = arith.constant 80 : i32
      %mul3A_9 = arith.muli %arg1, %mul3A_8 : i32
      %add3A = arith.constant 0 : i32
      %add3A_10 = arith.addi %mul3A_9, %add3A : i32
      %mul3A_11 = arith.constant 128 : i32
      %mul3A_12 = arith.muli %add3A_10, %mul3A_11 : i32
      "tpu.region"() ({
        %run_scoped3A = tpu.sem_alloc : memref<!tpu.dma_semaphore, #tpu.memory_space<semaphore_mem>>
        %dma_start3A_75 = tpu.memref_slice %arg4[%mul3A_12] : memref<163840xi32, #tpu.memory_space<hbm>> -> memref<5120xi32, #tpu.memory_space<hbm>>
        %dma_start3A_76 = tpu.memref_slice %arg4[%mul3A_12] : memref<163840xi32, #tpu.memory_space<hbm>> -> memref<5120xi32, #tpu.memory_space<hbm>>
        tpu.enqueue_dma source(%dma_start3A_76 : memref<5120xi32, #tpu.memory_space<hbm>>) target(%arg9 : memref<5120xi32, #tpu.memory_space<vmem>>) target_semaphore(%run_scoped3A : memref<!tpu.dma_semaphore, #tpu.memory_space<semaphore_mem>>)
        %dma_wait3A_77 = tpu.memref_slice %arg4[%mul3A_12] : memref<163840xi32, #tpu.memory_space<hbm>> -> memref<5120xi32, #tpu.memory_space<hbm>>
        %dma_wait3A_78 = tpu.memref_slice %arg4[%mul3A_12] : memref<163840xi32, #tpu.memory_space<hbm>> -> memref<5120xi32, #tpu.memory_space<hbm>>
        tpu.wait_dma2 semaphore(%run_scoped3A : memref<!tpu.dma_semaphore, #tpu.memory_space<semaphore_mem>>) src(%dma_wait3A_78 : memref<5120xi32, #tpu.memory_space<hbm>>) dst(%arg9 : memref<5120xi32, #tpu.memory_space<vmem>>)
        tpu.yield
      }) : () -> ()
      "tpu.region"() ({
        %run_scoped3A = tpu.sem_alloc : memref<!tpu.dma_semaphore, #tpu.memory_space<semaphore_mem>>
        %dma_start3A_75 = arith.constant 0 : i32
        %dma_start3A_76 = tpu.memref_slice %arg5[%add3A_10, %dma_start3A_75] : memref<1280x128xi32, #tpu.memory_space<hbm>> -> memref<40x128xi32, #tpu.memory_space<hbm>>
        %dma_start3A_77 = arith.constant 0 : i32
        %dma_start3A_78 = tpu.memref_slice %arg5[%add3A_10, %dma_start3A_77] : memref<1280x128xi32, #tpu.memory_space<hbm>> -> memref<40x128xi32, #tpu.memory_space<hbm>>
        tpu.enqueue_dma source(%dma_start3A_78 : memref<40x128xi32, #tpu.memory_space<hbm>>) target(%arg10 : memref<40x128xi32, #tpu.memory_space<vmem>>) target_semaphore(%run_scoped3A : memref<!tpu.dma_semaphore, #tpu.memory_space<semaphore_mem>>)
        %dma_wait3A_79 = arith.constant 0 : i32
        %dma_wait3A_80 = tpu.memref_slice %arg5[%add3A_10, %dma_wait3A_79] : memref<1280x128xi32, #tpu.memory_space<hbm>> -> memref<40x128xi32, #tpu.memory_space<hbm>>
        %dma_wait3A_81 = arith.constant 0 : i32
        %dma_wait3A_82 = tpu.memref_slice %arg5[%add3A_10, %dma_wait3A_81] : memref<1280x128xi32, #tpu.memory_space<hbm>> -> memref<40x128xi32, #tpu.memory_space<hbm>>
        tpu.wait_dma2 semaphore(%run_scoped3A : memref<!tpu.dma_semaphore, #tpu.memory_space<semaphore_mem>>) src(%dma_wait3A_82 : memref<40x128xi32, #tpu.memory_space<hbm>>) dst(%arg10 : memref<40x128xi32, #tpu.memory_space<vmem>>)
        tpu.yield
      }) : () -> ()
      %dma_start3A = arith.constant 0 : i32
      %dma_start3A_13 = arith.constant 0 : i32
      %dma_start3A_14 = arith.constant 0 : i32
      %dma_start3A_15 = tpu.memref_slice %arg11[%dma_start3A, %dma_start3A_13, %dma_start3A_14] : memref<2x128x128xf32, #tpu.memory_space<vmem>> -> memref<1x128x128xf32, #tpu.memory_space<vmem>>
      %dma_start3A_16 = tpu.memref_squeeze %dma_start3A_15 : memref<1x128x128xf32, #tpu.memory_space<vmem>> -> memref<128x128xf32, #tpu.memory_space<vmem>>
      %dma_start3A_17 = arith.constant 0 : i32
      %dma_start3A_18 = tpu.memref_slice %arg9[%dma_start3A_17] : memref<5120xi32, #tpu.memory_space<vmem>> -> memref<128xi32, #tpu.memory_space<vmem>>
      %dma_start3A_19 = arith.constant 0 : i32
      %dma_start3A_20 = arith.constant 0 : i32
      %dma_start3A_21 = tpu.memref_slice %arg2[%dma_start3A_19, %dma_start3A_20] : memref<10240x128xf32, #tpu.memory_space<hbm>> -> memref<10240x128xf32, #tpu.memory_space<hbm>>
      tpu.enqueue_indirect_dma source(%dma_start3A_21 : memref<10240x128xf32, #tpu.memory_space<hbm>>) target(%dma_start3A_16 : memref<128x128xf32, #tpu.memory_space<vmem>>) offsets(%dma_start3A_18 : memref<128xi32, #tpu.memory_space<vmem>>) semaphore(%arg12 : memref<!tpu.dma_semaphore, #tpu.memory_space<semaphore_mem>>)
      %scan3A = arith.constant 0 : i32
      %scan3A_22 = arith.constant 0 : i32
      %scan3A_23 = arith.constant 40 : i32
      %scan3A_24 = arith.addi %scan3A_22, %scan3A_23 : i32
      %scan3A_25 = arith.constant 1 : i32
      %scan3A_26 = scf.for %scan3A_75 = %scan3A_22 to %scan3A_24 step %scan3A_25 iter_args(%scan3A_76 = %scan3A) -> (i32)  : i32 {
        %rem3A = arith.constant 2 : i32
        %rem3A_77 = arith.remsi %scan3A_75, %rem3A : i32
        %mul3A_78 = arith.constant 128 : i32
        %mul3A_79 = arith.muli %scan3A_75, %mul3A_78 : i32
        %dma_wait3A_80 = arith.constant 0 : i32
        %dma_wait3A_81 = arith.constant 0 : i32
        %dma_wait3A_82 = tpu.memref_slice %arg11[%rem3A_77, %dma_wait3A_80, %dma_wait3A_81] : memref<2x128x128xf32, #tpu.memory_space<vmem>> -> memref<1x128x128xf32, #tpu.memory_space<vmem>>
        %dma_wait3A_83 = tpu.memref_squeeze %dma_wait3A_82 : memref<1x128x128xf32, #tpu.memory_space<vmem>> -> memref<128x128xf32, #tpu.memory_space<vmem>>
        %dma_wait3A_84 = tpu.memref_slice %arg9[%mul3A_79] : memref<5120xi32, #tpu.memory_space<vmem>> -> memref<128xi32, #tpu.memory_space<vmem>>
        %dma_wait3A_85 = arith.constant 0 : i32
        %dma_wait3A_86 = arith.constant 0 : i32
        %dma_wait3A_87 = tpu.memref_slice %arg2[%dma_wait3A_85, %dma_wait3A_86] : memref<10240x128xf32, #tpu.memory_space<hbm>> -> memref<10240x128xf32, #tpu.memory_space<hbm>>
        tpu.wait_indirect_dma semaphore(%arg12 : memref<!tpu.dma_semaphore, #tpu.memory_space<semaphore_mem>>) src(%dma_wait3A_87 : memref<10240x128xf32, #tpu.memory_space<hbm>>) dst(%dma_wait3A_83 : memref<128x128xf32, #tpu.memory_space<vmem>>)
        %dma_start3A_88 = arith.constant 0 : i32
        %dma_start3A_89 = arith.constant 0 : i32
        %dma_start3A_90 = tpu.memref_slice %arg11[%rem3A_77, %dma_start3A_88, %dma_start3A_89] : memref<2x128x128xf32, #tpu.memory_space<vmem>> -> memref<1x128x128xf32, #tpu.memory_space<vmem>>
        %dma_start3A_91 = tpu.memref_squeeze %dma_start3A_90 : memref<1x128x128xf32, #tpu.memory_space<vmem>> -> memref<128x128xf32, #tpu.memory_space<vmem>>
        %dma_start3A_92 = arith.constant 0 : i32
        %dma_start3A_93 = tpu.memref_slice %arg10[%scan3A_75, %dma_start3A_92] : memref<40x128xi32, #tpu.memory_space<vmem>> -> memref<1x128xi32, #tpu.memory_space<vmem>>
        %dma_start3A_94 = tpu.memref_squeeze %dma_start3A_93 : memref<1x128xi32, #tpu.memory_space<vmem>> -> memref<128xi32, #tpu.memory_space<vmem>>
        %dma_start3A_95 = arith.constant 0 : i32
        %dma_start3A_96 = arith.constant 0 : i32
        %dma_start3A_97 = tpu.memref_slice %arg8[%dma_start3A_95, %dma_start3A_96] : memref<10240x128xf32, #tpu.memory_space<vmem_shared>> -> memref<10240x128xf32, #tpu.memory_space<vmem_shared>>
        tpu.enqueue_indirect_dma source(%dma_start3A_91 : memref<128x128xf32, #tpu.memory_space<vmem>>) target(%dma_start3A_97 : memref<10240x128xf32, #tpu.memory_space<vmem_shared>>) offsets(%dma_start3A_94 : memref<128xi32, #tpu.memory_space<vmem>>) semaphore(%arg13 : memref<!tpu.dma_semaphore, #tpu.memory_space<semaphore_mem>>) {add = true}
        %ge3A = arith.constant 1 : i32
        %ge3A_98 = arith.cmpi sge, %scan3A_75, %ge3A : i32
        %convert_element_type3A_99 = arith.extui %ge3A_98 : i1 to i32
        %cond3A_100 = arith.constant 0 : i32
        %cond3A_101 = arith.cmpi ne, %convert_element_type3A_99, %cond3A_100 : i32
        scf.if %cond3A_101 {
          %sub3A = arith.constant 1 : i32
          %sub3A_109 = arith.subi %sub3A, %rem3A_77 : i32
          %sub3A_110 = arith.constant 1 : i32
          %sub3A_111 = arith.subi %scan3A_75, %sub3A_110 : i32
          %dma_wait3A_112 = arith.constant 0 : i32
          %dma_wait3A_113 = arith.constant 0 : i32
          %dma_wait3A_114 = tpu.memref_slice %arg11[%sub3A_109, %dma_wait3A_112, %dma_wait3A_113] : memref<2x128x128xf32, #tpu.memory_space<vmem>> -> memref<1x128x128xf32, #tpu.memory_space<vmem>>
          %dma_wait3A_115 = tpu.memref_squeeze %dma_wait3A_114 : memref<1x128x128xf32, #tpu.memory_space<vmem>> -> memref<128x128xf32, #tpu.memory_space<vmem>>
          %dma_wait3A_116 = arith.constant 0 : i32
          %dma_wait3A_117 = tpu.memref_slice %arg10[%sub3A_111, %dma_wait3A_116] : memref<40x128xi32, #tpu.memory_space<vmem>> -> memref<1x128xi32, #tpu.memory_space<vmem>>
          %dma_wait3A_118 = tpu.memref_squeeze %dma_wait3A_117 : memref<1x128xi32, #tpu.memory_space<vmem>> -> memref<128xi32, #tpu.memory_space<vmem>>
          %dma_wait3A_119 = arith.constant 0 : i32
          %dma_wait3A_120 = arith.constant 0 : i32
          %dma_wait3A_121 = tpu.memref_slice %arg8[%dma_wait3A_119, %dma_wait3A_120] : memref<10240x128xf32, #tpu.memory_space<vmem_shared>> -> memref<10240x128xf32, #tpu.memory_space<vmem_shared>>
          tpu.wait_indirect_dma semaphore(%arg13 : memref<!tpu.dma_semaphore, #tpu.memory_space<semaphore_mem>>) src(%dma_wait3A_115 : memref<128x128xf32, #tpu.memory_space<vmem>>) dst(%dma_wait3A_121 : memref<10240x128xf32, #tpu.memory_space<vmem_shared>>)
        } else {
        }
        %add3A_102 = arith.constant 1 : i32
        %add3A_103 = arith.addi %scan3A_75, %add3A_102 : i32
        %lt3A = arith.constant 40 : i32
        %lt3A_104 = arith.cmpi slt, %add3A_103, %lt3A : i32
        %convert_element_type3A_105 = arith.extui %lt3A_104 : i1 to i32
        %cond3A_106 = arith.constant 0 : i32
        %cond3A_107 = arith.cmpi ne, %convert_element_type3A_105, %cond3A_106 : i32
        scf.if %cond3A_107 {
          %add3A_109 = arith.constant 1 : i32
          %add3A_110 = arith.addi %scan3A_75, %add3A_109 : i32
          %mul3A_111 = arith.constant 128 : i32
          %mul3A_112 = arith.muli %add3A_110, %mul3A_111 : i32
          %sub3A = arith.constant 1 : i32
          %sub3A_113 = arith.subi %sub3A, %rem3A_77 : i32
          %dma_start3A_114 = arith.constant 0 : i32
          %dma_start3A_115 = arith.constant 0 : i32
          %dma_start3A_116 = tpu.memref_slice %arg11[%sub3A_113, %dma_start3A_114, %dma_start3A_115] : memref<2x128x128xf32, #tpu.memory_space<vmem>> -> memref<1x128x128xf32, #tpu.memory_space<vmem>>
          %dma_start3A_117 = tpu.memref_squeeze %dma_start3A_116 : memref<1x128x128xf32, #tpu.memory_space<vmem>> -> memref<128x128xf32, #tpu.memory_space<vmem>>
          %dma_start3A_118 = tpu.memref_slice %arg9[%mul3A_112] : memref<5120xi32, #tpu.memory_space<vmem>> -> memref<128xi32, #tpu.memory_space<vmem>>
          %dma_start3A_119 = arith.constant 0 : i32
          %dma_start3A_120 = arith.constant 0 : i32
          %dma_start3A_121 = tpu.memref_slice %arg2[%dma_start3A_119, %dma_start3A_120] : memref<10240x128xf32, #tpu.memory_space<hbm>> -> memref<10240x128xf32, #tpu.memory_space<hbm>>
          tpu.enqueue_indirect_dma source(%dma_start3A_121 : memref<10240x128xf32, #tpu.memory_space<hbm>>) target(%dma_start3A_117 : memref<128x128xf32, #tpu.memory_space<vmem>>) offsets(%dma_start3A_118 : memref<128xi32, #tpu.memory_space<vmem>>) semaphore(%arg12 : memref<!tpu.dma_semaphore, #tpu.memory_space<semaphore_mem>>)
        } else {
        }
        %scan3A_108 = arith.constant 0 : i32
        scf.yield %scan3A_108 : i32
      }
      %scan3A_27 = arith.constant 40 : i32
      %dma_wait3A = arith.constant 1 : i32
      %dma_wait3A_28 = arith.constant 39 : i32
      %dma_wait3A_29 = arith.constant 0 : i32
      %dma_wait3A_30 = arith.constant 0 : i32
      %dma_wait3A_31 = tpu.memref_slice %arg11[%dma_wait3A, %dma_wait3A_29, %dma_wait3A_30] : memref<2x128x128xf32, #tpu.memory_space<vmem>> -> memref<1x128x128xf32, #tpu.memory_space<vmem>>
      %dma_wait3A_32 = tpu.memref_squeeze %dma_wait3A_31 : memref<1x128x128xf32, #tpu.memory_space<vmem>> -> memref<128x128xf32, #tpu.memory_space<vmem>>
      %dma_wait3A_33 = arith.constant 0 : i32
      %dma_wait3A_34 = tpu.memref_slice %arg10[%dma_wait3A_28, %dma_wait3A_33] : memref<40x128xi32, #tpu.memory_space<vmem>> -> memref<1x128xi32, #tpu.memory_space<vmem>>
      %dma_wait3A_35 = tpu.memref_squeeze %dma_wait3A_34 : memref<1x128xi32, #tpu.memory_space<vmem>> -> memref<128xi32, #tpu.memory_space<vmem>>
      %dma_wait3A_36 = arith.constant 0 : i32
      %dma_wait3A_37 = arith.constant 0 : i32
      %dma_wait3A_38 = tpu.memref_slice %arg8[%dma_wait3A_36, %dma_wait3A_37] : memref<10240x128xf32, #tpu.memory_space<vmem_shared>> -> memref<10240x128xf32, #tpu.memory_space<vmem_shared>>
      tpu.wait_indirect_dma semaphore(%arg13 : memref<!tpu.dma_semaphore, #tpu.memory_space<semaphore_mem>>) src(%dma_wait3A_32 : memref<128x128xf32, #tpu.memory_space<vmem>>) dst(%dma_wait3A_38 : memref<10240x128xf32, #tpu.memory_space<vmem_shared>>)
      %mul3A_39 = arith.constant 80 : i32
      %mul3A_40 = arith.muli %arg1, %mul3A_39 : i32
      %add3A_41 = arith.constant 40 : i32
      %add3A_42 = arith.addi %mul3A_40, %add3A_41 : i32
      %mul3A_43 = arith.constant 128 : i32
      %mul3A_44 = arith.muli %add3A_42, %mul3A_43 : i32
      "tpu.region"() ({
        %run_scoped3A = tpu.sem_alloc : memref<!tpu.dma_semaphore, #tpu.memory_space<semaphore_mem>>
        %dma_start3A_75 = tpu.memref_slice %arg4[%mul3A_44] : memref<163840xi32, #tpu.memory_space<hbm>> -> memref<5120xi32, #tpu.memory_space<hbm>>
        %dma_start3A_76 = tpu.memref_slice %arg4[%mul3A_44] : memref<163840xi32, #tpu.memory_space<hbm>> -> memref<5120xi32, #tpu.memory_space<hbm>>
        tpu.enqueue_dma source(%dma_start3A_76 : memref<5120xi32, #tpu.memory_space<hbm>>) target(%arg9 : memref<5120xi32, #tpu.memory_space<vmem>>) target_semaphore(%run_scoped3A : memref<!tpu.dma_semaphore, #tpu.memory_space<semaphore_mem>>)
        %dma_wait3A_77 = tpu.memref_slice %arg4[%mul3A_44] : memref<163840xi32, #tpu.memory_space<hbm>> -> memref<5120xi32, #tpu.memory_space<hbm>>
        %dma_wait3A_78 = tpu.memref_slice %arg4[%mul3A_44] : memref<163840xi32, #tpu.memory_space<hbm>> -> memref<5120xi32, #tpu.memory_space<hbm>>
        tpu.wait_dma2 semaphore(%run_scoped3A : memref<!tpu.dma_semaphore, #tpu.memory_space<semaphore_mem>>) src(%dma_wait3A_78 : memref<5120xi32, #tpu.memory_space<hbm>>) dst(%arg9 : memref<5120xi32, #tpu.memory_space<vmem>>)
        tpu.yield
      }) : () -> ()
      "tpu.region"() ({
        %run_scoped3A = tpu.sem_alloc : memref<!tpu.dma_semaphore, #tpu.memory_space<semaphore_mem>>
        %dma_start3A_75 = arith.constant 0 : i32
        %dma_start3A_76 = tpu.memref_slice %arg5[%add3A_42, %dma_start3A_75] : memref<1280x128xi32, #tpu.memory_space<hbm>> -> memref<40x128xi32, #tpu.memory_space<hbm>>
        %dma_start3A_77 = arith.constant 0 : i32
        %dma_start3A_78 = tpu.memref_slice %arg5[%add3A_42, %dma_start3A_77] : memref<1280x128xi32, #tpu.memory_space<hbm>> -> memref<40x128xi32, #tpu.memory_space<hbm>>
        tpu.enqueue_dma source(%dma_start3A_78 : memref<40x128xi32, #tpu.memory_space<hbm>>) target(%arg10 : memref<40x128xi32, #tpu.memory_space<vmem>>) target_semaphore(%run_scoped3A : memref<!tpu.dma_semaphore, #tpu.memory_space<semaphore_mem>>)
        %dma_wait3A_79 = arith.constant 0 : i32
        %dma_wait3A_80 = tpu.memref_slice %arg5[%add3A_42, %dma_wait3A_79] : memref<1280x128xi32, #tpu.memory_space<hbm>> -> memref<40x128xi32, #tpu.memory_space<hbm>>
        %dma_wait3A_81 = arith.constant 0 : i32
        %dma_wait3A_82 = tpu.memref_slice %arg5[%add3A_42, %dma_wait3A_81] : memref<1280x128xi32, #tpu.memory_space<hbm>> -> memref<40x128xi32, #tpu.memory_space<hbm>>
        tpu.wait_dma2 semaphore(%run_scoped3A : memref<!tpu.dma_semaphore, #tpu.memory_space<semaphore_mem>>) src(%dma_wait3A_82 : memref<40x128xi32, #tpu.memory_space<hbm>>) dst(%arg10 : memref<40x128xi32, #tpu.memory_space<vmem>>)
        tpu.yield
      }) : () -> ()
      %dma_start3A_45 = arith.constant 0 : i32
      %dma_start3A_46 = arith.constant 0 : i32
      %dma_start3A_47 = arith.constant 0 : i32
      %dma_start3A_48 = tpu.memref_slice %arg11[%dma_start3A_45, %dma_start3A_46, %dma_start3A_47] : memref<2x128x128xf32, #tpu.memory_space<vmem>> -> memref<1x128x128xf32, #tpu.memory_space<vmem>>
      %dma_start3A_49 = tpu.memref_squeeze %dma_start3A_48 : memref<1x128x128xf32, #tpu.memory_space<vmem>> -> memref<128x128xf32, #tpu.memory_space<vmem>>
      %dma_start3A_50 = arith.constant 0 : i32
      %dma_start3A_51 = tpu.memref_slice %arg9[%dma_start3A_50] : memref<5120xi32, #tpu.memory_space<vmem>> -> memref<128xi32, #tpu.memory_space<vmem>>
      %dma_start3A_52 = arith.constant 0 : i32
      %dma_start3A_53 = arith.constant 0 : i32
      %dma_start3A_54 = tpu.memref_slice %arg2[%dma_start3A_52, %dma_start3A_53] : memref<10240x128xf32, #tpu.memory_space<hbm>> -> memref<10240x128xf32, #tpu.memory_space<hbm>>
      tpu.enqueue_indirect_dma source(%dma_start3A_54 : memref<10240x128xf32, #tpu.memory_space<hbm>>) target(%dma_start3A_49 : memref<128x128xf32, #tpu.memory_space<vmem>>) offsets(%dma_start3A_51 : memref<128xi32, #tpu.memory_space<vmem>>) semaphore(%arg12 : memref<!tpu.dma_semaphore, #tpu.memory_space<semaphore_mem>>)
      %scan3A_55 = arith.constant 0 : i32
      %scan3A_56 = arith.constant 0 : i32
      %scan3A_57 = arith.constant 40 : i32
      %scan3A_58 = arith.addi %scan3A_56, %scan3A_57 : i32
      %scan3A_59 = arith.constant 1 : i32
      %scan3A_60 = scf.for %scan3A_75 = %scan3A_56 to %scan3A_58 step %scan3A_59 iter_args(%scan3A_76 = %scan3A_55) -> (i32)  : i32 {
        %rem3A = arith.constant 2 : i32
        %rem3A_77 = arith.remsi %scan3A_75, %rem3A : i32
        %mul3A_78 = arith.constant 128 : i32
        %mul3A_79 = arith.muli %scan3A_75, %mul3A_78 : i32
        %dma_wait3A_80 = arith.constant 0 : i32
        %dma_wait3A_81 = arith.constant 0 : i32
        %dma_wait3A_82 = tpu.memref_slice %arg11[%rem3A_77, %dma_wait3A_80, %dma_wait3A_81] : memref<2x128x128xf32, #tpu.memory_space<vmem>> -> memref<1x128x128xf32, #tpu.memory_space<vmem>>
        %dma_wait3A_83 = tpu.memref_squeeze %dma_wait3A_82 : memref<1x128x128xf32, #tpu.memory_space<vmem>> -> memref<128x128xf32, #tpu.memory_space<vmem>>
        %dma_wait3A_84 = tpu.memref_slice %arg9[%mul3A_79] : memref<5120xi32, #tpu.memory_space<vmem>> -> memref<128xi32, #tpu.memory_space<vmem>>
        %dma_wait3A_85 = arith.constant 0 : i32
        %dma_wait3A_86 = arith.constant 0 : i32
        %dma_wait3A_87 = tpu.memref_slice %arg2[%dma_wait3A_85, %dma_wait3A_86] : memref<10240x128xf32, #tpu.memory_space<hbm>> -> memref<10240x128xf32, #tpu.memory_space<hbm>>
        tpu.wait_indirect_dma semaphore(%arg12 : memref<!tpu.dma_semaphore, #tpu.memory_space<semaphore_mem>>) src(%dma_wait3A_87 : memref<10240x128xf32, #tpu.memory_space<hbm>>) dst(%dma_wait3A_83 : memref<128x128xf32, #tpu.memory_space<vmem>>)
        %dma_start3A_88 = arith.constant 0 : i32
        %dma_start3A_89 = arith.constant 0 : i32
        %dma_start3A_90 = tpu.memref_slice %arg11[%rem3A_77, %dma_start3A_88, %dma_start3A_89] : memref<2x128x128xf32, #tpu.memory_space<vmem>> -> memref<1x128x128xf32, #tpu.memory_space<vmem>>
        %dma_start3A_91 = tpu.memref_squeeze %dma_start3A_90 : memref<1x128x128xf32, #tpu.memory_space<vmem>> -> memref<128x128xf32, #tpu.memory_space<vmem>>
        %dma_start3A_92 = arith.constant 0 : i32
        %dma_start3A_93 = tpu.memref_slice %arg10[%scan3A_75, %dma_start3A_92] : memref<40x128xi32, #tpu.memory_space<vmem>> -> memref<1x128xi32, #tpu.memory_space<vmem>>
        %dma_start3A_94 = tpu.memref_squeeze %dma_start3A_93 : memref<1x128xi32, #tpu.memory_space<vmem>> -> memref<128xi32, #tpu.memory_space<vmem>>
        %dma_start3A_95 = arith.constant 0 : i32
        %dma_start3A_96 = arith.constant 0 : i32
        %dma_start3A_97 = tpu.memref_slice %arg8[%dma_start3A_95, %dma_start3A_96] : memref<10240x128xf32, #tpu.memory_space<vmem_shared>> -> memref<10240x128xf32, #tpu.memory_space<vmem_shared>>
        tpu.enqueue_indirect_dma source(%dma_start3A_91 : memref<128x128xf32, #tpu.memory_space<vmem>>) target(%dma_start3A_97 : memref<10240x128xf32, #tpu.memory_space<vmem_shared>>) offsets(%dma_start3A_94 : memref<128xi32, #tpu.memory_space<vmem>>) semaphore(%arg13 : memref<!tpu.dma_semaphore, #tpu.memory_space<semaphore_mem>>) {add = true}
        %ge3A = arith.constant 1 : i32
        %ge3A_98 = arith.cmpi sge, %scan3A_75, %ge3A : i32
        %convert_element_type3A_99 = arith.extui %ge3A_98 : i1 to i32
        %cond3A_100 = arith.constant 0 : i32
        %cond3A_101 = arith.cmpi ne, %convert_element_type3A_99, %cond3A_100 : i32
        scf.if %cond3A_101 {
          %sub3A = arith.constant 1 : i32
          %sub3A_109 = arith.subi %sub3A, %rem3A_77 : i32
          %sub3A_110 = arith.constant 1 : i32
          %sub3A_111 = arith.subi %scan3A_75, %sub3A_110 : i32
          %dma_wait3A_112 = arith.constant 0 : i32
          %dma_wait3A_113 = arith.constant 0 : i32
          %dma_wait3A_114 = tpu.memref_slice %arg11[%sub3A_109, %dma_wait3A_112, %dma_wait3A_113] : memref<2x128x128xf32, #tpu.memory_space<vmem>> -> memref<1x128x128xf32, #tpu.memory_space<vmem>>
          %dma_wait3A_115 = tpu.memref_squeeze %dma_wait3A_114 : memref<1x128x128xf32, #tpu.memory_space<vmem>> -> memref<128x128xf32, #tpu.memory_space<vmem>>
          %dma_wait3A_116 = arith.constant 0 : i32
          %dma_wait3A_117 = tpu.memref_slice %arg10[%sub3A_111, %dma_wait3A_116] : memref<40x128xi32, #tpu.memory_space<vmem>> -> memref<1x128xi32, #tpu.memory_space<vmem>>
          %dma_wait3A_118 = tpu.memref_squeeze %dma_wait3A_117 : memref<1x128xi32, #tpu.memory_space<vmem>> -> memref<128xi32, #tpu.memory_space<vmem>>
          %dma_wait3A_119 = arith.constant 0 : i32
          %dma_wait3A_120 = arith.constant 0 : i32
          %dma_wait3A_121 = tpu.memref_slice %arg8[%dma_wait3A_119, %dma_wait3A_120] : memref<10240x128xf32, #tpu.memory_space<vmem_shared>> -> memref<10240x128xf32, #tpu.memory_space<vmem_shared>>
          tpu.wait_indirect_dma semaphore(%arg13 : memref<!tpu.dma_semaphore, #tpu.memory_space<semaphore_mem>>) src(%dma_wait3A_115 : memref<128x128xf32, #tpu.memory_space<vmem>>) dst(%dma_wait3A_121 : memref<10240x128xf32, #tpu.memory_space<vmem_shared>>)
        } else {
        }
        %add3A_102 = arith.constant 1 : i32
        %add3A_103 = arith.addi %scan3A_75, %add3A_102 : i32
        %lt3A = arith.constant 40 : i32
        %lt3A_104 = arith.cmpi slt, %add3A_103, %lt3A : i32
        %convert_element_type3A_105 = arith.extui %lt3A_104 : i1 to i32
        %cond3A_106 = arith.constant 0 : i32
        %cond3A_107 = arith.cmpi ne, %convert_element_type3A_105, %cond3A_106 : i32
        scf.if %cond3A_107 {
          %add3A_109 = arith.constant 1 : i32
          %add3A_110 = arith.addi %scan3A_75, %add3A_109 : i32
          %mul3A_111 = arith.constant 128 : i32
          %mul3A_112 = arith.muli %add3A_110, %mul3A_111 : i32
          %sub3A = arith.constant 1 : i32
          %sub3A_113 = arith.subi %sub3A, %rem3A_77 : i32
          %dma_start3A_114 = arith.constant 0 : i32
          %dma_start3A_115 = arith.constant 0 : i32
          %dma_start3A_116 = tpu.memref_slice %arg11[%sub3A_113, %dma_start3A_114, %dma_start3A_115] : memref<2x128x128xf32, #tpu.memory_space<vmem>> -> memref<1x128x128xf32, #tpu.memory_space<vmem>>
          %dma_start3A_117 = tpu.memref_squeeze %dma_start3A_116 : memref<1x128x128xf32, #tpu.memory_space<vmem>> -> memref<128x128xf32, #tpu.memory_space<vmem>>
          %dma_start3A_118 = tpu.memref_slice %arg9[%mul3A_112] : memref<5120xi32, #tpu.memory_space<vmem>> -> memref<128xi32, #tpu.memory_space<vmem>>
          %dma_start3A_119 = arith.constant 0 : i32
          %dma_start3A_120 = arith.constant 0 : i32
          %dma_start3A_121 = tpu.memref_slice %arg2[%dma_start3A_119, %dma_start3A_120] : memref<10240x128xf32, #tpu.memory_space<hbm>> -> memref<10240x128xf32, #tpu.memory_space<hbm>>
          tpu.enqueue_indirect_dma source(%dma_start3A_121 : memref<10240x128xf32, #tpu.memory_space<hbm>>) target(%dma_start3A_117 : memref<128x128xf32, #tpu.memory_space<vmem>>) offsets(%dma_start3A_118 : memref<128xi32, #tpu.memory_space<vmem>>) semaphore(%arg12 : memref<!tpu.dma_semaphore, #tpu.memory_space<semaphore_mem>>)
        } else {
        }
        %scan3A_108 = arith.constant 0 : i32
        scf.yield %scan3A_108 : i32
      }
      %scan3A_61 = arith.constant 40 : i32
      %dma_wait3A_62 = arith.constant 1 : i32
      %dma_wait3A_63 = arith.constant 39 : i32
      %dma_wait3A_64 = arith.constant 0 : i32
      %dma_wait3A_65 = arith.constant 0 : i32
      %dma_wait3A_66 = tpu.memref_slice %arg11[%dma_wait3A_62, %dma_wait3A_64, %dma_wait3A_65] : memref<2x128x128xf32, #tpu.memory_space<vmem>> -> memref<1x128x128xf32, #tpu.memory_space<vmem>>
      %dma_wait3A_67 = tpu.memref_squeeze %dma_wait3A_66 : memref<1x128x128xf32, #tpu.memory_space<vmem>> -> memref<128x128xf32, #tpu.memory_space<vmem>>
      %dma_wait3A_68 = arith.constant 0 : i32
      %dma_wait3A_69 = tpu.memref_slice %arg10[%dma_wait3A_63, %dma_wait3A_68] : memref<40x128xi32, #tpu.memory_space<vmem>> -> memref<1x128xi32, #tpu.memory_space<vmem>>
      %dma_wait3A_70 = tpu.memref_squeeze %dma_wait3A_69 : memref<1x128xi32, #tpu.memory_space<vmem>> -> memref<128xi32, #tpu.memory_space<vmem>>
      %dma_wait3A_71 = arith.constant 0 : i32
      %dma_wait3A_72 = arith.constant 0 : i32
      %dma_wait3A_73 = tpu.memref_slice %arg8[%dma_wait3A_71, %dma_wait3A_72] : memref<10240x128xf32, #tpu.memory_space<vmem_shared>> -> memref<10240x128xf32, #tpu.memory_space<vmem_shared>>
      tpu.wait_indirect_dma semaphore(%arg13 : memref<!tpu.dma_semaphore, #tpu.memory_space<semaphore_mem>>) src(%dma_wait3A_67 : memref<128x128xf32, #tpu.memory_space<vmem>>) dst(%dma_wait3A_73 : memref<10240x128xf32, #tpu.memory_space<vmem_shared>>)
      %barrier3A_74 = arith.constant 0 : index
      tpu.barrier barrier_id(%barrier3A_74)
      "tpu.region"() ({
        %run_scoped3A = tpu.sem_alloc : memref<!tpu.dma_semaphore, #tpu.memory_space<semaphore_mem>>
        %dma_start3A_75 = arith.constant 0 : i32
        %dma_start3A_76 = tpu.memref_slice %arg6[%mul3A_7, %dma_start3A_75] : memref<10240x128xf32, #tpu.memory_space<hbm>> -> memref<640x128xf32, #tpu.memory_space<hbm>>
        %dma_start3A_77 = arith.constant 0 : i32
        %dma_start3A_78 = tpu.memref_slice %arg8[%mul3A_7, %dma_start3A_77] : memref<10240x128xf32, #tpu.memory_space<vmem_shared>> -> memref<640x128xf32, #tpu.memory_space<vmem_shared>>
        tpu.enqueue_dma source(%dma_start3A_78 : memref<640x128xf32, #tpu.memory_space<vmem_shared>>) target(%dma_start3A_76 : memref<640x128xf32, #tpu.memory_space<hbm>>) target_semaphore(%run_scoped3A : memref<!tpu.dma_semaphore, #tpu.memory_space<semaphore_mem>>)
        %dma_wait3A_79 = arith.constant 0 : i32
        %dma_wait3A_80 = tpu.memref_slice %arg6[%mul3A_7, %dma_wait3A_79] : memref<10240x128xf32, #tpu.memory_space<hbm>> -> memref<640x128xf32, #tpu.memory_space<hbm>>
        %dma_wait3A_81 = arith.constant 0 : i32
        %dma_wait3A_82 = tpu.memref_slice %arg8[%mul3A_7, %dma_wait3A_81] : memref<10240x128xf32, #tpu.memory_space<vmem_shared>> -> memref<640x128xf32, #tpu.memory_space<vmem_shared>>
        tpu.wait_dma2 semaphore(%run_scoped3A : memref<!tpu.dma_semaphore, #tpu.memory_space<semaphore_mem>>) src(%dma_wait3A_82 : memref<640x128xf32, #tpu.memory_space<vmem_shared>>) dst(%dma_wait3A_80 : memref<640x128xf32, #tpu.memory_space<hbm>>)
        tpu.yield
      }) : () -> ()
    } else {
    }
    %eq3A_2 = arith.constant 1 : i32
    %eq3A_3 = arith.cmpi eq, %arg0, %eq3A_2 : i32
    %convert_element_type3A_4 = arith.extui %eq3A_3 : i1 to i32
    %cond3A_5 = arith.constant 0 : i32
    %cond3A_6 = arith.cmpi ne, %convert_element_type3A_4, %cond3A_5 : i32
    scf.if %cond3A_6 {
      %mul3A = arith.constant 640 : i32
      %mul3A_7 = arith.muli %arg1, %mul3A : i32
      "tpu.region"() ({
        %run_scoped3A = tpu.sem_alloc : memref<!tpu.dma_semaphore, #tpu.memory_space<semaphore_mem>>
        %dma_start3A_75 = arith.constant 0 : i32
        %dma_start3A_76 = tpu.memref_slice %arg8[%mul3A_7, %dma_start3A_75] : memref<10240x128xf32, #tpu.memory_space<vmem_shared>> -> memref<640x128xf32, #tpu.memory_space<vmem_shared>>
        %dma_start3A_77 = arith.constant 0 : i32
        %dma_start3A_78 = tpu.memref_slice %arg3[%mul3A_7, %dma_start3A_77] : memref<10240x128xf32, #tpu.memory_space<hbm>> -> memref<640x128xf32, #tpu.memory_space<hbm>>
        tpu.enqueue_dma source(%dma_start3A_78 : memref<640x128xf32, #tpu.memory_space<hbm>>) target(%dma_start3A_76 : memref<640x128xf32, #tpu.memory_space<vmem_shared>>) target_semaphore(%run_scoped3A : memref<!tpu.dma_semaphore, #tpu.memory_space<semaphore_mem>>)
        %dma_wait3A_79 = arith.constant 0 : i32
        %dma_wait3A_80 = tpu.memref_slice %arg8[%mul3A_7, %dma_wait3A_79] : memref<10240x128xf32, #tpu.memory_space<vmem_shared>> -> memref<640x128xf32, #tpu.memory_space<vmem_shared>>
        %dma_wait3A_81 = arith.constant 0 : i32
        %dma_wait3A_82 = tpu.memref_slice %arg3[%mul3A_7, %dma_wait3A_81] : memref<10240x128xf32, #tpu.memory_space<hbm>> -> memref<640x128xf32, #tpu.memory_space<hbm>>
        tpu.wait_dma2 semaphore(%run_scoped3A : memref<!tpu.dma_semaphore, #tpu.memory_space<semaphore_mem>>) src(%dma_wait3A_82 : memref<640x128xf32, #tpu.memory_space<hbm>>) dst(%dma_wait3A_80 : memref<640x128xf32, #tpu.memory_space<vmem_shared>>)
        tpu.yield
      }) : () -> ()
      %barrier3A = arith.constant 0 : index
      tpu.barrier barrier_id(%barrier3A)
      %mul3A_8 = arith.constant 80 : i32
      %mul3A_9 = arith.muli %arg1, %mul3A_8 : i32
      %add3A = arith.constant 0 : i32
      %add3A_10 = arith.addi %mul3A_9, %add3A : i32
      %mul3A_11 = arith.constant 128 : i32
      %mul3A_12 = arith.muli %add3A_10, %mul3A_11 : i32
      "tpu.region"() ({
        %run_scoped3A = tpu.sem_alloc : memref<!tpu.dma_semaphore, #tpu.memory_space<semaphore_mem>>
        %dma_start3A_75 = tpu.memref_slice %arg4[%mul3A_12] : memref<163840xi32, #tpu.memory_space<hbm>> -> memref<5120xi32, #tpu.memory_space<hbm>>
        %dma_start3A_76 = tpu.memref_slice %arg4[%mul3A_12] : memref<163840xi32, #tpu.memory_space<hbm>> -> memref<5120xi32, #tpu.memory_space<hbm>>
        tpu.enqueue_dma source(%dma_start3A_76 : memref<5120xi32, #tpu.memory_space<hbm>>) target(%arg9 : memref<5120xi32, #tpu.memory_space<vmem>>) target_semaphore(%run_scoped3A : memref<!tpu.dma_semaphore, #tpu.memory_space<semaphore_mem>>)
        %dma_wait3A_77 = tpu.memref_slice %arg4[%mul3A_12] : memref<163840xi32, #tpu.memory_space<hbm>> -> memref<5120xi32, #tpu.memory_space<hbm>>
        %dma_wait3A_78 = tpu.memref_slice %arg4[%mul3A_12] : memref<163840xi32, #tpu.memory_space<hbm>> -> memref<5120xi32, #tpu.memory_space<hbm>>
        tpu.wait_dma2 semaphore(%run_scoped3A : memref<!tpu.dma_semaphore, #tpu.memory_space<semaphore_mem>>) src(%dma_wait3A_78 : memref<5120xi32, #tpu.memory_space<hbm>>) dst(%arg9 : memref<5120xi32, #tpu.memory_space<vmem>>)
        tpu.yield
      }) : () -> ()
      "tpu.region"() ({
        %run_scoped3A = tpu.sem_alloc : memref<!tpu.dma_semaphore, #tpu.memory_space<semaphore_mem>>
        %dma_start3A_75 = arith.constant 0 : i32
        %dma_start3A_76 = tpu.memref_slice %arg5[%add3A_10, %dma_start3A_75] : memref<1280x128xi32, #tpu.memory_space<hbm>> -> memref<40x128xi32, #tpu.memory_space<hbm>>
        %dma_start3A_77 = arith.constant 0 : i32
        %dma_start3A_78 = tpu.memref_slice %arg5[%add3A_10, %dma_start3A_77] : memref<1280x128xi32, #tpu.memory_space<hbm>> -> memref<40x128xi32, #tpu.memory_space<hbm>>
        tpu.enqueue_dma source(%dma_start3A_78 : memref<40x128xi32, #tpu.memory_space<hbm>>) target(%arg10 : memref<40x128xi32, #tpu.memory_space<vmem>>) target_semaphore(%run_scoped3A : memref<!tpu.dma_semaphore, #tpu.memory_space<semaphore_mem>>)
        %dma_wait3A_79 = arith.constant 0 : i32
        %dma_wait3A_80 = tpu.memref_slice %arg5[%add3A_10, %dma_wait3A_79] : memref<1280x128xi32, #tpu.memory_space<hbm>> -> memref<40x128xi32, #tpu.memory_space<hbm>>
        %dma_wait3A_81 = arith.constant 0 : i32
        %dma_wait3A_82 = tpu.memref_slice %arg5[%add3A_10, %dma_wait3A_81] : memref<1280x128xi32, #tpu.memory_space<hbm>> -> memref<40x128xi32, #tpu.memory_space<hbm>>
        tpu.wait_dma2 semaphore(%run_scoped3A : memref<!tpu.dma_semaphore, #tpu.memory_space<semaphore_mem>>) src(%dma_wait3A_82 : memref<40x128xi32, #tpu.memory_space<hbm>>) dst(%arg10 : memref<40x128xi32, #tpu.memory_space<vmem>>)
        tpu.yield
      }) : () -> ()
      %dma_start3A = arith.constant 0 : i32
      %dma_start3A_13 = arith.constant 0 : i32
      %dma_start3A_14 = arith.constant 0 : i32
      %dma_start3A_15 = tpu.memref_slice %arg11[%dma_start3A, %dma_start3A_13, %dma_start3A_14] : memref<2x128x128xf32, #tpu.memory_space<vmem>> -> memref<1x128x128xf32, #tpu.memory_space<vmem>>
      %dma_start3A_16 = tpu.memref_squeeze %dma_start3A_15 : memref<1x128x128xf32, #tpu.memory_space<vmem>> -> memref<128x128xf32, #tpu.memory_space<vmem>>
      %dma_start3A_17 = arith.constant 0 : i32
      %dma_start3A_18 = tpu.memref_slice %arg9[%dma_start3A_17] : memref<5120xi32, #tpu.memory_space<vmem>> -> memref<128xi32, #tpu.memory_space<vmem>>
      %dma_start3A_19 = arith.constant 0 : i32
      %dma_start3A_20 = arith.constant 0 : i32
      %dma_start3A_21 = tpu.memref_slice %arg3[%dma_start3A_19, %dma_start3A_20] : memref<10240x128xf32, #tpu.memory_space<hbm>> -> memref<10240x128xf32, #tpu.memory_space<hbm>>
      tpu.enqueue_indirect_dma source(%dma_start3A_21 : memref<10240x128xf32, #tpu.memory_space<hbm>>) target(%dma_start3A_16 : memref<128x128xf32, #tpu.memory_space<vmem>>) offsets(%dma_start3A_18 : memref<128xi32, #tpu.memory_space<vmem>>) semaphore(%arg12 : memref<!tpu.dma_semaphore, #tpu.memory_space<semaphore_mem>>)
      %scan3A = arith.constant 0 : i32
      %scan3A_22 = arith.constant 0 : i32
      %scan3A_23 = arith.constant 40 : i32
      %scan3A_24 = arith.addi %scan3A_22, %scan3A_23 : i32
      %scan3A_25 = arith.constant 1 : i32
      %scan3A_26 = scf.for %scan3A_75 = %scan3A_22 to %scan3A_24 step %scan3A_25 iter_args(%scan3A_76 = %scan3A) -> (i32)  : i32 {
        %rem3A = arith.constant 2 : i32
        %rem3A_77 = arith.remsi %scan3A_75, %rem3A : i32
        %mul3A_78 = arith.constant 128 : i32
        %mul3A_79 = arith.muli %scan3A_75, %mul3A_78 : i32
        %dma_wait3A_80 = arith.constant 0 : i32
        %dma_wait3A_81 = arith.constant 0 : i32
        %dma_wait3A_82 = tpu.memref_slice %arg11[%rem3A_77, %dma_wait3A_80, %dma_wait3A_81] : memref<2x128x128xf32, #tpu.memory_space<vmem>> -> memref<1x128x128xf32, #tpu.memory_space<vmem>>
        %dma_wait3A_83 = tpu.memref_squeeze %dma_wait3A_82 : memref<1x128x128xf32, #tpu.memory_space<vmem>> -> memref<128x128xf32, #tpu.memory_space<vmem>>
        %dma_wait3A_84 = tpu.memref_slice %arg9[%mul3A_79] : memref<5120xi32, #tpu.memory_space<vmem>> -> memref<128xi32, #tpu.memory_space<vmem>>
        %dma_wait3A_85 = arith.constant 0 : i32
        %dma_wait3A_86 = arith.constant 0 : i32
        %dma_wait3A_87 = tpu.memref_slice %arg3[%dma_wait3A_85, %dma_wait3A_86] : memref<10240x128xf32, #tpu.memory_space<hbm>> -> memref<10240x128xf32, #tpu.memory_space<hbm>>
        tpu.wait_indirect_dma semaphore(%arg12 : memref<!tpu.dma_semaphore, #tpu.memory_space<semaphore_mem>>) src(%dma_wait3A_87 : memref<10240x128xf32, #tpu.memory_space<hbm>>) dst(%dma_wait3A_83 : memref<128x128xf32, #tpu.memory_space<vmem>>)
        %dma_start3A_88 = arith.constant 0 : i32
        %dma_start3A_89 = arith.constant 0 : i32
        %dma_start3A_90 = tpu.memref_slice %arg11[%rem3A_77, %dma_start3A_88, %dma_start3A_89] : memref<2x128x128xf32, #tpu.memory_space<vmem>> -> memref<1x128x128xf32, #tpu.memory_space<vmem>>
        %dma_start3A_91 = tpu.memref_squeeze %dma_start3A_90 : memref<1x128x128xf32, #tpu.memory_space<vmem>> -> memref<128x128xf32, #tpu.memory_space<vmem>>
        %dma_start3A_92 = arith.constant 0 : i32
        %dma_start3A_93 = tpu.memref_slice %arg10[%scan3A_75, %dma_start3A_92] : memref<40x128xi32, #tpu.memory_space<vmem>> -> memref<1x128xi32, #tpu.memory_space<vmem>>
        %dma_start3A_94 = tpu.memref_squeeze %dma_start3A_93 : memref<1x128xi32, #tpu.memory_space<vmem>> -> memref<128xi32, #tpu.memory_space<vmem>>
        %dma_start3A_95 = arith.constant 0 : i32
        %dma_start3A_96 = arith.constant 0 : i32
        %dma_start3A_97 = tpu.memref_slice %arg8[%dma_start3A_95, %dma_start3A_96] : memref<10240x128xf32, #tpu.memory_space<vmem_shared>> -> memref<10240x128xf32, #tpu.memory_space<vmem_shared>>
        tpu.enqueue_indirect_dma source(%dma_start3A_91 : memref<128x128xf32, #tpu.memory_space<vmem>>) target(%dma_start3A_97 : memref<10240x128xf32, #tpu.memory_space<vmem_shared>>) offsets(%dma_start3A_94 : memref<128xi32, #tpu.memory_space<vmem>>) semaphore(%arg13 : memref<!tpu.dma_semaphore, #tpu.memory_space<semaphore_mem>>) {add = true}
        %ge3A = arith.constant 1 : i32
        %ge3A_98 = arith.cmpi sge, %scan3A_75, %ge3A : i32
        %convert_element_type3A_99 = arith.extui %ge3A_98 : i1 to i32
        %cond3A_100 = arith.constant 0 : i32
        %cond3A_101 = arith.cmpi ne, %convert_element_type3A_99, %cond3A_100 : i32
        scf.if %cond3A_101 {
          %sub3A = arith.constant 1 : i32
          %sub3A_109 = arith.subi %sub3A, %rem3A_77 : i32
          %sub3A_110 = arith.constant 1 : i32
          %sub3A_111 = arith.subi %scan3A_75, %sub3A_110 : i32
          %dma_wait3A_112 = arith.constant 0 : i32
          %dma_wait3A_113 = arith.constant 0 : i32
          %dma_wait3A_114 = tpu.memref_slice %arg11[%sub3A_109, %dma_wait3A_112, %dma_wait3A_113] : memref<2x128x128xf32, #tpu.memory_space<vmem>> -> memref<1x128x128xf32, #tpu.memory_space<vmem>>
          %dma_wait3A_115 = tpu.memref_squeeze %dma_wait3A_114 : memref<1x128x128xf32, #tpu.memory_space<vmem>> -> memref<128x128xf32, #tpu.memory_space<vmem>>
          %dma_wait3A_116 = arith.constant 0 : i32
          %dma_wait3A_117 = tpu.memref_slice %arg10[%sub3A_111, %dma_wait3A_116] : memref<40x128xi32, #tpu.memory_space<vmem>> -> memref<1x128xi32, #tpu.memory_space<vmem>>
          %dma_wait3A_118 = tpu.memref_squeeze %dma_wait3A_117 : memref<1x128xi32, #tpu.memory_space<vmem>> -> memref<128xi32, #tpu.memory_space<vmem>>
          %dma_wait3A_119 = arith.constant 0 : i32
          %dma_wait3A_120 = arith.constant 0 : i32
          %dma_wait3A_121 = tpu.memref_slice %arg8[%dma_wait3A_119, %dma_wait3A_120] : memref<10240x128xf32, #tpu.memory_space<vmem_shared>> -> memref<10240x128xf32, #tpu.memory_space<vmem_shared>>
          tpu.wait_indirect_dma semaphore(%arg13 : memref<!tpu.dma_semaphore, #tpu.memory_space<semaphore_mem>>) src(%dma_wait3A_115 : memref<128x128xf32, #tpu.memory_space<vmem>>) dst(%dma_wait3A_121 : memref<10240x128xf32, #tpu.memory_space<vmem_shared>>)
        } else {
        }
        %add3A_102 = arith.constant 1 : i32
        %add3A_103 = arith.addi %scan3A_75, %add3A_102 : i32
        %lt3A = arith.constant 40 : i32
        %lt3A_104 = arith.cmpi slt, %add3A_103, %lt3A : i32
        %convert_element_type3A_105 = arith.extui %lt3A_104 : i1 to i32
        %cond3A_106 = arith.constant 0 : i32
        %cond3A_107 = arith.cmpi ne, %convert_element_type3A_105, %cond3A_106 : i32
        scf.if %cond3A_107 {
          %add3A_109 = arith.constant 1 : i32
          %add3A_110 = arith.addi %scan3A_75, %add3A_109 : i32
          %mul3A_111 = arith.constant 128 : i32
          %mul3A_112 = arith.muli %add3A_110, %mul3A_111 : i32
          %sub3A = arith.constant 1 : i32
          %sub3A_113 = arith.subi %sub3A, %rem3A_77 : i32
          %dma_start3A_114 = arith.constant 0 : i32
          %dma_start3A_115 = arith.constant 0 : i32
          %dma_start3A_116 = tpu.memref_slice %arg11[%sub3A_113, %dma_start3A_114, %dma_start3A_115] : memref<2x128x128xf32, #tpu.memory_space<vmem>> -> memref<1x128x128xf32, #tpu.memory_space<vmem>>
          %dma_start3A_117 = tpu.memref_squeeze %dma_start3A_116 : memref<1x128x128xf32, #tpu.memory_space<vmem>> -> memref<128x128xf32, #tpu.memory_space<vmem>>
          %dma_start3A_118 = tpu.memref_slice %arg9[%mul3A_112] : memref<5120xi32, #tpu.memory_space<vmem>> -> memref<128xi32, #tpu.memory_space<vmem>>
          %dma_start3A_119 = arith.constant 0 : i32
          %dma_start3A_120 = arith.constant 0 : i32
          %dma_start3A_121 = tpu.memref_slice %arg3[%dma_start3A_119, %dma_start3A_120] : memref<10240x128xf32, #tpu.memory_space<hbm>> -> memref<10240x128xf32, #tpu.memory_space<hbm>>
          tpu.enqueue_indirect_dma source(%dma_start3A_121 : memref<10240x128xf32, #tpu.memory_space<hbm>>) target(%dma_start3A_117 : memref<128x128xf32, #tpu.memory_space<vmem>>) offsets(%dma_start3A_118 : memref<128xi32, #tpu.memory_space<vmem>>) semaphore(%arg12 : memref<!tpu.dma_semaphore, #tpu.memory_space<semaphore_mem>>)
        } else {
        }
        %scan3A_108 = arith.constant 0 : i32
        scf.yield %scan3A_108 : i32
      }
      %scan3A_27 = arith.constant 40 : i32
      %dma_wait3A = arith.constant 1 : i32
      %dma_wait3A_28 = arith.constant 39 : i32
      %dma_wait3A_29 = arith.constant 0 : i32
      %dma_wait3A_30 = arith.constant 0 : i32
      %dma_wait3A_31 = tpu.memref_slice %arg11[%dma_wait3A, %dma_wait3A_29, %dma_wait3A_30] : memref<2x128x128xf32, #tpu.memory_space<vmem>> -> memref<1x128x128xf32, #tpu.memory_space<vmem>>
      %dma_wait3A_32 = tpu.memref_squeeze %dma_wait3A_31 : memref<1x128x128xf32, #tpu.memory_space<vmem>> -> memref<128x128xf32, #tpu.memory_space<vmem>>
      %dma_wait3A_33 = arith.constant 0 : i32
      %dma_wait3A_34 = tpu.memref_slice %arg10[%dma_wait3A_28, %dma_wait3A_33] : memref<40x128xi32, #tpu.memory_space<vmem>> -> memref<1x128xi32, #tpu.memory_space<vmem>>
      %dma_wait3A_35 = tpu.memref_squeeze %dma_wait3A_34 : memref<1x128xi32, #tpu.memory_space<vmem>> -> memref<128xi32, #tpu.memory_space<vmem>>
      %dma_wait3A_36 = arith.constant 0 : i32
      %dma_wait3A_37 = arith.constant 0 : i32
      %dma_wait3A_38 = tpu.memref_slice %arg8[%dma_wait3A_36, %dma_wait3A_37] : memref<10240x128xf32, #tpu.memory_space<vmem_shared>> -> memref<10240x128xf32, #tpu.memory_space<vmem_shared>>
      tpu.wait_indirect_dma semaphore(%arg13 : memref<!tpu.dma_semaphore, #tpu.memory_space<semaphore_mem>>) src(%dma_wait3A_32 : memref<128x128xf32, #tpu.memory_space<vmem>>) dst(%dma_wait3A_38 : memref<10240x128xf32, #tpu.memory_space<vmem_shared>>)
      %mul3A_39 = arith.constant 80 : i32
      %mul3A_40 = arith.muli %arg1, %mul3A_39 : i32
      %add3A_41 = arith.constant 40 : i32
      %add3A_42 = arith.addi %mul3A_40, %add3A_41 : i32
      %mul3A_43 = arith.constant 128 : i32
      %mul3A_44 = arith.muli %add3A_42, %mul3A_43 : i32
      "tpu.region"() ({
        %run_scoped3A = tpu.sem_alloc : memref<!tpu.dma_semaphore, #tpu.memory_space<semaphore_mem>>
        %dma_start3A_75 = tpu.memref_slice %arg4[%mul3A_44] : memref<163840xi32, #tpu.memory_space<hbm>> -> memref<5120xi32, #tpu.memory_space<hbm>>
        %dma_start3A_76 = tpu.memref_slice %arg4[%mul3A_44] : memref<163840xi32, #tpu.memory_space<hbm>> -> memref<5120xi32, #tpu.memory_space<hbm>>
        tpu.enqueue_dma source(%dma_start3A_76 : memref<5120xi32, #tpu.memory_space<hbm>>) target(%arg9 : memref<5120xi32, #tpu.memory_space<vmem>>) target_semaphore(%run_scoped3A : memref<!tpu.dma_semaphore, #tpu.memory_space<semaphore_mem>>)
        %dma_wait3A_77 = tpu.memref_slice %arg4[%mul3A_44] : memref<163840xi32, #tpu.memory_space<hbm>> -> memref<5120xi32, #tpu.memory_space<hbm>>
        %dma_wait3A_78 = tpu.memref_slice %arg4[%mul3A_44] : memref<163840xi32, #tpu.memory_space<hbm>> -> memref<5120xi32, #tpu.memory_space<hbm>>
        tpu.wait_dma2 semaphore(%run_scoped3A : memref<!tpu.dma_semaphore, #tpu.memory_space<semaphore_mem>>) src(%dma_wait3A_78 : memref<5120xi32, #tpu.memory_space<hbm>>) dst(%arg9 : memref<5120xi32, #tpu.memory_space<vmem>>)
        tpu.yield
      }) : () -> ()
      "tpu.region"() ({
        %run_scoped3A = tpu.sem_alloc : memref<!tpu.dma_semaphore, #tpu.memory_space<semaphore_mem>>
        %dma_start3A_75 = arith.constant 0 : i32
        %dma_start3A_76 = tpu.memref_slice %arg5[%add3A_42, %dma_start3A_75] : memref<1280x128xi32, #tpu.memory_space<hbm>> -> memref<40x128xi32, #tpu.memory_space<hbm>>
        %dma_start3A_77 = arith.constant 0 : i32
        %dma_start3A_78 = tpu.memref_slice %arg5[%add3A_42, %dma_start3A_77] : memref<1280x128xi32, #tpu.memory_space<hbm>> -> memref<40x128xi32, #tpu.memory_space<hbm>>
        tpu.enqueue_dma source(%dma_start3A_78 : memref<40x128xi32, #tpu.memory_space<hbm>>) target(%arg10 : memref<40x128xi32, #tpu.memory_space<vmem>>) target_semaphore(%run_scoped3A : memref<!tpu.dma_semaphore, #tpu.memory_space<semaphore_mem>>)
        %dma_wait3A_79 = arith.constant 0 : i32
        %dma_wait3A_80 = tpu.memref_slice %arg5[%add3A_42, %dma_wait3A_79] : memref<1280x128xi32, #tpu.memory_space<hbm>> -> memref<40x128xi32, #tpu.memory_space<hbm>>
        %dma_wait3A_81 = arith.constant 0 : i32
        %dma_wait3A_82 = tpu.memref_slice %arg5[%add3A_42, %dma_wait3A_81] : memref<1280x128xi32, #tpu.memory_space<hbm>> -> memref<40x128xi32, #tpu.memory_space<hbm>>
        tpu.wait_dma2 semaphore(%run_scoped3A : memref<!tpu.dma_semaphore, #tpu.memory_space<semaphore_mem>>) src(%dma_wait3A_82 : memref<40x128xi32, #tpu.memory_space<hbm>>) dst(%arg10 : memref<40x128xi32, #tpu.memory_space<vmem>>)
        tpu.yield
      }) : () -> ()
      %dma_start3A_45 = arith.constant 0 : i32
      %dma_start3A_46 = arith.constant 0 : i32
      %dma_start3A_47 = arith.constant 0 : i32
      %dma_start3A_48 = tpu.memref_slice %arg11[%dma_start3A_45, %dma_start3A_46, %dma_start3A_47] : memref<2x128x128xf32, #tpu.memory_space<vmem>> -> memref<1x128x128xf32, #tpu.memory_space<vmem>>
      %dma_start3A_49 = tpu.memref_squeeze %dma_start3A_48 : memref<1x128x128xf32, #tpu.memory_space<vmem>> -> memref<128x128xf32, #tpu.memory_space<vmem>>
      %dma_start3A_50 = arith.constant 0 : i32
      %dma_start3A_51 = tpu.memref_slice %arg9[%dma_start3A_50] : memref<5120xi32, #tpu.memory_space<vmem>> -> memref<128xi32, #tpu.memory_space<vmem>>
      %dma_start3A_52 = arith.constant 0 : i32
      %dma_start3A_53 = arith.constant 0 : i32
      %dma_start3A_54 = tpu.memref_slice %arg3[%dma_start3A_52, %dma_start3A_53] : memref<10240x128xf32, #tpu.memory_space<hbm>> -> memref<10240x128xf32, #tpu.memory_space<hbm>>
      tpu.enqueue_indirect_dma source(%dma_start3A_54 : memref<10240x128xf32, #tpu.memory_space<hbm>>) target(%dma_start3A_49 : memref<128x128xf32, #tpu.memory_space<vmem>>) offsets(%dma_start3A_51 : memref<128xi32, #tpu.memory_space<vmem>>) semaphore(%arg12 : memref<!tpu.dma_semaphore, #tpu.memory_space<semaphore_mem>>)
      %scan3A_55 = arith.constant 0 : i32
      %scan3A_56 = arith.constant 0 : i32
      %scan3A_57 = arith.constant 40 : i32
      %scan3A_58 = arith.addi %scan3A_56, %scan3A_57 : i32
      %scan3A_59 = arith.constant 1 : i32
      %scan3A_60 = scf.for %scan3A_75 = %scan3A_56 to %scan3A_58 step %scan3A_59 iter_args(%scan3A_76 = %scan3A_55) -> (i32)  : i32 {
        %rem3A = arith.constant 2 : i32
        %rem3A_77 = arith.remsi %scan3A_75, %rem3A : i32
        %mul3A_78 = arith.constant 128 : i32
        %mul3A_79 = arith.muli %scan3A_75, %mul3A_78 : i32
        %dma_wait3A_80 = arith.constant 0 : i32
        %dma_wait3A_81 = arith.constant 0 : i32
        %dma_wait3A_82 = tpu.memref_slice %arg11[%rem3A_77, %dma_wait3A_80, %dma_wait3A_81] : memref<2x128x128xf32, #tpu.memory_space<vmem>> -> memref<1x128x128xf32, #tpu.memory_space<vmem>>
        %dma_wait3A_83 = tpu.memref_squeeze %dma_wait3A_82 : memref<1x128x128xf32, #tpu.memory_space<vmem>> -> memref<128x128xf32, #tpu.memory_space<vmem>>
        %dma_wait3A_84 = tpu.memref_slice %arg9[%mul3A_79] : memref<5120xi32, #tpu.memory_space<vmem>> -> memref<128xi32, #tpu.memory_space<vmem>>
        %dma_wait3A_85 = arith.constant 0 : i32
        %dma_wait3A_86 = arith.constant 0 : i32
        %dma_wait3A_87 = tpu.memref_slice %arg3[%dma_wait3A_85, %dma_wait3A_86] : memref<10240x128xf32, #tpu.memory_space<hbm>> -> memref<10240x128xf32, #tpu.memory_space<hbm>>
        tpu.wait_indirect_dma semaphore(%arg12 : memref<!tpu.dma_semaphore, #tpu.memory_space<semaphore_mem>>) src(%dma_wait3A_87 : memref<10240x128xf32, #tpu.memory_space<hbm>>) dst(%dma_wait3A_83 : memref<128x128xf32, #tpu.memory_space<vmem>>)
        %dma_start3A_88 = arith.constant 0 : i32
        %dma_start3A_89 = arith.constant 0 : i32
        %dma_start3A_90 = tpu.memref_slice %arg11[%rem3A_77, %dma_start3A_88, %dma_start3A_89] : memref<2x128x128xf32, #tpu.memory_space<vmem>> -> memref<1x128x128xf32, #tpu.memory_space<vmem>>
        %dma_start3A_91 = tpu.memref_squeeze %dma_start3A_90 : memref<1x128x128xf32, #tpu.memory_space<vmem>> -> memref<128x128xf32, #tpu.memory_space<vmem>>
        %dma_start3A_92 = arith.constant 0 : i32
        %dma_start3A_93 = tpu.memref_slice %arg10[%scan3A_75, %dma_start3A_92] : memref<40x128xi32, #tpu.memory_space<vmem>> -> memref<1x128xi32, #tpu.memory_space<vmem>>
        %dma_start3A_94 = tpu.memref_squeeze %dma_start3A_93 : memref<1x128xi32, #tpu.memory_space<vmem>> -> memref<128xi32, #tpu.memory_space<vmem>>
        %dma_start3A_95 = arith.constant 0 : i32
        %dma_start3A_96 = arith.constant 0 : i32
        %dma_start3A_97 = tpu.memref_slice %arg8[%dma_start3A_95, %dma_start3A_96] : memref<10240x128xf32, #tpu.memory_space<vmem_shared>> -> memref<10240x128xf32, #tpu.memory_space<vmem_shared>>
        tpu.enqueue_indirect_dma source(%dma_start3A_91 : memref<128x128xf32, #tpu.memory_space<vmem>>) target(%dma_start3A_97 : memref<10240x128xf32, #tpu.memory_space<vmem_shared>>) offsets(%dma_start3A_94 : memref<128xi32, #tpu.memory_space<vmem>>) semaphore(%arg13 : memref<!tpu.dma_semaphore, #tpu.memory_space<semaphore_mem>>) {add = true}
        %ge3A = arith.constant 1 : i32
        %ge3A_98 = arith.cmpi sge, %scan3A_75, %ge3A : i32
        %convert_element_type3A_99 = arith.extui %ge3A_98 : i1 to i32
        %cond3A_100 = arith.constant 0 : i32
        %cond3A_101 = arith.cmpi ne, %convert_element_type3A_99, %cond3A_100 : i32
        scf.if %cond3A_101 {
          %sub3A = arith.constant 1 : i32
          %sub3A_109 = arith.subi %sub3A, %rem3A_77 : i32
          %sub3A_110 = arith.constant 1 : i32
          %sub3A_111 = arith.subi %scan3A_75, %sub3A_110 : i32
          %dma_wait3A_112 = arith.constant 0 : i32
          %dma_wait3A_113 = arith.constant 0 : i32
          %dma_wait3A_114 = tpu.memref_slice %arg11[%sub3A_109, %dma_wait3A_112, %dma_wait3A_113] : memref<2x128x128xf32, #tpu.memory_space<vmem>> -> memref<1x128x128xf32, #tpu.memory_space<vmem>>
          %dma_wait3A_115 = tpu.memref_squeeze %dma_wait3A_114 : memref<1x128x128xf32, #tpu.memory_space<vmem>> -> memref<128x128xf32, #tpu.memory_space<vmem>>
          %dma_wait3A_116 = arith.constant 0 : i32
          %dma_wait3A_117 = tpu.memref_slice %arg10[%sub3A_111, %dma_wait3A_116] : memref<40x128xi32, #tpu.memory_space<vmem>> -> memref<1x128xi32, #tpu.memory_space<vmem>>
          %dma_wait3A_118 = tpu.memref_squeeze %dma_wait3A_117 : memref<1x128xi32, #tpu.memory_space<vmem>> -> memref<128xi32, #tpu.memory_space<vmem>>
          %dma_wait3A_119 = arith.constant 0 : i32
          %dma_wait3A_120 = arith.constant 0 : i32
          %dma_wait3A_121 = tpu.memref_slice %arg8[%dma_wait3A_119, %dma_wait3A_120] : memref<10240x128xf32, #tpu.memory_space<vmem_shared>> -> memref<10240x128xf32, #tpu.memory_space<vmem_shared>>
          tpu.wait_indirect_dma semaphore(%arg13 : memref<!tpu.dma_semaphore, #tpu.memory_space<semaphore_mem>>) src(%dma_wait3A_115 : memref<128x128xf32, #tpu.memory_space<vmem>>) dst(%dma_wait3A_121 : memref<10240x128xf32, #tpu.memory_space<vmem_shared>>)
        } else {
        }
        %add3A_102 = arith.constant 1 : i32
        %add3A_103 = arith.addi %scan3A_75, %add3A_102 : i32
        %lt3A = arith.constant 40 : i32
        %lt3A_104 = arith.cmpi slt, %add3A_103, %lt3A : i32
        %convert_element_type3A_105 = arith.extui %lt3A_104 : i1 to i32
        %cond3A_106 = arith.constant 0 : i32
        %cond3A_107 = arith.cmpi ne, %convert_element_type3A_105, %cond3A_106 : i32
        scf.if %cond3A_107 {
          %add3A_109 = arith.constant 1 : i32
          %add3A_110 = arith.addi %scan3A_75, %add3A_109 : i32
          %mul3A_111 = arith.constant 128 : i32
          %mul3A_112 = arith.muli %add3A_110, %mul3A_111 : i32
          %sub3A = arith.constant 1 : i32
          %sub3A_113 = arith.subi %sub3A, %rem3A_77 : i32
          %dma_start3A_114 = arith.constant 0 : i32
          %dma_start3A_115 = arith.constant 0 : i32
          %dma_start3A_116 = tpu.memref_slice %arg11[%sub3A_113, %dma_start3A_114, %dma_start3A_115] : memref<2x128x128xf32, #tpu.memory_space<vmem>> -> memref<1x128x128xf32, #tpu.memory_space<vmem>>
          %dma_start3A_117 = tpu.memref_squeeze %dma_start3A_116 : memref<1x128x128xf32, #tpu.memory_space<vmem>> -> memref<128x128xf32, #tpu.memory_space<vmem>>
          %dma_start3A_118 = tpu.memref_slice %arg9[%mul3A_112] : memref<5120xi32, #tpu.memory_space<vmem>> -> memref<128xi32, #tpu.memory_space<vmem>>
          %dma_start3A_119 = arith.constant 0 : i32
          %dma_start3A_120 = arith.constant 0 : i32
          %dma_start3A_121 = tpu.memref_slice %arg3[%dma_start3A_119, %dma_start3A_120] : memref<10240x128xf32, #tpu.memory_space<hbm>> -> memref<10240x128xf32, #tpu.memory_space<hbm>>
          tpu.enqueue_indirect_dma source(%dma_start3A_121 : memref<10240x128xf32, #tpu.memory_space<hbm>>) target(%dma_start3A_117 : memref<128x128xf32, #tpu.memory_space<vmem>>) offsets(%dma_start3A_118 : memref<128xi32, #tpu.memory_space<vmem>>) semaphore(%arg12 : memref<!tpu.dma_semaphore, #tpu.memory_space<semaphore_mem>>)
        } else {
        }
        %scan3A_108 = arith.constant 0 : i32
        scf.yield %scan3A_108 : i32
      }
      %scan3A_61 = arith.constant 40 : i32
      %dma_wait3A_62 = arith.constant 1 : i32
      %dma_wait3A_63 = arith.constant 39 : i32
      %dma_wait3A_64 = arith.constant 0 : i32
      %dma_wait3A_65 = arith.constant 0 : i32
      %dma_wait3A_66 = tpu.memref_slice %arg11[%dma_wait3A_62, %dma_wait3A_64, %dma_wait3A_65] : memref<2x128x128xf32, #tpu.memory_space<vmem>> -> memref<1x128x128xf32, #tpu.memory_space<vmem>>
      %dma_wait3A_67 = tpu.memref_squeeze %dma_wait3A_66 : memref<1x128x128xf32, #tpu.memory_space<vmem>> -> memref<128x128xf32, #tpu.memory_space<vmem>>
      %dma_wait3A_68 = arith.constant 0 : i32
      %dma_wait3A_69 = tpu.memref_slice %arg10[%dma_wait3A_63, %dma_wait3A_68] : memref<40x128xi32, #tpu.memory_space<vmem>> -> memref<1x128xi32, #tpu.memory_space<vmem>>
      %dma_wait3A_70 = tpu.memref_squeeze %dma_wait3A_69 : memref<1x128xi32, #tpu.memory_space<vmem>> -> memref<128xi32, #tpu.memory_space<vmem>>
      %dma_wait3A_71 = arith.constant 0 : i32
      %dma_wait3A_72 = arith.constant 0 : i32
      %dma_wait3A_73 = tpu.memref_slice %arg8[%dma_wait3A_71, %dma_wait3A_72] : memref<10240x128xf32, #tpu.memory_space<vmem_shared>> -> memref<10240x128xf32, #tpu.memory_space<vmem_shared>>
      tpu.wait_indirect_dma semaphore(%arg13 : memref<!tpu.dma_semaphore, #tpu.memory_space<semaphore_mem>>) src(%dma_wait3A_67 : memref<128x128xf32, #tpu.memory_space<vmem>>) dst(%dma_wait3A_73 : memref<10240x128xf32, #tpu.memory_space<vmem_shared>>)
      %barrier3A_74 = arith.constant 0 : index
      tpu.barrier barrier_id(%barrier3A_74)
      "tpu.region"() ({
        %run_scoped3A = tpu.sem_alloc : memref<!tpu.dma_semaphore, #tpu.memory_space<semaphore_mem>>
        %dma_start3A_75 = arith.constant 0 : i32
        %dma_start3A_76 = tpu.memref_slice %arg7[%mul3A_7, %dma_start3A_75] : memref<10240x128xf32, #tpu.memory_space<hbm>> -> memref<640x128xf32, #tpu.memory_space<hbm>>
        %dma_start3A_77 = arith.constant 0 : i32
        %dma_start3A_78 = tpu.memref_slice %arg8[%mul3A_7, %dma_start3A_77] : memref<10240x128xf32, #tpu.memory_space<vmem_shared>> -> memref<640x128xf32, #tpu.memory_space<vmem_shared>>
        tpu.enqueue_dma source(%dma_start3A_78 : memref<640x128xf32, #tpu.memory_space<vmem_shared>>) target(%dma_start3A_76 : memref<640x128xf32, #tpu.memory_space<hbm>>) target_semaphore(%run_scoped3A : memref<!tpu.dma_semaphore, #tpu.memory_space<semaphore_mem>>)
        %dma_wait3A_79 = arith.constant 0 : i32
        %dma_wait3A_80 = tpu.memref_slice %arg7[%mul3A_7, %dma_wait3A_79] : memref<10240x128xf32, #tpu.memory_space<hbm>> -> memref<640x128xf32, #tpu.memory_space<hbm>>
        %dma_wait3A_81 = arith.constant 0 : i32
        %dma_wait3A_82 = tpu.memref_slice %arg8[%mul3A_7, %dma_wait3A_81] : memref<10240x128xf32, #tpu.memory_space<vmem_shared>> -> memref<640x128xf32, #tpu.memory_space<vmem_shared>>
        tpu.wait_dma2 semaphore(%run_scoped3A : memref<!tpu.dma_semaphore, #tpu.memory_space<semaphore_mem>>) src(%dma_wait3A_82 : memref<640x128xf32, #tpu.memory_space<vmem_shared>>) dst(%dma_wait3A_80 : memref<640x128xf32, #tpu.memory_space<hbm>>)
        tpu.yield
      }) : () -> ()
    } else {
    }
    return
  }
}

module attributes {stable_mosaic.version = 14 : i64} {
  func.func @_mm_body(%arg0: i32, %arg1: memref<400x256xf32, #tpu.memory_space<vmem>>, %arg2: memref<256x256xf32, #tpu.memory_space<vmem>>, %arg3: memref<400x256xf32, #tpu.memory_space<vmem>>) attributes {dimension_semantics = [#tpu.dimension_semantics<arbitrary>], iteration_bounds = array<i64: 25>, scalar_prefetch = 0 : i64, scratch_operands = 0 : i64, tpu.core_type = #tpu.core_type<tc>, window_params = [{transform_indices = @transform_0, window_bounds = array<i64: 400, 256>}, {pipeline_mode = #tpu.pipeline_mode<synchronous>, transform_indices = @transform_1, window_bounds = array<i64: 256, 256>}, {transform_indices = @transform_2, window_bounds = array<i64: 400, 256>}]} {
    %get3A = arith.constant 0 : index
    %get3A_0 = arith.constant 0 : index
    %get3A_1 = vector.load %arg1[%get3A, %get3A_0] : memref<400x256xf32, #tpu.memory_space<vmem>>, vector<400x256xf32>
    %get3A_2 = arith.constant 0 : index
    %get3A_3 = arith.constant 0 : index
    %get3A_4 = vector.load %arg2[%get3A_2, %get3A_3] : memref<256x256xf32, #tpu.memory_space<vmem>>, vector<256x256xf32>
    %dot_general3A = arith.constant dense<0.000000e+00> : vector<400x256xf32>
    %dot_general3A_5 = tpu.matmul %get3A_1, %get3A_4, %dot_general3A {dimension_numbers = #tpu.dot_dimension_numbers<[1], [0], [0], [1], [0, 0, 1, 1], [], []>, transpose_lhs_hint = false} : vector<400x256xf32>, vector<256x256xf32>, vector<400x256xf32> -> vector<400x256xf32>
    %swap3A = arith.constant 0 : index
    %swap3A_6 = arith.constant 0 : index
    %swap3A_7 = vector.load %arg3[%swap3A, %swap3A_6] : memref<400x256xf32, #tpu.memory_space<vmem>>, vector<400x256xf32>
    tpu.vector_store %arg3[%swap3A, %swap3A_6], %dot_general3A_5 {strides = array<i32>} : memref<400x256xf32, #tpu.memory_space<vmem>>, vector<400x256xf32>,
    return
  }
  func.func @transform_0(%arg0: i32) -> (i32, i32) {
    %c0_i32 = arith.constant 0 : i32
    %c0_i32_0 = arith.constant 0 : i32
    return %arg0, %c0_i32 : i32, i32
  }
  func.func @transform_1(%arg0: i32) -> (i32, i32) {
    %c0_i32 = arith.constant 0 : i32
    %c0_i32_0 = arith.constant 0 : i32
    %c0_i32_1 = arith.constant 0 : i32
    return %c0_i32, %c0_i32_0 : i32, i32
  }
  func.func @transform_2(%arg0: i32) -> (i32, i32) {
    %c0_i32 = arith.constant 0 : i32
    %c0_i32_0 = arith.constant 0 : i32
    return %arg0, %c0_i32 : i32, i32
  }
}

module attributes {stable_mosaic.version = 14 : i64} {
  func.func @_scale_body(%arg0: i32, %arg1: memref<512x256xf32, #tpu.memory_space<vmem>>, %arg2: memref<512x1xf32, #tpu.memory_space<vmem>>, %arg3: memref<512x1xf32, #tpu.memory_space<vmem>>, %arg4: memref<512x128xf32, #tpu.memory_space<vmem>>, %arg5: memref<512x128xf32, #tpu.memory_space<vmem>>, %arg6: memref<512x1xf32, #tpu.memory_space<vmem>>) attributes {dimension_semantics = [#tpu.dimension_semantics<arbitrary>], iteration_bounds = array<i64: 20>, scalar_prefetch = 0 : i64, scratch_operands = 0 : i64, tpu.core_type = #tpu.core_type<tc>, window_params = [{transform_indices = @transform_0, window_bounds = array<i64: 512, 256>}, {transform_indices = @transform_1, window_bounds = array<i64: 512, 1>}, {transform_indices = @transform_2, window_bounds = array<i64: 512, 1>}, {transform_indices = @transform_3, window_bounds = array<i64: 512, 128>}, {transform_indices = @transform_4, window_bounds = array<i64: 512, 128>}, {transform_indices = @transform_5, window_bounds = array<i64: 512, 1>}]} {
    %get3A = arith.constant 0 : index
    %get3A_0 = arith.constant 0 : index
    %get3A_1 = vector.load %arg2[%get3A, %get3A_0] : memref<512x1xf32, #tpu.memory_space<vmem>>, vector<512x1xf32>
    %get3A_2 = arith.constant 0 : index
    %get3A_3 = arith.constant 0 : index
    %get3A_4 = vector.load %arg3[%get3A_2, %get3A_3] : memref<512x1xf32, #tpu.memory_space<vmem>>, vector<512x1xf32>
    %add3A = arith.addf %get3A_1, %get3A_4 : vector<512x1xf32>
    %add3A_5 = arith.constant 1.000000e+00 : f32
    %add3A_6 = vector.broadcast %add3A_5 : f32 to vector<512x1xf32>
    %add3A_7 = arith.addf %add3A, %add3A_6 : vector<512x1xf32>
    %rsqrt3A = math.rsqrt %add3A_7 : vector<512x1xf32>
    %get3A_8 = arith.constant 0 : index
    %get3A_9 = arith.constant 0 : index
    %get3A_10 = vector.load %arg1[%get3A_8, %get3A_9] : memref<512x256xf32, #tpu.memory_space<vmem>>, vector<512x256xf32>
    %mul3A = vector.broadcast %rsqrt3A : vector<512x1xf32> to vector<512x256xf32>
    %mul3A_11 = arith.mulf %get3A_10, %mul3A : vector<512x256xf32>
    %slice3A = vector.extract_strided_slice %mul3A_11 {offsets = [0, 0], sizes = [512, 128], strides = [1, 1]} : vector<512x256xf32> to vector<512x128xf32>
    %swap3A = arith.constant 0 : index
    %swap3A_12 = arith.constant 0 : index
    %swap3A_13 = vector.load %arg4[%swap3A, %swap3A_12] : memref<512x128xf32, #tpu.memory_space<vmem>>, vector<512x128xf32>
    tpu.vector_store %arg4[%swap3A, %swap3A_12], %slice3A {strides = array<i32>} : memref<512x128xf32, #tpu.memory_space<vmem>>, vector<512x128xf32>,
    %slice3A_14 = vector.extract_strided_slice %mul3A_11 {offsets = [0, 128], sizes = [512, 128], strides = [1, 1]} : vector<512x256xf32> to vector<512x128xf32>
    %swap3A_15 = arith.constant 0 : index
    %swap3A_16 = arith.constant 0 : index
    %swap3A_17 = vector.load %arg5[%swap3A_15, %swap3A_16] : memref<512x128xf32, #tpu.memory_space<vmem>>, vector<512x128xf32>
    tpu.vector_store %arg5[%swap3A_15, %swap3A_16], %slice3A_14 {strides = array<i32>} : memref<512x128xf32, #tpu.memory_space<vmem>>, vector<512x128xf32>,
    %swap3A_18 = arith.constant 0 : index
    %swap3A_19 = arith.constant 0 : index
    %swap3A_20 = vector.load %arg6[%swap3A_18, %swap3A_19] : memref<512x1xf32, #tpu.memory_space<vmem>>, vector<512x1xf32>
    tpu.vector_store %arg6[%swap3A_18, %swap3A_19], %rsqrt3A {strides = array<i32>} : memref<512x1xf32, #tpu.memory_space<vmem>>, vector<512x1xf32>,
    return
  }
  func.func @transform_0(%arg0: i32) -> (i32, i32) {
    %c0_i32 = arith.constant 0 : i32
    %c0_i32_0 = arith.constant 0 : i32
    return %arg0, %c0_i32 : i32, i32
  }
  func.func @transform_1(%arg0: i32) -> (i32, i32) {
    %c0_i32 = arith.constant 0 : i32
    %c0_i32_0 = arith.constant 0 : i32
    return %arg0, %c0_i32 : i32, i32
  }
  func.func @transform_2(%arg0: i32) -> (i32, i32) {
    %c0_i32 = arith.constant 0 : i32
    %c0_i32_0 = arith.constant 0 : i32
    return %arg0, %c0_i32 : i32, i32
  }
  func.func @transform_3(%arg0: i32) -> (i32, i32) {
    %c0_i32 = arith.constant 0 : i32
    %c0_i32_0 = arith.constant 0 : i32
    return %arg0, %c0_i32 : i32, i32
  }
  func.func @transform_4(%arg0: i32) -> (i32, i32) {
    %c0_i32 = arith.constant 0 : i32
    %c0_i32_0 = arith.constant 0 : i32
    return %arg0, %c0_i32 : i32, i32
  }
  func.func @transform_5(%arg0: i32) -> (i32, i32) {
    %c0_i32 = arith.constant 0 : i32
    %c0_i32_0 = arith.constant 0 : i32
    return %arg0, %c0_i32 : i32, i32
  }
}

module attributes {stable_mosaic.version = 14 : i64} {
  func.func @_mid_body(%arg0: i32, %arg1: memref<512x128xf32, #tpu.memory_space<vmem>>, %arg2: memref<512x128xf32, #tpu.memory_space<vmem>>, %arg3: memref<512x1xf32, #tpu.memory_space<vmem>>, %arg4: memref<1x256xf32, #tpu.memory_space<vmem>>, %arg5: memref<256x256xf32, #tpu.memory_space<vmem>>, %arg6: memref<512x128xf32, #tpu.memory_space<vmem>>, %arg7: memref<512x128xf32, #tpu.memory_space<vmem>>) attributes {dimension_semantics = [#tpu.dimension_semantics<arbitrary>], iteration_bounds = array<i64: 20>, scalar_prefetch = 0 : i64, scratch_operands = 0 : i64, tpu.core_type = #tpu.core_type<tc>, window_params = [{transform_indices = @transform_0, window_bounds = array<i64: 512, 128>}, {transform_indices = @transform_1, window_bounds = array<i64: 512, 128>}, {transform_indices = @transform_2, window_bounds = array<i64: 512, 1>}, {pipeline_mode = #tpu.pipeline_mode<synchronous>, transform_indices = @transform_3, window_bounds = array<i64: 1, 256>}, {pipeline_mode = #tpu.pipeline_mode<synchronous>, transform_indices = @transform_4, window_bounds = array<i64: 256, 256>}, {transform_indices = @transform_5, window_bounds = array<i64: 512, 128>}, {transform_indices = @transform_6, window_bounds = array<i64: 512, 128>}]} {
    %get3A = arith.constant 0 : index
    %get3A_0 = arith.constant 0 : index
    %get3A_1 = vector.load %arg1[%get3A, %get3A_0] : memref<512x128xf32, #tpu.memory_space<vmem>>, vector<512x128xf32>
    %get3A_2 = arith.constant 0 : index
    %get3A_3 = arith.constant 0 : index
    %get3A_4 = vector.load %arg2[%get3A_2, %get3A_3] : memref<512x128xf32, #tpu.memory_space<vmem>>, vector<512x128xf32>
    %concatenate3A = tpu.concatenate %get3A_1, %get3A_4 in 1 : vector<512x128xf32>, vector<512x128xf32> -> vector<512x256xf32>
    %get3A_5 = arith.constant 0 : index
    %get3A_6 = arith.constant 0 : index
    %get3A_7 = vector.load %arg3[%get3A_5, %get3A_6] : memref<512x1xf32, #tpu.memory_space<vmem>>, vector<512x1xf32>
    %mul3A = vector.broadcast %get3A_7 : vector<512x1xf32> to vector<512x256xf32>
    %mul3A_8 = arith.mulf %concatenate3A, %mul3A : vector<512x256xf32>
    %get3A_9 = arith.constant 0 : index
    %get3A_10 = arith.constant 0 : index
    %get3A_11 = vector.load %arg4[%get3A_9, %get3A_10] : memref<1x256xf32, #tpu.memory_space<vmem>>, vector<1x256xf32>
    %add3A = vector.broadcast %get3A_11 : vector<1x256xf32> to vector<512x256xf32>
    %add3A_12 = arith.addf %mul3A_8, %add3A : vector<512x256xf32>
    %max3A = arith.constant 0.000000e+00 : f32
    %max3A_13 = vector.broadcast %max3A : f32 to vector<512x256xf32>
    %max3A_14 = arith.maximumf %add3A_12, %max3A_13 : vector<512x256xf32>
    %get3A_15 = arith.constant 0 : index
    %get3A_16 = arith.constant 0 : index
    %get3A_17 = vector.load %arg5[%get3A_15, %get3A_16] : memref<256x256xf32, #tpu.memory_space<vmem>>, vector<256x256xf32>
    %dot_general3A = arith.constant dense<0.000000e+00> : vector<512x256xf32>
    %dot_general3A_18 = tpu.matmul %max3A_14, %get3A_17, %dot_general3A {dimension_numbers = #tpu.dot_dimension_numbers<[1], [0], [0], [1], [0, 0, 1, 1], [], []>, transpose_lhs_hint = false} : vector<512x256xf32>, vector<256x256xf32>, vector<512x256xf32> -> vector<512x256xf32>
    %mul3A_19 = vector.broadcast %get3A_7 : vector<512x1xf32> to vector<512x256xf32>
    %mul3A_20 = arith.mulf %dot_general3A_18, %mul3A_19 : vector<512x256xf32>
    %slice3A = vector.extract_strided_slice %mul3A_20 {offsets = [0, 0], sizes = [512, 128], strides = [1, 1]} : vector<512x256xf32> to vector<512x128xf32>
    %swap3A = arith.constant 0 : index
    %swap3A_21 = arith.constant 0 : index
    %swap3A_22 = vector.load %arg6[%swap3A, %swap3A_21] : memref<512x128xf32, #tpu.memory_space<vmem>>, vector<512x128xf32>
    tpu.vector_store %arg6[%swap3A, %swap3A_21], %slice3A {strides = array<i32>} : memref<512x128xf32, #tpu.memory_space<vmem>>, vector<512x128xf32>,
    %slice3A_23 = vector.extract_strided_slice %mul3A_20 {offsets = [0, 128], sizes = [512, 128], strides = [1, 1]} : vector<512x256xf32> to vector<512x128xf32>
    %swap3A_24 = arith.constant 0 : index
    %swap3A_25 = arith.constant 0 : index
    %swap3A_26 = vector.load %arg7[%swap3A_24, %swap3A_25] : memref<512x128xf32, #tpu.memory_space<vmem>>, vector<512x128xf32>
    tpu.vector_store %arg7[%swap3A_24, %swap3A_25], %slice3A_23 {strides = array<i32>} : memref<512x128xf32, #tpu.memory_space<vmem>>, vector<512x128xf32>,
    return
  }
  func.func @transform_0(%arg0: i32) -> (i32, i32) {
    %c0_i32 = arith.constant 0 : i32
    %c0_i32_0 = arith.constant 0 : i32
    return %arg0, %c0_i32 : i32, i32
  }
  func.func @transform_1(%arg0: i32) -> (i32, i32) {
    %c0_i32 = arith.constant 0 : i32
    %c0_i32_0 = arith.constant 0 : i32
    return %arg0, %c0_i32 : i32, i32
  }
  func.func @transform_2(%arg0: i32) -> (i32, i32) {
    %c0_i32 = arith.constant 0 : i32
    %c0_i32_0 = arith.constant 0 : i32
    return %arg0, %c0_i32 : i32, i32
  }
  func.func @transform_3(%arg0: i32) -> (i32, i32) {
    %c0_i32 = arith.constant 0 : i32
    %c0_i32_0 = arith.constant 0 : i32
    %c0_i32_1 = arith.constant 0 : i32
    return %c0_i32, %c0_i32_0 : i32, i32
  }
  func.func @transform_4(%arg0: i32) -> (i32, i32) {
    %c0_i32 = arith.constant 0 : i32
    %c0_i32_0 = arith.constant 0 : i32
    %c0_i32_1 = arith.constant 0 : i32
    return %c0_i32, %c0_i32_0 : i32, i32
  }
  func.func @transform_5(%arg0: i32) -> (i32, i32) {
    %c0_i32 = arith.constant 0 : i32
    %c0_i32_0 = arith.constant 0 : i32
    return %arg0, %c0_i32 : i32, i32
  }
  func.func @transform_6(%arg0: i32) -> (i32, i32) {
    %c0_i32 = arith.constant 0 : i32
    %c0_i32_0 = arith.constant 0 : i32
    return %arg0, %c0_i32 : i32, i32
  }
}

module attributes {stable_mosaic.version = 14 : i64} {
  func.func @_final_body(%arg0: i32, %arg1: memref<512x128xf32, #tpu.memory_space<vmem>>, %arg2: memref<512x128xf32, #tpu.memory_space<vmem>>, %arg3: memref<512x1xf32, #tpu.memory_space<vmem>>, %arg4: memref<1x256xf32, #tpu.memory_space<vmem>>, %arg5: memref<512x256xf32, #tpu.memory_space<vmem>>) attributes {dimension_semantics = [#tpu.dimension_semantics<arbitrary>], iteration_bounds = array<i64: 20>, scalar_prefetch = 0 : i64, scratch_operands = 0 : i64, tpu.core_type = #tpu.core_type<tc>, window_params = [{transform_indices = @transform_0, window_bounds = array<i64: 512, 128>}, {transform_indices = @transform_1, window_bounds = array<i64: 512, 128>}, {transform_indices = @transform_2, window_bounds = array<i64: 512, 1>}, {pipeline_mode = #tpu.pipeline_mode<synchronous>, transform_indices = @transform_3, window_bounds = array<i64: 1, 256>}, {transform_indices = @transform_4, window_bounds = array<i64: 512, 256>}]} {
    %get3A = arith.constant 0 : index
    %get3A_0 = arith.constant 0 : index
    %get3A_1 = vector.load %arg1[%get3A, %get3A_0] : memref<512x128xf32, #tpu.memory_space<vmem>>, vector<512x128xf32>
    %get3A_2 = arith.constant 0 : index
    %get3A_3 = arith.constant 0 : index
    %get3A_4 = vector.load %arg2[%get3A_2, %get3A_3] : memref<512x128xf32, #tpu.memory_space<vmem>>, vector<512x128xf32>
    %concatenate3A = tpu.concatenate %get3A_1, %get3A_4 in 1 : vector<512x128xf32>, vector<512x128xf32> -> vector<512x256xf32>
    %get3A_5 = arith.constant 0 : index
    %get3A_6 = arith.constant 0 : index
    %get3A_7 = vector.load %arg3[%get3A_5, %get3A_6] : memref<512x1xf32, #tpu.memory_space<vmem>>, vector<512x1xf32>
    %mul3A = vector.broadcast %get3A_7 : vector<512x1xf32> to vector<512x256xf32>
    %mul3A_8 = arith.mulf %concatenate3A, %mul3A : vector<512x256xf32>
    %get3A_9 = arith.constant 0 : index
    %get3A_10 = arith.constant 0 : index
    %get3A_11 = vector.load %arg4[%get3A_9, %get3A_10] : memref<1x256xf32, #tpu.memory_space<vmem>>, vector<1x256xf32>
    %add3A = vector.broadcast %get3A_11 : vector<1x256xf32> to vector<512x256xf32>
    %add3A_12 = arith.addf %mul3A_8, %add3A : vector<512x256xf32>
    %swap3A = arith.constant 0 : index
    %swap3A_13 = arith.constant 0 : index
    %swap3A_14 = vector.load %arg5[%swap3A, %swap3A_13] : memref<512x256xf32, #tpu.memory_space<vmem>>, vector<512x256xf32>
    tpu.vector_store %arg5[%swap3A, %swap3A_13], %add3A_12 {strides = array<i32>} : memref<512x256xf32, #tpu.memory_space<vmem>>, vector<512x256xf32>,
    return
  }
  func.func @transform_0(%arg0: i32) -> (i32, i32) {
    %c0_i32 = arith.constant 0 : i32
    %c0_i32_0 = arith.constant 0 : i32
    return %arg0, %c0_i32 : i32, i32
  }
  func.func @transform_1(%arg0: i32) -> (i32, i32) {
    %c0_i32 = arith.constant 0 : i32
    %c0_i32_0 = arith.constant 0 : i32
    return %arg0, %c0_i32 : i32, i32
  }
  func.func @transform_2(%arg0: i32) -> (i32, i32) {
    %c0_i32 = arith.constant 0 : i32
    %c0_i32_0 = arith.constant 0 : i32
    return %arg0, %c0_i32 : i32, i32
  }
  func.func @transform_3(%arg0: i32) -> (i32, i32) {
    %c0_i32 = arith.constant 0 : i32
    %c0_i32_0 = arith.constant 0 : i32
    %c0_i32_1 = arith.constant 0 : i32
    return %c0_i32, %c0_i32_0 : i32, i32
  }
  func.func @transform_4(%arg0: i32) -> (i32, i32) {
    %c0_i32 = arith.constant 0 : i32
    %c0_i32_0 = arith.constant 0 : i32
    return %arg0, %c0_i32 : i32, i32
  }
}

</mosaic_0001>

<sc_bundles>
// kernel: kernel.12.cloned.1.call-start
scs
__scs_entry_jumppad:
0x0: {  	(pc) =	sbr.rel $0x88, $3  }
0x1: {  	(tag) =	ssettag $0x0;
	lr =	simm.s32 $0x1  }
0x2: {  	[smem:$0x3F9B] =	sst lr;
	_ =	strace $0xD0000000  }
0x3: {  	_ = 	snop  }
0x4: {  	_ = 	snop  }
0x5: {  	_ = 	snop  }
0x6: {  	_ = 	snop  }
0x7: {  	_ = 	snop  }
__scs_overlays_trampoline_lowered:
0x8: {  	[smem:$0x3FAA] =	sst s0  }
0x9: {  	[smem:$0x3FAB] =	sst s1  }
0xa: {  	[smem:$0x3FAC] =	sst s2  }
0xb: {  	[smem:$0x3FAD] =	sst s3  }
0xc: {  	[smem:$0x3FAE] =	sst s4  }
0xd: {  	[smem:$0x3FAF] =	sst s5  }
0xe: {  	[smem:$0x3FB0] =	sst s6  }
0xf: {  	[smem:$0x3FB1] =	sst s7  }
0x10: {  	[smem:$0x3FB2] =	sst s8  }
0x11: {  	[smem:$0x3FB3] =	sst s9;
	s0 =	simm.s32 @!p0 $0x0  }
0x12: {  	s1 =	sld [smem:$0x3F99];
	s0 =	simm.s32 @p0 $0x1  }
0x13: {  	[smem:$0x3FB4] =	sst s0;
	s0 =	simm.s32 @!p1 $0x0  }
0x14: {  	s2 =	sld [smem:$0x3F98];
	s0 =	simm.s32 @p1 $0x1  }
0x15: {  	[smem:$0x3FB5] =	sst s0;
	s0 =	simm.s32 @!p2 $0x0  }
0x16: {  	s3 =	sld [smem:$0x3FDB];
	s0 =	simm.s32 @p2 $0x1  }
0x17: {  	s4 =	simm.s32 $0x1BF5;
	[smem:$0x3FB7] =	sst s0  }
0x18: {  	s0 =	sld [smem:$0x3F9A];
	_ =	swait.ge [sflag:s4], $0x0  }
0x19: {  	s7 =	sld [smem:$0x3F9B]  }
0x1a: {  	s8 =	sadd.s32 $0xFFFFE003, lr  }
0x1b: {  	s9 =	sadd.s32 $0xFFFFFEF7, lr;
	s5 =	simm.s32 $0xFFFFFFFF;
	p2 =	slt.u32 s8, $0xFFFFF086  }
0x1c: {  	p1 =	slt.u32 s9, $0xF7A;
	s5 =	simm.s32 @!p2 $0x0  }
0x1d: {  	s5 =	simm.s32 @p1 $0x1;
	p0 =	seq.s32 s7, s2  }
0x1e: {  	s7 =	smul.u32 @!p0 $0xF7A, s2;
	p2 =	seq.s32 @!p0 s5, $0x0  }
0x1f: {  	s9 =	smul.u32 $0xF7A, s1;
	s8 =	simm.s32 @!p0 $0x1BF5;
	p2 =	por !p2, p0  }
0x20: {  	[sflag:s8] =	ssyncset.s32 @!p0 $0xFFFFF086;
	s6 =	sadd.s32 @!p0 s3, s7;
	s7 =	simm.s32 @!p0 $0x108  }
0x21: {  	s3 =	sadd.s32 s3, s9;
	s6 =	sadd.s32 @!p0 $0x88, s6;
	s7 =	simm.s32 @p2 $0x1082  }
0x22: {  	[simem:s7], [sflag:s8] =	dma.local @!p0 [hbm:s6], $0xF7A  }
0x23: {  	s9 =	sor.u32 $0xD0000000, s2;
	s6 =	simm.s32 $0x108;
	_ =	swait.ge @!p0 [sflag:s8], $0x0  }
0x24: {  	s3 =	sadd.s32 $0x88, s3;
	s6 =	simm.s32 @!p1 $0x1082;
	[sflag:s4] =	ssyncset.s32 $0xFFFFF086  }
0x25: {  	[simem:s6], [sflag:s4] =	dma.local [hbm:s3], $0xF7A  }
0x26: {  	[smem:$0x3F9B] =	sst s1;
	(tag) =	ssettag s2;
	_ =	strace s9  }
0x27: {  	s1 =	sld [smem:$0x3FAB]  }
0x28: {  	s2 =	sld [smem:$0x3FAC]  }
0x29: {  	s4 =	sld [smem:$0x3FAE]  }
0x2a: {  	p0 =	seq.s32 s5, $0x0;
	s5 =	sld [smem:$0x3FAF]  }
0x2b: {  	s6 =	sld [smem:$0x3FB0]  }
0x2c: {  	s7 =	sld [smem:$0x3FB1]  }
0x2d: {  	s3 =	simm.s32 $0x108;
	s8 =	sld [smem:$0x3FB2]  }
0x2e: {  	s3 =	simm.s32 @!p0 $0x1082;
	s9 =	sld [smem:$0x3FB3]  }
0x2f: {  	lr =	sadd.s32 s0, s3;
	s0 =	sld [smem:$0x3FAA]  }
0x30: {  	s3 =	sld [smem:$0x3FAD]  }
0x31: {  	[smem:$0x3FB6] =	sst s10  }
0x32: {  	s10 =	sld [smem:$0x3FB4];
	_ =	sdelay $0x3  }
0x33: {  	p0 =	seq.s32 s10, $0x1;
	s10 =	sld [smem:$0x3FB6];
	_ =	sdelay $0x3  }
0x34: {  	[smem:$0x3FB6] =	sst s10  }
0x35: {  	s10 =	sld [smem:$0x3FB5];
	_ =	sdelay $0x3  }
0x36: {  	p1 =	seq.s32 s10, $0x1;
	s10 =	sld [smem:$0x3FB6];
	_ =	sdelay $0x3  }
0x37: {  	[smem:$0x3FB6] =	sst s10  }
0x38: {  	s10 =	sld [smem:$0x3FB7]  }
0x39: {  	_ = 	snop;
	(pc) =	sbr.ind lr, $3  }
0x3a: {  	_ = 	snop  }
0x3b: {  	_ = 	snop  }
0x3c: {  	p2 =	seq.s32 s10, $0x1;
	s10 =	sld [smem:$0x3FB6]  }
0x3d: {  	_ =	shalt  }
0x3e: {  	_ =	shalt  }
0x3f: {  	_ =	shalt  }
0x40: {  	_ =	shalt  }
0x41: {  	_ =	shalt  }
0x42: {  	_ =	shalt  }
0x43: {  	_ =	shalt  }
0x44: {  	_ =	shalt  }
0x45: {  	_ =	shalt  }
0x46: {  	_ =	shalt  }
0x47: {  	_ =	shalt  }
0x48: {  	_ =	shalt  }
0x49: {  	_ =	shalt  }
0x4a: {  	_ =	shalt  }
0x4b: {  	_ =	shalt  }
0x4c: {  	_ =	shalt  }
0x4d: {  	_ =	shalt  }
0x4e: {  	_ =	shalt  }
0x4f: {  	_ =	shalt  }
0x50: {  	_ =	shalt  }
0x51: {  	_ =	shalt  }
0x52: {  	_ =	shalt  }
0x53: {  	_ =	shalt  }
0x54: {  	_ =	shalt  }
0x55: {  	_ =	shalt  }
0x56: {  	_ =	shalt  }
0x57: {  	_ =	shalt  }
0x58: {  	_ =	shalt  }
0x59: {  	_ =	shalt  }
0x5a: {  	_ =	shalt  }
0x5b: {  	_ =	shalt  }
0x5c: {  	_ =	shalt  }
0x5d: {  	_ =	shalt  }
0x5e: {  	_ =	shalt  }
0x5f: {  	_ =	shalt  }
0x60: {  	_ =	shalt  }
0x61: {  	_ =	shalt  }
0x62: {  	_ =	shalt  }
0x63: {  	_ =	shalt  }
0x64: {  	_ =	shalt  }
0x65: {  	_ =	shalt  }
0x66: {  	_ =	shalt  }
0x67: {  	_ =	shalt  }
0x68: {  	_ =	shalt  }
0x69: {  	_ =	shalt  }
0x6a: {  	_ =	shalt  }
0x6b: {  	_ =	shalt  }
0x6c: {  	_ =	shalt  }
0x6d: {  	_ =	shalt  }
0x6e: {  	_ =	shalt  }
0x6f: {  	_ =	shalt  }
0x70: {  	_ =	shalt  }
0x71: {  	_ =	shalt  }
0x72: {  	_ =	shalt  }
0x73: {  	_ =	shalt  }
0x74: {  	_ =	shalt  }
0x75: {  	_ =	shalt  }
0x76: {  	_ =	shalt  }
0x77: {  	_ =	shalt  }
0x78: {  	_ =	shalt  }
0x79: {  	_ =	shalt  }
0x7a: {  	_ =	shalt  }
0x7b: {  	_ =	shalt  }
0x7c: {  	_ =	shalt  }
0x7d: {  	_ =	shalt  }
0x7e: {  	_ =	shalt  }
0x7f: {  	_ =	shalt  }
0x80: {  	_ =	shalt  }
0x81: {  	_ =	shalt  }
0x82: {  	_ =	shalt  }
0x83: {  	_ =	shalt  }
0x84: {  	_ =	shalt  }
0x85: {  	_ =	shalt  }
0x86: {  	_ =	shalt  }
0x87: {  	_ =	shalt  }
.Lfunc_end0:
.L_simem_size_0:
called_computation.1_lowered:
.L_overlay_start_0:
0x88: {  	s2 =	sld [smem:$0x3FD9]  }
0x89: {  	s3 =	sld [smem:$0x3FFE];
	_ =	sdelay $0x1  }
0x8a: {  	s1 =	srdreg.scid  }
0x8b: {  	s0 =	sand.u32 $0x1, s1  }
0x8c: {  	s17 =	sshll.u32 s0, $0xA;
	s2 =	sadd.s32 s3, s2  }
0x8d: {  	s2 =	sadd.s32 s2, s17  }
0x8e: {  	[smem:$0x3FC2] =	sst s2  }
0x8f: {  	_ = 	snop  }
0x90: {  	s2 =	sld [smem:$0x3FD0];
	(tm) =	ssettm $0x1  }
0x91: {  	s18 =	sld [smem:$0x3FFB];
	_ =	sdelay $0x3  }
0x92: {  	_ =	strace s18  }
0x93: {  	s3 =	sld [smem:$0x3FFC];
	_ =	sdelay $0x3  }
0x94: {  	_ =	strace s3  }
0x95: {  	s3 =	sld [smem:$0x3FFD];
	_ =	sdelay $0x3  }
0x96: {  	_ =	strace s3  }
0x97: {  	_ =	strace $0x8FFFFFFF  }
0x98: {  	s19 =	sld [smem:$0x3FDB];
	_ =	sdelay $0x1  }
0x99: {  	s4 =	simm.s32 $_scs_section_size  }
0x9a: {  	s5 =	simm.s32 $_size__tile_overlayer_lowered;
	s6 =	simm.s32 $_tile_overlayer_lowered  }
0x9b: {  	s22 =	simm.s32 $0x1BFF;
	s21 =	sshll.u32 s6, $0x1;
	s3 =	sadd.s32 s4, s19  }
0x9c: {  	s7 =	simm.s32 $0x0;
	s20 =	sshll.u32 s5, $0x1;
	s5 =	sadd.s32 s21, s3  }
0x9d: {  	[timem:s7], [sflag:s22] =	dma.local [hbm:s5], s20  }
0x9e: {  	_ =	swait.ge [sflag:s22], s20  }
0x9f: {  	s4 =	ssub.s32 $0x0, s20;
	[sflag:s22] =	ssyncset.done $0x0  }
0xa0: {  	[sflag:s22] =	ssyncadd.s32 s4;
	_ =	sdelay $0x1  }
0xa1: {  	s23 =	simm.s32 $0x1B8B  }
0xa2: {  	_ =	swait.ge [sflag:s23], $0x1  }
0xa3: {  	[sflag:s23] =	ssyncset.done $0x0  }
0xa4: {  	s25 =	simm.s32 $0x1B8E;
	s24 =	sld [smem:$0x3FFE];
	[sflag:s23] =	ssyncadd.s32 $0xFFFFFFFF  }
0xa5: {  	s26 =	simm.s32 $execute0_lowered;
	[smem:$0x3FD2] =	sst s25  }
0xa6: {  	s5 =	sshll.u32 s26, $0x1;
	_ =	strace $0x80000049;
	[dreg:$0x1] =	wrdreg $0xFFFFFFFF  }
0xa7: {  	s28 =	simm.s32 $_size_execute0_lowered;
	s3 =	sadd.s32 s3, s5;
	[dreg:$0x0] =	wrdreg $0x0  }
0xa8: {  	s5 =	sshll.u32 s28, $0x1;
	[dreg:$0x2] =	wrdreg s3  }
0xa9: {  	[dreg:$0x3] =	wrdreg s5  }
0xaa: {  	[dreg:$0x4] =	wrdreg $0xC0  }
0xab: {  	_ =	task [dreg:s7], $0x5FFFF  }
0xac: {  	[dreg:$0x1] =	wrdreg $0xFFFFFFFF  }
0xad: {  	[dreg:$0x0] =	wrdreg $0x60  }
0xae: {  	[dreg:$0x2] =	wrdreg s2  }
0xaf: {  	[dreg:$0x3] =	wrdreg s24  }
0xb0: {  	[dreg:$0x4] =	wrdreg $0x0  }
0xb1: {  	[dreg:$0x5] =	wrdreg $0x9  }
0xb2: {  	_ =	task.clear_ibuf [dreg:s7], $0x6FFFF;
	_ =	strace $0x90000049  }
0xb3: {  	s29 =	simm.s32 $0x9;
	_ =	strace $0x8000004B  }
0xb4: {  	_ =	swait.ge [sflag:s29], $0x1  }
0xb5: {  	[sflag:s29] =	ssyncadd.s32 $0xFFFFFFFF  }
0xb6: {  	_ =	strace $0x9000004B  }
0xb7: {  	_ =	sfence  }
0xb8: {  	s30 =	sld [smem:$0x0];
	_ =	sdelay $0x2  }
0xb9: {  	s31 =	sshll.u32 s1, $0xD;
	s1 =	sshrl.u32 s1, $0x2  }
0xba: {  	s3 =	sand.u32 $0x4000, s31;
	s1 =	sadd.s32 s1, s30  }
0xbb: {  	s0 =	sor.u32 s3, s0;
	s1 =	sshll.u32 s1, $0x11  }
0xbc: {  	s0 =	sor.u32 s1, s0  }
0xbd: {  	s0 =	sadd.s32 $0x8F2B, s0  }
0xbe: {  	[sflag:s0] =	ssyncadd.remote.s32 $0x1  }
0xbf: {  	_ =	sfence.sel $0xFFFF  }
0xc0: {  	[dreg:$0x0] =	wrdreg $0xFFFFFFFF;
	(pc) =	sbr.abs _section_cstart, $3  }
0xc1: {  	[dreg:$0x1] =	wrdreg $0xFFFFFFFF  }
0xc2: {  	_ =	task.clear_ibuf [dreg:s7], $0x2FFFF;
	_ =	strace $0x9FFFFFFF  }
0xc3: {  	(tm) =	ssettm $0x7FFFFFFF  }
tec
execute0_lowered:
.L_overlay_start_1:
0x0: {  	(tag) =	ssettag $0x1  }
0x1: {  	s1 =	rddreg [dreg:$0x0]  }
0x2: {  	s8 =	rddreg [dreg:$0x1]  }
0x3: {  	s2 =	rddreg [dreg:$0x2]  }
0x4: {  	s0 =	rddreg [dreg:$0x3];
	s3 =	simm.s32 $0x0;
	s6 =	srdreg.scid  }
0x5: {  	s4 =	stileid.u32;
	s19 =	simm.s32 $0x3;
	s20 =	simm.s32 $0x14000  }
0x6: {  	s21 =	simm.s32 $0x80;
	s22 =	simm.s32 $0x16800;
	s23 =	simm.s32 $0x1  }
0x7: {  	s24 =	simm.s32 $0x2;
	[smem:$0x7FF] =	sst s3;
	s5 =	sadd.s32 $0x8800, s8  }
0x8: {  	s12 =	sadd.s32 $0x58800, s8;
	s13 =	sadd.s32 $0x3800, s8;
	s10 =	smul.u32 $0x50000, s4  }
0x9: {  	s9 =	sand.u32 $0x1, s6;
	s6 =	sadd.s32 $0x5D800, s8;
	s7 =	smul.u32 $0x2800, s4  }
0xa: {  	s8 =	sadd.s32 $0x85800, s8;
	s15 =	smul.u32 $0x500, s4;
	s11 =	ssub.s32 $0x2, s9  }
0xb: {  	_ =	strace $0x8000004A;
	p0 =	seq.s32 s9, $0x1;
	s14 =	sshrl.u32 s11, $0x1  }
.Ltmp0:
0xc: {  	s30 =	sshrl.u32 s10, $0x2;
	s9 =	sadd.s32 s1, s7;
	(pc) =	sbr.rel .LBB2_1-.Ltmp0, $4  }
0xd: {  	s31 =	sadd.s32 $0x280, s15;
	s10 =	sadd.s32 s12, s15;
	s16 =	ssub.s32 s11, s14  }
0xe: {  	s18 =	sadd.s32 s30, s2;
	s11 =	sadd.s32 s13, s15;
	s12 =	sadd.s32 s12, s31  }
0xf: {  	s13 =	sadd.s32 s13, s31;
	s14 =	sadd.s32 s5, s7;
	s15 =	sshll.u32 s4, $0x6  }
0x10: {  	s16 =	smax.u32 s16, $0x1;
	s17 =	sor.u32 $0x1C03, s15;
	s18 =	sshrl.u32 s18, $0x3  }
.LBB2_14:
0x11: {  	s26 =	smov.u32 s8;
	s25 =	smov.u32 s17  }
.LBB2_15:
0x12: {  	_ =	swait.ge [sflag:s24], $0x4000  }
0x13: {  	s3 =	sadd.s32 $0x1, s3;
	[sflag:s24] =	ssyncset.done $0x0  }
0x14: {  	p1 =	sne.s32 s3, s16;
	[sflag:s24] =	ssyncadd.s32 $0xFFFFC000  }
.Ltmp1:
0x15: {  	s26 =	sadd.s32 s26, s7;
	[bflag:$0x0] =	sbarrier.arrive $0xFFFF;
	(pc) =	sbr.rel @!p1 .LBB2_16-.Ltmp1, $4  }
0x16: {  	[hbm:s26], [sflag:s25] =	dma.local [spmem:s18], $0x2800  }
0x17: {  	_ =	swait.ge [sflag:s19], $0x2800  }
0x18: {  	[sflag:s19] =	ssyncset.done $0x0  }
0x19: {  	[sflag:s19] =	ssyncadd.s32 $0xFFFFD800  }
.LBB2_1:
.Ltmp2:
0x1a: {  	(pc) =	sbr.rel @!p0 .LBB2_2-.Ltmp2, $1  }
0x1b: {  	_ =	sdelay $0x3  }
0x1c: {  	[spmem:s18], [sflag:s17] =	dma.local [hbm:s14], $0x2800  }
0x1d: {  	_ =	swait.ge [sflag:s19], $0x2800  }
0x1e: {  	[sflag:s19] =	ssyncset.done $0x0  }
0x1f: {  	[sflag:s19] =	ssyncadd.s32 $0xFFFFD800  }
0x20: {  	s25 =	simm.s32 $0x0;
	[bflag:$0x0] =	sbarrier.arrive $0xFFFF  }
0x21: {  	[tilespmem:s20], [sflag:$0x3] =	stream.linear.gather [hbm4b:s10+s25], $0x1400, $0x38;
	[tilespmem:$0x1E800] =	vst v63  }
0x22: {  	_ =	swait.ge [sflag:s19], $0x1400  }
0x23: {  	[sflag:s19] =	ssyncset.done $0x0  }
0x24: {  	s26 =	simm.s32 $0x15400;
	[sflag:s19] =	ssyncadd.s32 $0xFFFFEC00  }
0x25: {  	[tilespmem:s26], [sflag:$0x3] =	stream.linear.gather [hbm4b:s11+s25], $0x1400, $0x38;
	[tilespmem:$0x1E800] =	vst v63  }
0x26: {  	_ =	swait.ge [sflag:s19], $0x1400  }
0x27: {  	[sflag:s19] =	ssyncset.done $0x0  }
0x28: {  	s28 =	simm.s32 $0x14080;
	[sflag:s19] =	ssyncadd.s32 $0xFFFFEC00  }
0x29: {  	[tilespmem:s22], [sflag:$0x1] =	stream.indirect.gather [hbm4b:s5+s21], $0x80, s20, s21, $0xb8;
	[tilespmem:$0x1E800] =	vst v63  }
.LBB2_10:
0x2a: {  	s29 =	sand.u32 $0x1, s25;
	_ =	swait.ge [sflag:s23], $0x4000;
	p1 =	seq.s32 s25, $0x0  }
0x2b: {  	s29 =	sshll.u32 s29, $0xE;
	[sflag:s23] =	ssyncset.done $0x0;
	p2 =	seq.s32 @!p1 s25, $0x27  }
0x2c: {  	s30 =	sadd.s32 $0x16800, s29;
	[sflag:s23] =	ssyncadd.s32 $0xFFFFC000;
	p2 =	por p1, !p2  }
0x2d: {  	[spmem:s2] =	stream.indirect.scatter.add.f32 [tilespmem:s30], [sflag:$0x2], $0x80, s26, s21, $0xb8;
	[tilespmem:$0x1E800] =	vst v63  }
.Ltmp3:
0x2e: {  	_ = 	snop;
	(pc) =	sbr.rel @!p2 .LBB2_12-.Ltmp3, $4  }
0x2f: {  	s30 =	simm.s32 @!p1 $0x2  }
0x30: {  	_ =	swait.ge @!p1 [sflag:s30], $0x4000  }
0x31: {  	[sflag:s30] =	ssyncset.done @!p1 $0x0  }
0x32: {  	[sflag:s30] =	ssyncadd.s32 @!p1 $0xFFFFC000  }
.Ltmp4:
0x33: {  	(pc) =	sbr.rel .LBB2_10-.Ltmp4, $4  }
0x34: {  	_ = 	snop  }
0x35: {  	s29 =	ssub.s32 $0x1A800, s29  }
0x36: {  	[tilespmem:s29], [sflag:$0x1] =	stream.indirect.gather [hbm4b:s5+s21], $0x80, s28, s21, $0xb8;
	[tilespmem:$0x1E800] =	vst v63  }
0x37: {  	s25 =	sadd.s32 $0x1, s25;
	s26 =	sadd.s32 $0x80, s26;
	s28 =	sadd.s32 $0x80, s28  }
.LBB2_2:
0x38: {  	s25 =	sor.u32 $0x1C03, s15  }
0x39: {  	[spmem:s18], [sflag:s25] =	dma.local [hbm:s9], $0x2800  }
0x3a: {  	_ =	swait.ge [sflag:s19], $0x2800  }
0x3b: {  	[sflag:s19] =	ssyncset.done $0x0  }
0x3c: {  	[sflag:s19] =	ssyncadd.s32 $0xFFFFD800  }
0x3d: {  	s26 =	simm.s32 $0x0;
	[bflag:$0x0] =	sbarrier.arrive $0xFFFF  }
0x3e: {  	[tilespmem:s20], [sflag:$0x3] =	stream.linear.gather [hbm4b:s10+s26], $0x1400, $0x38;
	[tilespmem:$0x1E800] =	vst v63  }
0x3f: {  	_ =	swait.ge [sflag:s19], $0x1400  }
0x40: {  	[sflag:s19] =	ssyncset.done $0x0  }
0x41: {  	s28 =	simm.s32 $0x15400;
	[sflag:s19] =	ssyncadd.s32 $0xFFFFEC00  }
0x42: {  	[tilespmem:s28], [sflag:$0x3] =	stream.linear.gather [hbm4b:s11+s26], $0x1400, $0x38;
	[tilespmem:$0x1E800] =	vst v63  }
0x43: {  	_ =	swait.ge [sflag:s19], $0x1400  }
0x44: {  	[sflag:s19] =	ssyncset.done $0x0  }
0x45: {  	s29 =	simm.s32 $0x14080;
	[sflag:s19] =	ssyncadd.s32 $0xFFFFEC00  }
0x46: {  	[tilespmem:s22], [sflag:$0x1] =	stream.indirect.gather [hbm4b:s1+s21], $0x80, s20, s21, $0xb8;
	[tilespmem:$0x1E800] =	vst v63  }
.LBB2_3:
0x47: {  	s30 =	sand.u32 $0x1, s26;
	_ =	swait.ge [sflag:s23], $0x4000;
	p1 =	seq.s32 s26, $0x0  }
0x48: {  	s30 =	sshll.u32 s30, $0xE;
	[sflag:s23] =	ssyncset.done $0x0;
	p2 =	seq.s32 @!p1 s26, $0x27  }
0x49: {  	s31 =	sadd.s32 $0x16800, s30;
	[sflag:s23] =	ssyncadd.s32 $0xFFFFC000;
	p2 =	por p1, !p2  }
0x4a: {  	[spmem:s2] =	stream.indirect.scatter.add.f32 [tilespmem:s31], [sflag:$0x2], $0x80, s28, s21, $0xb8;
	[tilespmem:$0x1E800] =	vst v63  }
.Ltmp5:
0x4b: {  	_ = 	snop;
	(pc) =	sbr.rel @!p2 .LBB2_5-.Ltmp5, $4  }
0x4c: {  	s31 =	simm.s32 @!p1 $0x2  }
0x4d: {  	_ =	swait.ge @!p1 [sflag:s31], $0x4000  }
0x4e: {  	[sflag:s31] =	ssyncset.done @!p1 $0x0  }
0x4f: {  	[sflag:s31] =	ssyncadd.s32 @!p1 $0xFFFFC000  }
.Ltmp6:
0x50: {  	(pc) =	sbr.rel .LBB2_3-.Ltmp6, $4  }
0x51: {  	_ = 	snop  }
0x52: {  	s30 =	ssub.s32 $0x1A800, s30  }
0x53: {  	[tilespmem:s30], [sflag:$0x1] =	stream.indirect.gather [hbm4b:s1+s21], $0x80, s29, s21, $0xb8;
	[tilespmem:$0x1E800] =	vst v63  }
0x54: {  	s26 =	sadd.s32 $0x1, s26;
	s28 =	sadd.s32 $0x80, s28;
	s29 =	sadd.s32 $0x80, s29  }
.LBB2_12:
0x55: {  	_ =	swait.ge [sflag:s24], $0x4000  }
0x56: {  	[sflag:s24] =	ssyncset.done $0x0  }
0x57: {  	s25 =	simm.s32 $0x0;
	[sflag:s24] =	ssyncadd.s32 $0xFFFFC000  }
0x58: {  	[tilespmem:s20], [sflag:$0x3] =	stream.linear.gather [hbm4b:s12+s25], $0x1400, $0x38;
	[tilespmem:$0x1E800] =	vst v63  }
0x59: {  	_ =	swait.ge [sflag:s19], $0x1400  }
0x5a: {  	[sflag:s19] =	ssyncset.done $0x0  }
0x5b: {  	s26 =	simm.s32 $0x15400;
	[sflag:s19] =	ssyncadd.s32 $0xFFFFEC00  }
0x5c: {  	[tilespmem:s26], [sflag:$0x3] =	stream.linear.gather [hbm4b:s13+s25], $0x1400, $0x38;
	[tilespmem:$0x1E800] =	vst v63  }
0x5d: {  	_ =	swait.ge [sflag:s19], $0x1400  }
0x5e: {  	[sflag:s19] =	ssyncset.done $0x0  }
0x5f: {  	s28 =	simm.s32 $0x14080;
	[sflag:s19] =	ssyncadd.s32 $0xFFFFEC00  }
0x60: {  	[tilespmem:s22], [sflag:$0x1] =	stream.indirect.gather [hbm4b:s5+s21], $0x80, s20, s21, $0xb8;
	[tilespmem:$0x1E800] =	vst v63  }
.LBB2_13:
0x61: {  	s29 =	sand.u32 $0x1, s25;
	_ =	swait.ge [sflag:s23], $0x4000;
	p1 =	seq.s32 s25, $0x0  }
0x62: {  	s29 =	sshll.u32 s29, $0xE;
	[sflag:s23] =	ssyncset.done $0x0;
	p2 =	seq.s32 @!p1 s25, $0x27  }
0x63: {  	s30 =	sadd.s32 $0x16800, s29;
	[sflag:s23] =	ssyncadd.s32 $0xFFFFC000;
	p2 =	por p1, !p2  }
0x64: {  	[spmem:s2] =	stream.indirect.scatter.add.f32 [tilespmem:s30], [sflag:$0x2], $0x80, s26, s21, $0xb8;
	[tilespmem:$0x1E800] =	vst v63  }
.Ltmp7:
0x65: {  	_ = 	snop;
	(pc) =	sbr.rel @!p2 .LBB2_14-.Ltmp7, $4  }
0x66: {  	s30 =	simm.s32 @!p1 $0x2  }
0x67: {  	_ =	swait.ge @!p1 [sflag:s30], $0x4000  }
0x68: {  	[sflag:s30] =	ssyncset.done @!p1 $0x0  }
0x69: {  	[sflag:s30] =	ssyncadd.s32 @!p1 $0xFFFFC000  }
.Ltmp8:
0x6a: {  	(pc) =	sbr.rel .LBB2_13-.Ltmp8, $4  }
0x6b: {  	_ = 	snop  }
0x6c: {  	s29 =	ssub.s32 $0x1A800, s29  }
0x6d: {  	[tilespmem:s29], [sflag:$0x1] =	stream.indirect.gather [hbm4b:s5+s21], $0x80, s28, s21, $0xb8;
	[tilespmem:$0x1E800] =	vst v63  }
0x6e: {  	s25 =	sadd.s32 $0x1, s25;
	s26 =	sadd.s32 $0x80, s26;
	s28 =	sadd.s32 $0x80, s28  }
.LBB2_5:
0x6f: {  	_ =	swait.ge [sflag:s24], $0x4000  }
0x70: {  	[sflag:s24] =	ssyncset.done $0x0  }
0x71: {  	s26 =	simm.s32 $0x0;
	[sflag:s24] =	ssyncadd.s32 $0xFFFFC000  }
0x72: {  	[tilespmem:s20], [sflag:$0x3] =	stream.linear.gather [hbm4b:s12+s26], $0x1400, $0x38;
	[tilespmem:$0x1E800] =	vst v63  }
0x73: {  	_ =	swait.ge [sflag:s19], $0x1400  }
0x74: {  	[sflag:s19] =	ssyncset.done $0x0  }
0x75: {  	s28 =	simm.s32 $0x15400;
	[sflag:s19] =	ssyncadd.s32 $0xFFFFEC00  }
0x76: {  	[tilespmem:s28], [sflag:$0x3] =	stream.linear.gather [hbm4b:s13+s26], $0x1400, $0x38;
	[tilespmem:$0x1E800] =	vst v63  }
0x77: {  	_ =	swait.ge [sflag:s19], $0x1400  }
0x78: {  	[sflag:s19] =	ssyncset.done $0x0  }
0x79: {  	s29 =	simm.s32 $0x14080;
	[sflag:s19] =	ssyncadd.s32 $0xFFFFEC00  }
0x7a: {  	[tilespmem:s22], [sflag:$0x1] =	stream.indirect.gather [hbm4b:s1+s21], $0x80, s20, s21, $0xb8;
	[tilespmem:$0x1E800] =	vst v63  }
.LBB2_6:
0x7b: {  	s30 =	sand.u32 $0x1, s26;
	_ =	swait.ge [sflag:s23], $0x4000;
	p1 =	seq.s32 s26, $0x0  }
0x7c: {  	s30 =	sshll.u32 s30, $0xE;
	[sflag:s23] =	ssyncset.done $0x0;
	p2 =	seq.s32 @!p1 s26, $0x27  }
0x7d: {  	s31 =	sadd.s32 $0x16800, s30;
	[sflag:s23] =	ssyncadd.s32 $0xFFFFC000;
	p2 =	por p1, !p2  }
0x7e: {  	[spmem:s2] =	stream.indirect.scatter.add.f32 [tilespmem:s31], [sflag:$0x2], $0x80, s28, s21, $0xb8;
	[tilespmem:$0x1E800] =	vst v63  }
.Ltmp9:
0x7f: {  	_ = 	snop;
	(pc) =	sbr.rel @!p2 .LBB2_7-.Ltmp9, $4  }
0x80: {  	s31 =	simm.s32 @!p1 $0x2  }
0x81: {  	_ =	swait.ge @!p1 [sflag:s31], $0x4000  }
0x82: {  	[sflag:s31] =	ssyncset.done @!p1 $0x0  }
0x83: {  	[sflag:s31] =	ssyncadd.s32 @!p1 $0xFFFFC000  }
.Ltmp10:
0x84: {  	(pc) =	sbr.rel .LBB2_6-.Ltmp10, $4  }
0x85: {  	_ = 	snop  }
0x86: {  	s30 =	ssub.s32 $0x1A800, s30  }
0x87: {  	[tilespmem:s30], [sflag:$0x1] =	stream.indirect.gather [hbm4b:s1+s21], $0x80, s29, s21, $0xb8;
	[tilespmem:$0x1E800] =	vst v63  }
0x88: {  	s26 =	sadd.s32 $0x1, s26;
	s28 =	sadd.s32 $0x80, s28;
	s29 =	sadd.s32 $0x80, s29  }
.LBB2_7:
.Ltmp11:
0x89: {  	(pc) =	sbr.rel .LBB2_15-.Ltmp11, $2  }
0x8a: {  	_ =	sdelay $0x2  }
0x8b: {  	s26 =	smov.u32 s6  }
.LBB2_16:
0x8c: {  	_ =	sfence.sel $0x180000  }
0x8d: {  	[bflag:$0x0] =	sbarrier.arrive $0xFFFF  }
0x8e: {  	p0 =	sne.s32 s4, $0x0;
	_ =	strace $0x9000004A  }
0x8f: {  	s0 =	sadd.s32 @!p0 $0x100000, s0;
	[bflag:$0x2] =	sbarrier.arrive $0xFFFF  }
0x90: {  	[sflag:s0] =	ssyncadd.tile.s32 @!p0 $0x1;
	_ =	shalt  }
.Lfunc_end2:
_tile_overlayer_lowered:
.L_overlay_start_2:
0x91: {  	(tag) =	ssettag $0x2  }
0x92: {  	s0 =	rddreg [dreg:$0x0];
	s2 =	stileid.u32  }
0x93: {  	s1 =	rddreg [dreg:$0x1];
	p0 =	sne.s32 s2, $0x0  }
0x94: {  	s3 =	rddreg [dreg:$0x2];
	[bflag:$0x3] =	sbarrier.arrive $0xFFFF;
	s2 =	simm.s32 @!p0 $0x1C03  }
0x95: {  	[timem:s3], [sflag:s2] =	dma.local @!p0 [hbm:s0], s1  }
0x96: {  	s0 =	simm.s32 @!p0 $0x3  }
0x97: {  	_ =	swait.ge @!p0 [sflag:s0], s1  }
0x98: {  	s1 =	ssub.s32 @!p0 $0x0, s1;
	[sflag:s0] =	ssyncset.done @!p0 $0x0  }
0x99: {  	[sflag:s0] =	ssyncadd.s32 @!p0 s1  }
0x9a: {  	[bflag:$0x3] =	sbarrier.arrive $0xFFFF  }
0x9b: {  	_ =	shalt  }

// kernel: kernel.15.cloned.1.call-start
scs
__scs_entry_jumppad:
0x0: {  	(pc) =	sbr.rel $0x88, $3  }
0x1: {  	(tag) =	ssettag $0x0;
	lr =	simm.s32 $0x1  }
0x2: {  	[smem:$0x3F9B] =	sst lr;
	_ =	strace $0xD0000000  }
0x3: {  	_ = 	snop  }
0x4: {  	_ = 	snop  }
0x5: {  	_ = 	snop  }
0x6: {  	_ = 	snop  }
0x7: {  	_ = 	snop  }
__scs_overlays_trampoline_lowered:
0x8: {  	[smem:$0x3FAA] =	sst s0  }
0x9: {  	[smem:$0x3FAB] =	sst s1  }
0xa: {  	[smem:$0x3FAC] =	sst s2  }
0xb: {  	[smem:$0x3FAD] =	sst s3  }
0xc: {  	[smem:$0x3FAE] =	sst s4  }
0xd: {  	[smem:$0x3FAF] =	sst s5  }
0xe: {  	[smem:$0x3FB0] =	sst s6  }
0xf: {  	[smem:$0x3FB1] =	sst s7  }
0x10: {  	[smem:$0x3FB2] =	sst s8  }
0x11: {  	[smem:$0x3FB3] =	sst s9;
	s0 =	simm.s32 @!p0 $0x0  }
0x12: {  	s1 =	sld [smem:$0x3F99];
	s0 =	simm.s32 @p0 $0x1  }
0x13: {  	[smem:$0x3FB4] =	sst s0;
	s0 =	simm.s32 @!p1 $0x0  }
0x14: {  	s2 =	sld [smem:$0x3F98];
	s0 =	simm.s32 @p1 $0x1  }
0x15: {  	[smem:$0x3FB5] =	sst s0;
	s0 =	simm.s32 @!p2 $0x0  }
0x16: {  	s3 =	sld [smem:$0x3FDB];
	s0 =	simm.s32 @p2 $0x1  }
0x17: {  	s4 =	simm.s32 $0x1BF5;
	[smem:$0x3FB7] =	sst s0  }
0x18: {  	s0 =	sld [smem:$0x3F9A];
	_ =	swait.ge [sflag:s4], $0x0  }
0x19: {  	s7 =	sld [smem:$0x3F9B]  }
0x1a: {  	s8 =	sadd.s32 $0xFFFFE003, lr  }
0x1b: {  	s9 =	sadd.s32 $0xFFFFFEF7, lr;
	s5 =	simm.s32 $0xFFFFFFFF;
	p2 =	slt.u32 s8, $0xFFFFF086  }
0x1c: {  	p1 =	slt.u32 s9, $0xF7A;
	s5 =	simm.s32 @!p2 $0x0  }
0x1d: {  	s5 =	simm.s32 @p1 $0x1;
	p0 =	seq.s32 s7, s2  }
0x1e: {  	s7 =	smul.u32 @!p0 $0xF7A, s2;
	p2 =	seq.s32 @!p0 s5, $0x0  }
0x1f: {  	s9 =	smul.u32 $0xF7A, s1;
	s8 =	simm.s32 @!p0 $0x1BF5;
	p2 =	por !p2, p0  }
0x20: {  	[sflag:s8] =	ssyncset.s32 @!p0 $0xFFFFF086;
	s6 =	sadd.s32 @!p0 s3, s7;
	s7 =	simm.s32 @!p0 $0x108  }
0x21: {  	s3 =	sadd.s32 s3, s9;
	s6 =	sadd.s32 @!p0 $0x88, s6;
	s7 =	simm.s32 @p2 $0x1082  }
0x22: {  	[simem:s7], [sflag:s8] =	dma.local @!p0 [hbm:s6], $0xF7A  }
0x23: {  	s9 =	sor.u32 $0xD0000000, s2;
	s6 =	simm.s32 $0x108;
	_ =	swait.ge @!p0 [sflag:s8], $0x0  }
0x24: {  	s3 =	sadd.s32 $0x88, s3;
	s6 =	simm.s32 @!p1 $0x1082;
	[sflag:s4] =	ssyncset.s32 $0xFFFFF086  }
0x25: {  	[simem:s6], [sflag:s4] =	dma.local [hbm:s3], $0xF7A  }
0x26: {  	[smem:$0x3F9B] =	sst s1;
	(tag) =	ssettag s2;
	_ =	strace s9  }
0x27: {  	s1 =	sld [smem:$0x3FAB]  }
0x28: {  	s2 =	sld [smem:$0x3FAC]  }
0x29: {  	s4 =	sld [smem:$0x3FAE]  }
0x2a: {  	p0 =	seq.s32 s5, $0x0;
	s5 =	sld [smem:$0x3FAF]  }
0x2b: {  	s6 =	sld [smem:$0x3FB0]  }
0x2c: {  	s7 =	sld [smem:$0x3FB1]  }
0x2d: {  	s3 =	simm.s32 $0x108;
	s8 =	sld [smem:$0x3FB2]  }
0x2e: {  	s3 =	simm.s32 @!p0 $0x1082;
	s9 =	sld [smem:$0x3FB3]  }
0x2f: {  	lr =	sadd.s32 s0, s3;
	s0 =	sld [smem:$0x3FAA]  }
0x30: {  	s3 =	sld [smem:$0x3FAD]  }
0x31: {  	[smem:$0x3FB6] =	sst s10  }
0x32: {  	s10 =	sld [smem:$0x3FB4];
	_ =	sdelay $0x3  }
0x33: {  	p0 =	seq.s32 s10, $0x1;
	s10 =	sld [smem:$0x3FB6];
	_ =	sdelay $0x3  }
0x34: {  	[smem:$0x3FB6] =	sst s10  }
0x35: {  	s10 =	sld [smem:$0x3FB5];
	_ =	sdelay $0x3  }
0x36: {  	p1 =	seq.s32 s10, $0x1;
	s10 =	sld [smem:$0x3FB6];
	_ =	sdelay $0x3  }
0x37: {  	[smem:$0x3FB6] =	sst s10  }
0x38: {  	s10 =	sld [smem:$0x3FB7]  }
0x39: {  	_ = 	snop;
	(pc) =	sbr.ind lr, $3  }
0x3a: {  	_ = 	snop  }
0x3b: {  	_ = 	snop  }
0x3c: {  	p2 =	seq.s32 s10, $0x1;
	s10 =	sld [smem:$0x3FB6]  }
0x3d: {  	_ =	shalt  }
0x3e: {  	_ =	shalt  }
0x3f: {  	_ =	shalt  }
0x40: {  	_ =	shalt  }
0x41: {  	_ =	shalt  }
0x42: {  	_ =	shalt  }
0x43: {  	_ =	shalt  }
0x44: {  	_ =	shalt  }
0x45: {  	_ =	shalt  }
0x46: {  	_ =	shalt  }
0x47: {  	_ =	shalt  }
0x48: {  	_ =	shalt  }
0x49: {  	_ =	shalt  }
0x4a: {  	_ =	shalt  }
0x4b: {  	_ =	shalt  }
0x4c: {  	_ =	shalt  }
0x4d: {  	_ =	shalt  }
0x4e: {  	_ =	shalt  }
0x4f: {  	_ =	shalt  }
0x50: {  	_ =	shalt  }
0x51: {  	_ =	shalt  }
0x52: {  	_ =	shalt  }
0x53: {  	_ =	shalt  }
0x54: {  	_ =	shalt  }
0x55: {  	_ =	shalt  }
0x56: {  	_ =	shalt  }
0x57: {  	_ =	shalt  }
0x58: {  	_ =	shalt  }
0x59: {  	_ =	shalt  }
0x5a: {  	_ =	shalt  }
0x5b: {  	_ =	shalt  }
0x5c: {  	_ =	shalt  }
0x5d: {  	_ =	shalt  }
0x5e: {  	_ =	shalt  }
0x5f: {  	_ =	shalt  }
0x60: {  	_ =	shalt  }
0x61: {  	_ =	shalt  }
0x62: {  	_ =	shalt  }
0x63: {  	_ =	shalt  }
0x64: {  	_ =	shalt  }
0x65: {  	_ =	shalt  }
0x66: {  	_ =	shalt  }
0x67: {  	_ =	shalt  }
0x68: {  	_ =	shalt  }
0x69: {  	_ =	shalt  }
0x6a: {  	_ =	shalt  }
0x6b: {  	_ =	shalt  }
0x6c: {  	_ =	shalt  }
0x6d: {  	_ =	shalt  }
0x6e: {  	_ =	shalt  }
0x6f: {  	_ =	shalt  }
0x70: {  	_ =	shalt  }
0x71: {  	_ =	shalt  }
0x72: {  	_ =	shalt  }
0x73: {  	_ =	shalt  }
0x74: {  	_ =	shalt  }
0x75: {  	_ =	shalt  }
0x76: {  	_ =	shalt  }
0x77: {  	_ =	shalt  }
0x78: {  	_ =	shalt  }
0x79: {  	_ =	shalt  }
0x7a: {  	_ =	shalt  }
0x7b: {  	_ =	shalt  }
0x7c: {  	_ =	shalt  }
0x7d: {  	_ =	shalt  }
0x7e: {  	_ =	shalt  }
0x7f: {  	_ =	shalt  }
0x80: {  	_ =	shalt  }
0x81: {  	_ =	shalt  }
0x82: {  	_ =	shalt  }
0x83: {  	_ =	shalt  }
0x84: {  	_ =	shalt  }
0x85: {  	_ =	shalt  }
0x86: {  	_ =	shalt  }
0x87: {  	_ =	shalt  }
.Lfunc_end0:
.L_simem_size_0:
called_computation.2_lowered:
.L_overlay_start_0:
0x88: {  	s2 =	sld [smem:$0x3FD9]  }
0x89: {  	s3 =	sld [smem:$0x3FFE];
	_ =	sdelay $0x1  }
0x8a: {  	s1 =	srdreg.scid  }
0x8b: {  	s0 =	sand.u32 $0x1, s1  }
0x8c: {  	s17 =	sshll.u32 s0, $0xA;
	s2 =	sadd.s32 s3, s2  }
0x8d: {  	s2 =	sadd.s32 s2, s17  }
0x8e: {  	[smem:$0x3FC2] =	sst s2  }
0x8f: {  	_ = 	snop  }
0x90: {  	s2 =	sld [smem:$0x3FD0];
	(tm) =	ssettm $0x1  }
0x91: {  	s18 =	sld [smem:$0x3FFB];
	_ =	sdelay $0x3  }
0x92: {  	_ =	strace s18  }
0x93: {  	s3 =	sld [smem:$0x3FFC];
	_ =	sdelay $0x3  }
0x94: {  	_ =	strace s3  }
0x95: {  	s3 =	sld [smem:$0x3FFD];
	_ =	sdelay $0x3  }
0x96: {  	_ =	strace s3  }
0x97: {  	_ =	strace $0x8FFFFFFF  }
0x98: {  	s19 =	sld [smem:$0x3FDB];
	_ =	sdelay $0x1  }
0x99: {  	s4 =	simm.s32 $_scs_section_size  }
0x9a: {  	s5 =	simm.s32 $_size__tile_overlayer_lowered;
	s6 =	simm.s32 $_tile_overlayer_lowered  }
0x9b: {  	s22 =	simm.s32 $0x1BFF;
	s21 =	sshll.u32 s6, $0x1;
	s3 =	sadd.s32 s4, s19  }
0x9c: {  	s7 =	simm.s32 $0x0;
	s20 =	sshll.u32 s5, $0x1;
	s5 =	sadd.s32 s21, s3  }
0x9d: {  	[timem:s7], [sflag:s22] =	dma.local [hbm:s5], s20  }
0x9e: {  	_ =	swait.ge [sflag:s22], s20  }
0x9f: {  	s4 =	ssub.s32 $0x0, s20;
	[sflag:s22] =	ssyncset.done $0x0  }
0xa0: {  	[sflag:s22] =	ssyncadd.s32 s4;
	_ =	sdelay $0x1  }
0xa1: {  	s23 =	simm.s32 $0x1B8B  }
0xa2: {  	_ =	swait.ge [sflag:s23], $0x1  }
0xa3: {  	[sflag:s23] =	ssyncset.done $0x0  }
0xa4: {  	s25 =	simm.s32 $0x1B8E;
	s24 =	sld [smem:$0x3FFE];
	[sflag:s23] =	ssyncadd.s32 $0xFFFFFFFF  }
0xa5: {  	s26 =	simm.s32 $execute0_lowered;
	[smem:$0x3FD2] =	sst s25  }
0xa6: {  	s5 =	sshll.u32 s26, $0x1;
	_ =	strace $0x8000004C;
	[dreg:$0x1] =	wrdreg $0xFFFFFFFF  }
0xa7: {  	s28 =	simm.s32 $_size_execute0_lowered;
	s3 =	sadd.s32 s3, s5;
	[dreg:$0x0] =	wrdreg $0x0  }
0xa8: {  	s5 =	sshll.u32 s28, $0x1;
	[dreg:$0x2] =	wrdreg s3  }
0xa9: {  	[dreg:$0x3] =	wrdreg s5  }
0xaa: {  	[dreg:$0x4] =	wrdreg $0xC0  }
0xab: {  	_ =	task [dreg:s7], $0x5FFFF  }
0xac: {  	[dreg:$0x1] =	wrdreg $0xFFFFFFFF  }
0xad: {  	[dreg:$0x0] =	wrdreg $0x60  }
0xae: {  	[dreg:$0x2] =	wrdreg s2  }
0xaf: {  	[dreg:$0x3] =	wrdreg s24  }
0xb0: {  	[dreg:$0x4] =	wrdreg $0x0  }
0xb1: {  	[dreg:$0x5] =	wrdreg $0x9  }
0xb2: {  	_ =	task.clear_ibuf [dreg:s7], $0x6FFFF;
	_ =	strace $0x9000004C  }
0xb3: {  	s29 =	simm.s32 $0x9;
	_ =	strace $0x8000004E  }
0xb4: {  	_ =	swait.ge [sflag:s29], $0x1  }
0xb5: {  	[sflag:s29] =	ssyncadd.s32 $0xFFFFFFFF  }
0xb6: {  	_ =	strace $0x9000004E  }
0xb7: {  	_ =	sfence  }
0xb8: {  	s30 =	sld [smem:$0x0];
	_ =	sdelay $0x2  }
0xb9: {  	s31 =	sshll.u32 s1, $0xD;
	s1 =	sshrl.u32 s1, $0x2  }
0xba: {  	s3 =	sand.u32 $0x4000, s31;
	s1 =	sadd.s32 s1, s30  }
0xbb: {  	s0 =	sor.u32 s3, s0;
	s1 =	sshll.u32 s1, $0x11  }
0xbc: {  	s0 =	sor.u32 s1, s0  }
0xbd: {  	s0 =	sadd.s32 $0x8F2B, s0  }
0xbe: {  	[sflag:s0] =	ssyncadd.remote.s32 $0x1  }
0xbf: {  	_ =	sfence.sel $0xFFFF  }
0xc0: {  	[dreg:$0x0] =	wrdreg $0xFFFFFFFF;
	(pc) =	sbr.abs _section_cstart, $3  }
0xc1: {  	[dreg:$0x1] =	wrdreg $0xFFFFFFFF  }
0xc2: {  	_ =	task.clear_ibuf [dreg:s7], $0x2FFFF;
	_ =	strace $0x9FFFFFFF  }
0xc3: {  	(tm) =	ssettm $0x7FFFFFFF  }
tec
execute0_lowered:
.L_overlay_start_1:
0x0: {  	(tag) =	ssettag $0x1  }
0x1: {  	s1 =	rddreg [dreg:$0x0]  }
0x2: {  	s8 =	rddreg [dreg:$0x1]  }
0x3: {  	s2 =	rddreg [dreg:$0x2]  }
0x4: {  	s0 =	rddreg [dreg:$0x3];
	s3 =	simm.s32 $0x0;
	s6 =	srdreg.scid  }
0x5: {  	s4 =	stileid.u32;
	s19 =	simm.s32 $0x3;
	s20 =	simm.s32 $0x14000  }
0x6: {  	s21 =	simm.s32 $0x80;
	s22 =	simm.s32 $0x16800;
	s23 =	simm.s32 $0x1  }
0x7: {  	s24 =	simm.s32 $0x2;
	[smem:$0x7FF] =	sst s3;
	s5 =	sadd.s32 $0x8800, s8  }
0x8: {  	s12 =	sadd.s32 $0x58800, s8;
	s13 =	sadd.s32 $0x3800, s8;
	s10 =	smul.u32 $0x50000, s4  }
0x9: {  	s9 =	sand.u32 $0x1, s6;
	s6 =	sadd.s32 $0x5D800, s8;
	s7 =	smul.u32 $0x2800, s4  }
0xa: {  	s8 =	sadd.s32 $0x85800, s8;
	s15 =	smul.u32 $0x500, s4;
	s11 =	ssub.s32 $0x2, s9  }
0xb: {  	_ =	strace $0x8000004D;
	p0 =	seq.s32 s9, $0x1;
	s14 =	sshrl.u32 s11, $0x1  }
.Ltmp0:
0xc: {  	s30 =	sshrl.u32 s10, $0x2;
	s9 =	sadd.s32 s1, s7;
	(pc) =	sbr.rel .LBB2_1-.Ltmp0, $4  }
0xd: {  	s31 =	sadd.s32 $0x280, s15;
	s10 =	sadd.s32 s12, s15;
	s16 =	ssub.s32 s11, s14  }
0xe: {  	s18 =	sadd.s32 s30, s2;
	s11 =	sadd.s32 s13, s15;
	s12 =	sadd.s32 s12, s31  }
0xf: {  	s13 =	sadd.s32 s13, s31;
	s14 =	sadd.s32 s5, s7;
	s15 =	sshll.u32 s4, $0x6  }
0x10: {  	s16 =	smax.u32 s16, $0x1;
	s17 =	sor.u32 $0x1C03, s15;
	s18 =	sshrl.u32 s18, $0x3  }
.LBB2_14:
0x11: {  	s26 =	smov.u32 s8;
	s25 =	smov.u32 s17  }
.LBB2_15:
0x12: {  	_ =	swait.ge [sflag:s24], $0x4000  }
0x13: {  	s3 =	sadd.s32 $0x1, s3;
	[sflag:s24] =	ssyncset.done $0x0  }
0x14: {  	p1 =	sne.s32 s3, s16;
	[sflag:s24] =	ssyncadd.s32 $0xFFFFC000  }
.Ltmp1:
0x15: {  	s26 =	sadd.s32 s26, s7;
	[bflag:$0x0] =	sbarrier.arrive $0xFFFF;
	(pc) =	sbr.rel @!p1 .LBB2_16-.Ltmp1, $4  }
0x16: {  	[hbm:s26], [sflag:s25] =	dma.local [spmem:s18], $0x2800  }
0x17: {  	_ =	swait.ge [sflag:s19], $0x2800  }
0x18: {  	[sflag:s19] =	ssyncset.done $0x0  }
0x19: {  	[sflag:s19] =	ssyncadd.s32 $0xFFFFD800  }
.LBB2_1:
.Ltmp2:
0x1a: {  	(pc) =	sbr.rel @!p0 .LBB2_2-.Ltmp2, $1  }
0x1b: {  	_ =	sdelay $0x3  }
0x1c: {  	[spmem:s18], [sflag:s17] =	dma.local [hbm:s14], $0x2800  }
0x1d: {  	_ =	swait.ge [sflag:s19], $0x2800  }
0x1e: {  	[sflag:s19] =	ssyncset.done $0x0  }
0x1f: {  	[sflag:s19] =	ssyncadd.s32 $0xFFFFD800  }
0x20: {  	s25 =	simm.s32 $0x0;
	[bflag:$0x0] =	sbarrier.arrive $0xFFFF  }
0x21: {  	[tilespmem:s20], [sflag:$0x3] =	stream.linear.gather [hbm4b:s10+s25], $0x1400, $0x38;
	[tilespmem:$0x1E800] =	vst v63  }
0x22: {  	_ =	swait.ge [sflag:s19], $0x1400  }
0x23: {  	[sflag:s19] =	ssyncset.done $0x0  }
0x24: {  	s26 =	simm.s32 $0x15400;
	[sflag:s19] =	ssyncadd.s32 $0xFFFFEC00  }
0x25: {  	[tilespmem:s26], [sflag:$0x3] =	stream.linear.gather [hbm4b:s11+s25], $0x1400, $0x38;
	[tilespmem:$0x1E800] =	vst v63  }
0x26: {  	_ =	swait.ge [sflag:s19], $0x1400  }
0x27: {  	[sflag:s19] =	ssyncset.done $0x0  }
0x28: {  	s28 =	simm.s32 $0x14080;
	[sflag:s19] =	ssyncadd.s32 $0xFFFFEC00  }
0x29: {  	[tilespmem:s22], [sflag:$0x1] =	stream.indirect.gather [hbm4b:s5+s21], $0x80, s20, s21, $0xb8;
	[tilespmem:$0x1E800] =	vst v63  }
.LBB2_10:
0x2a: {  	s29 =	sand.u32 $0x1, s25;
	_ =	swait.ge [sflag:s23], $0x4000;
	p1 =	seq.s32 s25, $0x0  }
0x2b: {  	s29 =	sshll.u32 s29, $0xE;
	[sflag:s23] =	ssyncset.done $0x0;
	p2 =	seq.s32 @!p1 s25, $0x27  }
0x2c: {  	s30 =	sadd.s32 $0x16800, s29;
	[sflag:s23] =	ssyncadd.s32 $0xFFFFC000;
	p2 =	por p1, !p2  }
0x2d: {  	[spmem:s2] =	stream.indirect.scatter.add.f32 [tilespmem:s30], [sflag:$0x2], $0x80, s26, s21, $0xb8;
	[tilespmem:$0x1E800] =	vst v63  }
.Ltmp3:
0x2e: {  	_ = 	snop;
	(pc) =	sbr.rel @!p2 .LBB2_12-.Ltmp3, $4  }
0x2f: {  	s30 =	simm.s32 @!p1 $0x2  }
0x30: {  	_ =	swait.ge @!p1 [sflag:s30], $0x4000  }
0x31: {  	[sflag:s30] =	ssyncset.done @!p1 $0x0  }
0x32: {  	[sflag:s30] =	ssyncadd.s32 @!p1 $0xFFFFC000  }
.Ltmp4:
0x33: {  	(pc) =	sbr.rel .LBB2_10-.Ltmp4, $4  }
0x34: {  	_ = 	snop  }
0x35: {  	s29 =	ssub.s32 $0x1A800, s29  }
0x36: {  	[tilespmem:s29], [sflag:$0x1] =	stream.indirect.gather [hbm4b:s5+s21], $0x80, s28, s21, $0xb8;
	[tilespmem:$0x1E800] =	vst v63  }
0x37: {  	s25 =	sadd.s32 $0x1, s25;
	s26 =	sadd.s32 $0x80, s26;
	s28 =	sadd.s32 $0x80, s28  }
.LBB2_2:
0x38: {  	s25 =	sor.u32 $0x1C03, s15  }
0x39: {  	[spmem:s18], [sflag:s25] =	dma.local [hbm:s9], $0x2800  }
0x3a: {  	_ =	swait.ge [sflag:s19], $0x2800  }
0x3b: {  	[sflag:s19] =	ssyncset.done $0x0  }
0x3c: {  	[sflag:s19] =	ssyncadd.s32 $0xFFFFD800  }
0x3d: {  	s26 =	simm.s32 $0x0;
	[bflag:$0x0] =	sbarrier.arrive $0xFFFF  }
0x3e: {  	[tilespmem:s20], [sflag:$0x3] =	stream.linear.gather [hbm4b:s10+s26], $0x1400, $0x38;
	[tilespmem:$0x1E800] =	vst v63  }
0x3f: {  	_ =	swait.ge [sflag:s19], $0x1400  }
0x40: {  	[sflag:s19] =	ssyncset.done $0x0  }
0x41: {  	s28 =	simm.s32 $0x15400;
	[sflag:s19] =	ssyncadd.s32 $0xFFFFEC00  }
0x42: {  	[tilespmem:s28], [sflag:$0x3] =	stream.linear.gather [hbm4b:s11+s26], $0x1400, $0x38;
	[tilespmem:$0x1E800] =	vst v63  }
0x43: {  	_ =	swait.ge [sflag:s19], $0x1400  }
0x44: {  	[sflag:s19] =	ssyncset.done $0x0  }
0x45: {  	s29 =	simm.s32 $0x14080;
	[sflag:s19] =	ssyncadd.s32 $0xFFFFEC00  }
0x46: {  	[tilespmem:s22], [sflag:$0x1] =	stream.indirect.gather [hbm4b:s1+s21], $0x80, s20, s21, $0xb8;
	[tilespmem:$0x1E800] =	vst v63  }
.LBB2_3:
0x47: {  	s30 =	sand.u32 $0x1, s26;
	_ =	swait.ge [sflag:s23], $0x4000;
	p1 =	seq.s32 s26, $0x0  }
0x48: {  	s30 =	sshll.u32 s30, $0xE;
	[sflag:s23] =	ssyncset.done $0x0;
	p2 =	seq.s32 @!p1 s26, $0x27  }
0x49: {  	s31 =	sadd.s32 $0x16800, s30;
	[sflag:s23] =	ssyncadd.s32 $0xFFFFC000;
	p2 =	por p1, !p2  }
0x4a: {  	[spmem:s2] =	stream.indirect.scatter.add.f32 [tilespmem:s31], [sflag:$0x2], $0x80, s28, s21, $0xb8;
	[tilespmem:$0x1E800] =	vst v63  }
.Ltmp5:
0x4b: {  	_ = 	snop;
	(pc) =	sbr.rel @!p2 .LBB2_5-.Ltmp5, $4  }
0x4c: {  	s31 =	simm.s32 @!p1 $0x2  }
0x4d: {  	_ =	swait.ge @!p1 [sflag:s31], $0x4000  }
0x4e: {  	[sflag:s31] =	ssyncset.done @!p1 $0x0  }
0x4f: {  	[sflag:s31] =	ssyncadd.s32 @!p1 $0xFFFFC000  }
.Ltmp6:
0x50: {  	(pc) =	sbr.rel .LBB2_3-.Ltmp6, $4  }
0x51: {  	_ = 	snop  }
0x52: {  	s30 =	ssub.s32 $0x1A800, s30  }
0x53: {  	[tilespmem:s30], [sflag:$0x1] =	stream.indirect.gather [hbm4b:s1+s21], $0x80, s29, s21, $0xb8;
	[tilespmem:$0x1E800] =	vst v63  }
0x54: {  	s26 =	sadd.s32 $0x1, s26;
	s28 =	sadd.s32 $0x80, s28;
	s29 =	sadd.s32 $0x80, s29  }
.LBB2_12:
0x55: {  	_ =	swait.ge [sflag:s24], $0x4000  }
0x56: {  	[sflag:s24] =	ssyncset.done $0x0  }
0x57: {  	s25 =	simm.s32 $0x0;
	[sflag:s24] =	ssyncadd.s32 $0xFFFFC000  }
0x58: {  	[tilespmem:s20], [sflag:$0x3] =	stream.linear.gather [hbm4b:s12+s25], $0x1400, $0x38;
	[tilespmem:$0x1E800] =	vst v63  }
0x59: {  	_ =	swait.ge [sflag:s19], $0x1400  }
0x5a: {  	[sflag:s19] =	ssyncset.done $0x0  }
0x5b: {  	s26 =	simm.s32 $0x15400;
	[sflag:s19] =	ssyncadd.s32 $0xFFFFEC00  }
0x5c: {  	[tilespmem:s26], [sflag:$0x3] =	stream.linear.gather [hbm4b:s13+s25], $0x1400, $0x38;
	[tilespmem:$0x1E800] =	vst v63  }
0x5d: {  	_ =	swait.ge [sflag:s19], $0x1400  }
0x5e: {  	[sflag:s19] =	ssyncset.done $0x0  }
0x5f: {  	s28 =	simm.s32 $0x14080;
	[sflag:s19] =	ssyncadd.s32 $0xFFFFEC00  }
0x60: {  	[tilespmem:s22], [sflag:$0x1] =	stream.indirect.gather [hbm4b:s5+s21], $0x80, s20, s21, $0xb8;
	[tilespmem:$0x1E800] =	vst v63  }
.LBB2_13:
0x61: {  	s29 =	sand.u32 $0x1, s25;
	_ =	swait.ge [sflag:s23], $0x4000;
	p1 =	seq.s32 s25, $0x0  }
0x62: {  	s29 =	sshll.u32 s29, $0xE;
	[sflag:s23] =	ssyncset.done $0x0;
	p2 =	seq.s32 @!p1 s25, $0x27  }
0x63: {  	s30 =	sadd.s32 $0x16800, s29;
	[sflag:s23] =	ssyncadd.s32 $0xFFFFC000;
	p2 =	por p1, !p2  }
0x64: {  	[spmem:s2] =	stream.indirect.scatter.add.f32 [tilespmem:s30], [sflag:$0x2], $0x80, s26, s21, $0xb8;
	[tilespmem:$0x1E800] =	vst v63  }
.Ltmp7:
0x65: {  	_ = 	snop;
	(pc) =	sbr.rel @!p2 .LBB2_14-.Ltmp7, $4  }
0x66: {  	s30 =	simm.s32 @!p1 $0x2  }
0x67: {  	_ =	swait.ge @!p1 [sflag:s30], $0x4000  }
0x68: {  	[sflag:s30] =	ssyncset.done @!p1 $0x0  }
0x69: {  	[sflag:s30] =	ssyncadd.s32 @!p1 $0xFFFFC000  }
.Ltmp8:
0x6a: {  	(pc) =	sbr.rel .LBB2_13-.Ltmp8, $4  }
0x6b: {  	_ = 	snop  }
0x6c: {  	s29 =	ssub.s32 $0x1A800, s29  }
0x6d: {  	[tilespmem:s29], [sflag:$0x1] =	stream.indirect.gather [hbm4b:s5+s21], $0x80, s28, s21, $0xb8;
	[tilespmem:$0x1E800] =	vst v63  }
0x6e: {  	s25 =	sadd.s32 $0x1, s25;
	s26 =	sadd.s32 $0x80, s26;
	s28 =	sadd.s32 $0x80, s28  }
.LBB2_5:
0x6f: {  	_ =	swait.ge [sflag:s24], $0x4000  }
0x70: {  	[sflag:s24] =	ssyncset.done $0x0  }
0x71: {  	s26 =	simm.s32 $0x0;
	[sflag:s24] =	ssyncadd.s32 $0xFFFFC000  }
0x72: {  	[tilespmem:s20], [sflag:$0x3] =	stream.linear.gather [hbm4b:s12+s26], $0x1400, $0x38;
	[tilespmem:$0x1E800] =	vst v63  }
0x73: {  	_ =	swait.ge [sflag:s19], $0x1400  }
0x74: {  	[sflag:s19] =	ssyncset.done $0x0  }
0x75: {  	s28 =	simm.s32 $0x15400;
	[sflag:s19] =	ssyncadd.s32 $0xFFFFEC00  }
0x76: {  	[tilespmem:s28], [sflag:$0x3] =	stream.linear.gather [hbm4b:s13+s26], $0x1400, $0x38;
	[tilespmem:$0x1E800] =	vst v63  }
0x77: {  	_ =	swait.ge [sflag:s19], $0x1400  }
0x78: {  	[sflag:s19] =	ssyncset.done $0x0  }
0x79: {  	s29 =	simm.s32 $0x14080;
	[sflag:s19] =	ssyncadd.s32 $0xFFFFEC00  }
0x7a: {  	[tilespmem:s22], [sflag:$0x1] =	stream.indirect.gather [hbm4b:s1+s21], $0x80, s20, s21, $0xb8;
	[tilespmem:$0x1E800] =	vst v63  }
.LBB2_6:
0x7b: {  	s30 =	sand.u32 $0x1, s26;
	_ =	swait.ge [sflag:s23], $0x4000;
	p1 =	seq.s32 s26, $0x0  }
0x7c: {  	s30 =	sshll.u32 s30, $0xE;
	[sflag:s23] =	ssyncset.done $0x0;
	p2 =	seq.s32 @!p1 s26, $0x27  }
0x7d: {  	s31 =	sadd.s32 $0x16800, s30;
	[sflag:s23] =	ssyncadd.s32 $0xFFFFC000;
	p2 =	por p1, !p2  }
0x7e: {  	[spmem:s2] =	stream.indirect.scatter.add.f32 [tilespmem:s31], [sflag:$0x2], $0x80, s28, s21, $0xb8;
	[tilespmem:$0x1E800] =	vst v63  }
.Ltmp9:
0x7f: {  	_ = 	snop;
	(pc) =	sbr.rel @!p2 .LBB2_7-.Ltmp9, $4  }
0x80: {  	s31 =	simm.s32 @!p1 $0x2  }
0x81: {  	_ =	swait.ge @!p1 [sflag:s31], $0x4000  }
0x82: {  	[sflag:s31] =	ssyncset.done @!p1 $0x0  }
0x83: {  	[sflag:s31] =	ssyncadd.s32 @!p1 $0xFFFFC000  }
.Ltmp10:
0x84: {  	(pc) =	sbr.rel .LBB2_6-.Ltmp10, $4  }
0x85: {  	_ = 	snop  }
0x86: {  	s30 =	ssub.s32 $0x1A800, s30  }
0x87: {  	[tilespmem:s30], [sflag:$0x1] =	stream.indirect.gather [hbm4b:s1+s21], $0x80, s29, s21, $0xb8;
	[tilespmem:$0x1E800] =	vst v63  }
0x88: {  	s26 =	sadd.s32 $0x1, s26;
	s28 =	sadd.s32 $0x80, s28;
	s29 =	sadd.s32 $0x80, s29  }
.LBB2_7:
.Ltmp11:
0x89: {  	(pc) =	sbr.rel .LBB2_15-.Ltmp11, $2  }
0x8a: {  	_ =	sdelay $0x2  }
0x8b: {  	s26 =	smov.u32 s6  }
.LBB2_16:
0x8c: {  	_ =	sfence.sel $0x180000  }
0x8d: {  	[bflag:$0x0] =	sbarrier.arrive $0xFFFF  }
0x8e: {  	p0 =	sne.s32 s4, $0x0;
	_ =	strace $0x9000004D  }
0x8f: {  	s0 =	sadd.s32 @!p0 $0x100000, s0;
	[bflag:$0x2] =	sbarrier.arrive $0xFFFF  }
0x90: {  	[sflag:s0] =	ssyncadd.tile.s32 @!p0 $0x1;
	_ =	shalt  }
.Lfunc_end2:
_tile_overlayer_lowered:
.L_overlay_start_2:
0x91: {  	(tag) =	ssettag $0x2  }
0x92: {  	s0 =	rddreg [dreg:$0x0];
	s2 =	stileid.u32  }
0x93: {  	s1 =	rddreg [dreg:$0x1];
	p0 =	sne.s32 s2, $0x0  }
0x94: {  	s3 =	rddreg [dreg:$0x2];
	[bflag:$0x3] =	sbarrier.arrive $0xFFFF;
	s2 =	simm.s32 @!p0 $0x1C03  }
0x95: {  	[timem:s3], [sflag:s2] =	dma.local @!p0 [hbm:s0], s1  }
0x96: {  	s0 =	simm.s32 @!p0 $0x3  }
0x97: {  	_ =	swait.ge @!p0 [sflag:s0], s1  }
0x98: {  	s1 =	ssub.s32 @!p0 $0x0, s1;
	[sflag:s0] =	ssyncset.done @!p0 $0x0  }
0x99: {  	[sflag:s0] =	ssyncadd.s32 @!p0 s1  }
0x9a: {  	[bflag:$0x3] =	sbarrier.arrive $0xFFFF  }
0x9b: {  	_ =	shalt  }

// kernel: kernel.9.cloned.1.call-start
scs
__scs_entry_jumppad:
0x0: {  	(pc) =	sbr.rel $0x88, $3  }
0x1: {  	(tag) =	ssettag $0x0;
	lr =	simm.s32 $0x1  }
0x2: {  	[smem:$0x3F9B] =	sst lr;
	_ =	strace $0xD0000000  }
0x3: {  	_ = 	snop  }
0x4: {  	_ = 	snop  }
0x5: {  	_ = 	snop  }
0x6: {  	_ = 	snop  }
0x7: {  	_ = 	snop  }
__scs_overlays_trampoline_lowered:
0x8: {  	[smem:$0x3FAA] =	sst s0  }
0x9: {  	[smem:$0x3FAB] =	sst s1  }
0xa: {  	[smem:$0x3FAC] =	sst s2  }
0xb: {  	[smem:$0x3FAD] =	sst s3  }
0xc: {  	[smem:$0x3FAE] =	sst s4  }
0xd: {  	[smem:$0x3FAF] =	sst s5  }
0xe: {  	[smem:$0x3FB0] =	sst s6  }
0xf: {  	[smem:$0x3FB1] =	sst s7  }
0x10: {  	[smem:$0x3FB2] =	sst s8  }
0x11: {  	[smem:$0x3FB3] =	sst s9;
	s0 =	simm.s32 @!p0 $0x0  }
0x12: {  	s1 =	sld [smem:$0x3F99];
	s0 =	simm.s32 @p0 $0x1  }
0x13: {  	[smem:$0x3FB4] =	sst s0;
	s0 =	simm.s32 @!p1 $0x0  }
0x14: {  	s2 =	sld [smem:$0x3F98];
	s0 =	simm.s32 @p1 $0x1  }
0x15: {  	[smem:$0x3FB5] =	sst s0;
	s0 =	simm.s32 @!p2 $0x0  }
0x16: {  	s3 =	sld [smem:$0x3FDB];
	s0 =	simm.s32 @p2 $0x1  }
0x17: {  	s4 =	simm.s32 $0x1BF5;
	[smem:$0x3FB7] =	sst s0  }
0x18: {  	s0 =	sld [smem:$0x3F9A];
	_ =	swait.ge [sflag:s4], $0x0  }
0x19: {  	s7 =	sld [smem:$0x3F9B]  }
0x1a: {  	s8 =	sadd.s32 $0xFFFFE003, lr  }
0x1b: {  	s9 =	sadd.s32 $0xFFFFFEF7, lr;
	s5 =	simm.s32 $0xFFFFFFFF;
	p2 =	slt.u32 s8, $0xFFFFF086  }
0x1c: {  	p1 =	slt.u32 s9, $0xF7A;
	s5 =	simm.s32 @!p2 $0x0  }
0x1d: {  	s5 =	simm.s32 @p1 $0x1;
	p0 =	seq.s32 s7, s2  }
0x1e: {  	s7 =	smul.u32 @!p0 $0xF7A, s2;
	p2 =	seq.s32 @!p0 s5, $0x0  }
0x1f: {  	s9 =	smul.u32 $0xF7A, s1;
	s8 =	simm.s32 @!p0 $0x1BF5;
	p2 =	por !p2, p0  }
0x20: {  	[sflag:s8] =	ssyncset.s32 @!p0 $0xFFFFF086;
	s6 =	sadd.s32 @!p0 s3, s7;
	s7 =	simm.s32 @!p0 $0x108  }
0x21: {  	s3 =	sadd.s32 s3, s9;
	s6 =	sadd.s32 @!p0 $0x88, s6;
	s7 =	simm.s32 @p2 $0x1082  }
0x22: {  	[simem:s7], [sflag:s8] =	dma.local @!p0 [hbm:s6], $0xF7A  }
0x23: {  	s9 =	sor.u32 $0xD0000000, s2;
	s6 =	simm.s32 $0x108;
	_ =	swait.ge @!p0 [sflag:s8], $0x0  }
0x24: {  	s3 =	sadd.s32 $0x88, s3;
	s6 =	simm.s32 @!p1 $0x1082;
	[sflag:s4] =	ssyncset.s32 $0xFFFFF086  }
0x25: {  	[simem:s6], [sflag:s4] =	dma.local [hbm:s3], $0xF7A  }
0x26: {  	[smem:$0x3F9B] =	sst s1;
	(tag) =	ssettag s2;
	_ =	strace s9  }
0x27: {  	s1 =	sld [smem:$0x3FAB]  }
0x28: {  	s2 =	sld [smem:$0x3FAC]  }
0x29: {  	s4 =	sld [smem:$0x3FAE]  }
0x2a: {  	p0 =	seq.s32 s5, $0x0;
	s5 =	sld [smem:$0x3FAF]  }
0x2b: {  	s6 =	sld [smem:$0x3FB0]  }
0x2c: {  	s7 =	sld [smem:$0x3FB1]  }
0x2d: {  	s3 =	simm.s32 $0x108;
	s8 =	sld [smem:$0x3FB2]  }
0x2e: {  	s3 =	simm.s32 @!p0 $0x1082;
	s9 =	sld [smem:$0x3FB3]  }
0x2f: {  	lr =	sadd.s32 s0, s3;
	s0 =	sld [smem:$0x3FAA]  }
0x30: {  	s3 =	sld [smem:$0x3FAD]  }
0x31: {  	[smem:$0x3FB6] =	sst s10  }
0x32: {  	s10 =	sld [smem:$0x3FB4];
	_ =	sdelay $0x3  }
0x33: {  	p0 =	seq.s32 s10, $0x1;
	s10 =	sld [smem:$0x3FB6];
	_ =	sdelay $0x3  }
0x34: {  	[smem:$0x3FB6] =	sst s10  }
0x35: {  	s10 =	sld [smem:$0x3FB5];
	_ =	sdelay $0x3  }
0x36: {  	p1 =	seq.s32 s10, $0x1;
	s10 =	sld [smem:$0x3FB6];
	_ =	sdelay $0x3  }
0x37: {  	[smem:$0x3FB6] =	sst s10  }
0x38: {  	s10 =	sld [smem:$0x3FB7]  }
0x39: {  	_ = 	snop;
	(pc) =	sbr.ind lr, $3  }
0x3a: {  	_ = 	snop  }
0x3b: {  	_ = 	snop  }
0x3c: {  	p2 =	seq.s32 s10, $0x1;
	s10 =	sld [smem:$0x3FB6]  }
0x3d: {  	_ =	shalt  }
0x3e: {  	_ =	shalt  }
0x3f: {  	_ =	shalt  }
0x40: {  	_ =	shalt  }
0x41: {  	_ =	shalt  }
0x42: {  	_ =	shalt  }
0x43: {  	_ =	shalt  }
0x44: {  	_ =	shalt  }
0x45: {  	_ =	shalt  }
0x46: {  	_ =	shalt  }
0x47: {  	_ =	shalt  }
0x48: {  	_ =	shalt  }
0x49: {  	_ =	shalt  }
0x4a: {  	_ =	shalt  }
0x4b: {  	_ =	shalt  }
0x4c: {  	_ =	shalt  }
0x4d: {  	_ =	shalt  }
0x4e: {  	_ =	shalt  }
0x4f: {  	_ =	shalt  }
0x50: {  	_ =	shalt  }
0x51: {  	_ =	shalt  }
0x52: {  	_ =	shalt  }
0x53: {  	_ =	shalt  }
0x54: {  	_ =	shalt  }
0x55: {  	_ =	shalt  }
0x56: {  	_ =	shalt  }
0x57: {  	_ =	shalt  }
0x58: {  	_ =	shalt  }
0x59: {  	_ =	shalt  }
0x5a: {  	_ =	shalt  }
0x5b: {  	_ =	shalt  }
0x5c: {  	_ =	shalt  }
0x5d: {  	_ =	shalt  }
0x5e: {  	_ =	shalt  }
0x5f: {  	_ =	shalt  }
0x60: {  	_ =	shalt  }
0x61: {  	_ =	shalt  }
0x62: {  	_ =	shalt  }
0x63: {  	_ =	shalt  }
0x64: {  	_ =	shalt  }
0x65: {  	_ =	shalt  }
0x66: {  	_ =	shalt  }
0x67: {  	_ =	shalt  }
0x68: {  	_ =	shalt  }
0x69: {  	_ =	shalt  }
0x6a: {  	_ =	shalt  }
0x6b: {  	_ =	shalt  }
0x6c: {  	_ =	shalt  }
0x6d: {  	_ =	shalt  }
0x6e: {  	_ =	shalt  }
0x6f: {  	_ =	shalt  }
0x70: {  	_ =	shalt  }
0x71: {  	_ =	shalt  }
0x72: {  	_ =	shalt  }
0x73: {  	_ =	shalt  }
0x74: {  	_ =	shalt  }
0x75: {  	_ =	shalt  }
0x76: {  	_ =	shalt  }
0x77: {  	_ =	shalt  }
0x78: {  	_ =	shalt  }
0x79: {  	_ =	shalt  }
0x7a: {  	_ =	shalt  }
0x7b: {  	_ =	shalt  }
0x7c: {  	_ =	shalt  }
0x7d: {  	_ =	shalt  }
0x7e: {  	_ =	shalt  }
0x7f: {  	_ =	shalt  }
0x80: {  	_ =	shalt  }
0x81: {  	_ =	shalt  }
0x82: {  	_ =	shalt  }
0x83: {  	_ =	shalt  }
0x84: {  	_ =	shalt  }
0x85: {  	_ =	shalt  }
0x86: {  	_ =	shalt  }
0x87: {  	_ =	shalt  }
.Lfunc_end0:
.L_simem_size_0:
called_computation_lowered:
.L_overlay_start_0:
0x88: {  	s2 =	sld [smem:$0x3FD9]  }
0x89: {  	s3 =	sld [smem:$0x3FFE];
	_ =	sdelay $0x1  }
0x8a: {  	s1 =	srdreg.scid  }
0x8b: {  	s0 =	sand.u32 $0x1, s1  }
0x8c: {  	s17 =	sshll.u32 s0, $0xA;
	s2 =	sadd.s32 s3, s2  }
0x8d: {  	s2 =	sadd.s32 s2, s17  }
0x8e: {  	[smem:$0x3FC2] =	sst s2  }
0x8f: {  	_ = 	snop  }
0x90: {  	s2 =	sld [smem:$0x3FD0];
	(tm) =	ssettm $0x1  }
0x91: {  	s18 =	sld [smem:$0x3FFB];
	_ =	sdelay $0x3  }
0x92: {  	_ =	strace s18  }
0x93: {  	s3 =	sld [smem:$0x3FFC];
	_ =	sdelay $0x3  }
0x94: {  	_ =	strace s3  }
0x95: {  	s3 =	sld [smem:$0x3FFD];
	_ =	sdelay $0x3  }
0x96: {  	_ =	strace s3  }
0x97: {  	_ =	strace $0x8FFFFFFF  }
0x98: {  	s19 =	sld [smem:$0x3FDB];
	_ =	sdelay $0x1  }
0x99: {  	s4 =	simm.s32 $_scs_section_size  }
0x9a: {  	s5 =	simm.s32 $_size__tile_overlayer_lowered;
	s6 =	simm.s32 $_tile_overlayer_lowered  }
0x9b: {  	s22 =	simm.s32 $0x1BFF;
	s21 =	sshll.u32 s6, $0x1;
	s3 =	sadd.s32 s4, s19  }
0x9c: {  	s7 =	simm.s32 $0x0;
	s20 =	sshll.u32 s5, $0x1;
	s5 =	sadd.s32 s21, s3  }
0x9d: {  	[timem:s7], [sflag:s22] =	dma.local [hbm:s5], s20  }
0x9e: {  	_ =	swait.ge [sflag:s22], s20  }
0x9f: {  	s4 =	ssub.s32 $0x0, s20;
	[sflag:s22] =	ssyncset.done $0x0  }
0xa0: {  	[sflag:s22] =	ssyncadd.s32 s4;
	_ =	sdelay $0x1  }
0xa1: {  	s23 =	simm.s32 $0x1B8B  }
0xa2: {  	_ =	swait.ge [sflag:s23], $0x1  }
0xa3: {  	[sflag:s23] =	ssyncset.done $0x0  }
0xa4: {  	s25 =	simm.s32 $0x1B8E;
	s24 =	sld [smem:$0x3FFE];
	[sflag:s23] =	ssyncadd.s32 $0xFFFFFFFF  }
0xa5: {  	s26 =	simm.s32 $execute0_lowered;
	[smem:$0x3FD2] =	sst s25  }
0xa6: {  	s5 =	sshll.u32 s26, $0x1;
	_ =	strace $0x80000046;
	[dreg:$0x1] =	wrdreg $0xFFFFFFFF  }
0xa7: {  	s28 =	simm.s32 $_size_execute0_lowered;
	s3 =	sadd.s32 s3, s5;
	[dreg:$0x0] =	wrdreg $0x0  }
0xa8: {  	s5 =	sshll.u32 s28, $0x1;
	[dreg:$0x2] =	wrdreg s3  }
0xa9: {  	[dreg:$0x3] =	wrdreg s5  }
0xaa: {  	[dreg:$0x4] =	wrdreg $0xC0  }
0xab: {  	_ =	task [dreg:s7], $0x5FFFF  }
0xac: {  	[dreg:$0x1] =	wrdreg $0xFFFFFFFF  }
0xad: {  	[dreg:$0x0] =	wrdreg $0x60  }
0xae: {  	[dreg:$0x2] =	wrdreg s24  }
0xaf: {  	[dreg:$0x3] =	wrdreg s2  }
0xb0: {  	[dreg:$0x4] =	wrdreg $0x0  }
0xb1: {  	[dreg:$0x5] =	wrdreg $0x9  }
0xb2: {  	_ =	task.clear_ibuf [dreg:s7], $0x6FFFF;
	_ =	strace $0x90000046  }
0xb3: {  	s29 =	simm.s32 $0x9;
	_ =	strace $0x80000048  }
0xb4: {  	_ =	swait.ge [sflag:s29], $0x1  }
0xb5: {  	[sflag:s29] =	ssyncadd.s32 $0xFFFFFFFF  }
0xb6: {  	_ =	strace $0x90000048  }
0xb7: {  	_ =	sfence  }
0xb8: {  	s30 =	sld [smem:$0x0];
	_ =	sdelay $0x2  }
0xb9: {  	s31 =	sshll.u32 s1, $0xD;
	s1 =	sshrl.u32 s1, $0x2  }
0xba: {  	s3 =	sand.u32 $0x4000, s31;
	s1 =	sadd.s32 s1, s30  }
0xbb: {  	s0 =	sor.u32 s3, s0;
	s1 =	sshll.u32 s1, $0x11  }
0xbc: {  	s0 =	sor.u32 s1, s0  }
0xbd: {  	s0 =	sadd.s32 $0x8F2B, s0  }
0xbe: {  	[sflag:s0] =	ssyncadd.remote.s32 $0x1  }
0xbf: {  	_ =	sfence.sel $0xFFFF  }
0xc0: {  	[dreg:$0x0] =	wrdreg $0xFFFFFFFF;
	(pc) =	sbr.abs _section_cstart, $3  }
0xc1: {  	[dreg:$0x1] =	wrdreg $0xFFFFFFFF  }
0xc2: {  	_ =	task.clear_ibuf [dreg:s7], $0x2FFFF;
	_ =	strace $0x9FFFFFFF  }
0xc3: {  	(tm) =	ssettm $0x7FFFFFFF  }
tec
execute0_lowered:
.L_overlay_start_1:
0x0: {  	(tag) =	ssettag $0x1  }
0x1: {  	s4 =	rddreg [dreg:$0x0]  }
0x2: {  	s6 =	rddreg [dreg:$0x1];
	s0 =	srdreg.scid  }
0x3: {  	s2 =	rddreg [dreg:$0x2];
	s1 =	stileid.u32;
	s3 =	simm.s32 $0x0  }
0x4: {  	s11 =	simm.s32 $0x80;
	s12 =	simm.s32 $0x1900;
	s15 =	simm.s32 $0x10  }
0x5: {  	s5 =	sand.u32 $0x1, s0;
	s0 =	rddreg [dreg:$0x3];
	s8 =	smul.u32 $0x280, s1  }
0x6: {  	[smem:$0x7FF] =	sst s3;
	s9 =	sshrl.u32 s1, $0x3;
	s28 =	smul.u32 $0xA00, s1  }
0x7: {  	s10 =	sshll.u32 s1, $0x7;
	s13 =	sshll.u32 s1, $0x6;
	s7 =	smul.u32 $0x2800, s5  }
0x8: {  	_ =	strace $0x80000047;
	s9 =	smul.u32 $0x1400, s9;
	s5 =	ssub.s32 $0x2, s5  }
0x9: {  	s29 =	sand.u32 $0x380, s10;
	s10 =	simm.s32 $0x500;
	s13 =	sor.u32 $0x1C01, s13  }
0xa: {  	s30 =	sshrl.u32 s5, $0x1;
	s8 =	sadd.s32 s8, s7;
	s7 =	sadd.s32 s7, s9  }
0xb: {  	s31 =	ssub.s32 s5, s30;
	s8 =	sadd.s32 s8, s4;
	s4 =	sshrl.u32 s28, $0x2  }
0xc: {  	s9 =	simm.s32 $0x1;
	s7 =	sor.u32 s29, s7;
	s4 =	sadd.s32 s4, s2  }
0xd: {  	s7 =	sshrl.u32 s7, $0x3;
	s5 =	sadd.s32 $0x3800, s8;
	s8 =	simm.s32 $0x280  }
0xe: {  	v0 =	vimm.f32 $0.0e+00;
	v1 =	vimm.f32 $1.000000000e+00;
	s6 =	sadd.s32 s6, s7;
	s7 =	smax.u32 s31, $0x1;
	s14 =	sshrl.u32 s4, $0x3  }
.LBB2_1:
0xf: {  	s16 =	simm.s32 $0x40;
	s17 =	simm.s32 $0x0  }
.LBB2_2:
0x10: {  	p0 =	sne.s32 s16, $0x9C0;
	[tilespmem:s17+$0x280] =	vst v0;
	s18 =	smov.u32 s16;
	s16 =	sadd.s32 $0x40, s16  }
.Ltmp0:
0x11: {  	[tilespmem:s17+$0x1900] =	vst v1;
	(pc) =	sbr.rel @p0 .LBB2_2-.Ltmp0, $2  }
0x12: {  	_ =	sdelay $0x2  }
0x13: {  	s17 =	sshra.s32 s18, $0x2  }
0x14: {  	[tilespmem:s17+$0x280] =	vst v0  }
0x15: {  	[tilespmem:s17+$0x1900] =	vst v1  }
0x16: {  	[spmem:s4] =	stream.linear.scatter [tilespmem:s8], [sflag:$0x1], $0x280, $0x38;
	[tilespmem:$0x1B80] =	vst v63  }
0x17: {  	_ =	swait.ge [sflag:s9], $0x280  }
0x18: {  	[sflag:s9] =	ssyncset.done $0x0  }
0x19: {  	[sflag:s9] =	ssyncadd.s32 $0xFFFFFD80  }
0x1a: {  	s16 =	simm.s32 $0x0;
	[bflag:$0x0] =	sbarrier.arrive $0xFFFF  }
0x1b: {  	[tilespmem:s10], [sflag:$0x1] =	stream.linear.gather [hbm4b:s5+s16], $0x1400, $0x38;
	[tilespmem:$0x1B80] =	vst v63  }
0x1c: {  	_ =	swait.ge [sflag:s9], $0x1400  }
0x1d: {  	[sflag:s9] =	ssyncset.done $0x0  }
0x1e: {  	s31 =	simm.s32 $0x500;
	[sflag:s9] =	ssyncadd.s32 $0xFFFFEC00  }
0x1f: {  	[spmem:s2] =	stream.indirect.scatter.add.f32 [tilespmem:s12], [sflag:$0x1], $0x1, s31, s11, $0xb8;
	[tilespmem:$0x1B80] =	vst v63  }
0x20: {  	s16 =	simm.s32 $0x200;
	_ =	swait.ge [sflag:s9], $0x80  }
.LBB2_4:
0x21: {  	s17 =	sshra.s32 s16, $0x2;
	[sflag:s9] =	ssyncset.done $0x0;
	p0 =	sne.s32 s16, $0x4E00  }
.Ltmp1:
0x22: {  	s17 =	sadd.s32 $0x500, s17;
	[sflag:s9] =	ssyncadd.s32 $0xFFFFFF80;
	(pc) =	sbr.rel @p0 .LBB2_4-.Ltmp1, $3  }
0x23: {  	[spmem:s2] =	stream.indirect.scatter.add.f32 [tilespmem:s12], [sflag:$0x1], $0x1, s17, s11, $0xb8;
	[tilespmem:$0x1B80] =	vst v63  }
0x24: {  	s16 =	sadd.s32 $0x200, s16;
	_ =	sdelay $0x1  }
0x25: {  	_ =	swait.ge [sflag:s9], $0x80  }
0x26: {  	[sflag:s9] =	ssyncset.done $0x0;
	s3 =	sadd.s32 $0x1, s3  }
0x27: {  	[sflag:s9] =	ssyncadd.s32 $0xFFFFFF80;
	p0 =	sne.s32 s3, s7  }
.Ltmp2:
0x28: {  	[bflag:$0x0] =	sbarrier.arrive $0xFFFF;
	(pc) =	sbr.rel @p0 .LBB2_1-.Ltmp2, $4  }
0x29: {  	[hbm:s6@s11], [sflag:s13] =	dma.strided [spmem:s14@s15], $0x50, s9, $0x10   }
0x2a: {  	_ =	swait.ge [sflag:s9], $0x50  }
0x2b: {  	[sflag:s9] =	ssyncset.done $0x0  }
0x2c: {  	[sflag:s9] =	ssyncadd.s32 $0xFFFFFFB0  }
0x2d: {  	_ =	sfence.sel $0x180000  }
0x2e: {  	[bflag:$0x0] =	sbarrier.arrive $0xFFFF  }
0x2f: {  	p0 =	sne.s32 s1, $0x0;
	_ =	strace $0x90000047  }
0x30: {  	s0 =	sadd.s32 @!p0 $0x100000, s0;
	[bflag:$0x2] =	sbarrier.arrive $0xFFFF  }
0x31: {  	[sflag:s0] =	ssyncadd.tile.s32 @!p0 $0x1;
	_ =	shalt  }
.Lfunc_end2:
_tile_overlayer_lowered:
.L_overlay_start_2:
0x32: {  	(tag) =	ssettag $0x2  }
0x33: {  	s0 =	rddreg [dreg:$0x0];
	s2 =	stileid.u32  }
0x34: {  	s1 =	rddreg [dreg:$0x1];
	p0 =	sne.s32 s2, $0x0  }
0x35: {  	s3 =	rddreg [dreg:$0x2];
	[bflag:$0x3] =	sbarrier.arrive $0xFFFF;
	s2 =	simm.s32 @!p0 $0x1C01  }
0x36: {  	[timem:s3], [sflag:s2] =	dma.local @!p0 [hbm:s0], s1  }
0x37: {  	s0 =	simm.s32 @!p0 $0x1  }
0x38: {  	_ =	swait.ge @!p0 [sflag:s0], s1  }
0x39: {  	s1 =	ssub.s32 @!p0 $0x0, s1;
	[sflag:s0] =	ssyncset.done @!p0 $0x0  }
0x3a: {  	[sflag:s0] =	ssyncadd.s32 @!p0 s1  }
0x3b: {  	[bflag:$0x3] =	sbarrier.arrive $0xFFFF  }
0x3c: {  	_ =	shalt  }

</sc_bundles>
